<compile_context>
chip_gen: v7x
topology: tpu7x:2x2x1
jax: 0.10.2.dev20260603
libtpu: 0.0.44.dev20260713+nightly
codegen_flags: <defaults>
</compile_context>

<pallas_src>
import functools

import jax
import jax.numpy as jnp
from jax import lax
from jax.experimental import pallas as pl
from jax.experimental.pallas import tpu as pltpu
from jax.experimental.pallas import tpu_sc as plsc

N_NODES = 10000
N_EDGES = 320000
IN_FEAT = 128
HIDDEN = 128
NUM_CLASSES = 16
HALF = HIDDEN // 2

NC = 2
NS = 16
NW = NC * NS
EPT = N_EDGES // NW
K_CHUNK = 128
CPT = 80
EPT_PAD = CPT * K_CHUNK
E_PAD = NW * EPT_PAD
CPH = 80
CPT_F = 2 * CPH
E_PAD_F = NS * CPT_F * K_CHUNK
N_ACC = N_NODES + 16
ROWS_PT = 624
ROWS_REM = N_NODES - NS * ROWS_PT
REM_BASE = NS * ROWS_PT

_MESH = plsc.VectorSubcoreMesh(core_axis_name="c", subcore_axis_name="s")


@functools.partial(
    pl.kernel,
    out_type=jax.ShapeDtypeStruct((10, NW, 1000), jnp.float32),
    mesh=_MESH,
    scratch_types=[
        pltpu.VMEM((EPT,), jnp.int32),
        pltpu.VMEM((N_NODES,), jnp.float32),
    ],
    compiler_params=pltpu.CompilerParams(needs_layout_passes=False,
                                         use_tc_tiling_on_sc=False),
)
def _deg_kernel(dst_hbm, out_hbm, idx_v, deg_v):
    c = lax.axis_index("c")
    s = lax.axis_index("s")
    wid = c * NS + s
    base = wid * EPT
    pltpu.sync_copy(dst_hbm.at[pl.ds(base, EPT)], idx_v)

    zeros16 = jnp.zeros((16,), jnp.float32)

    def zero_body(i, carry):
        deg_v[pl.ds(i * 16, 16)] = zeros16
        return carry

    lax.fori_loop(0, N_NODES // 16, zero_body, 0)

    ones16 = jnp.ones((16,), jnp.float32)

    def add_body(i, carry):
        idx = idx_v[pl.ds(i * 16, 16)]
        plsc.addupdate_scatter(deg_v, [idx], ones16)
        return carry

    lax.fori_loop(0, EPT // 16, add_body, 0)
    for i in range(10):
        pltpu.sync_copy(deg_v.at[pl.ds(i * 1000, 1000)], out_hbm.at[i, wid])


def _make_edge_scatter(feat, npass):
    @functools.partial(
        pl.kernel,
        out_type=jax.ShapeDtypeStruct((npass, NC, N_NODES, feat), jnp.float32),
        mesh=_MESH,
        compiler_params=pltpu.CompilerParams(use_tc_tiling_on_sc=False),
        scratch_types=[
            pltpu.VMEM((CPT, K_CHUNK), jnp.int32),
            pltpu.VMEM((CPT, K_CHUNK), jnp.int32),
            pltpu.VMEM((2, K_CHUNK, feat), jnp.float32),
            pltpu.VMEM_SHARED((N_NODES, feat), jnp.float32),
            pltpu.VMEM_SHARED((N_ACC, feat), jnp.float32),
            pltpu.SemaphoreType.DMA,
            pltpu.SemaphoreType.DMA,
        ],
    )
    def edge_kernel(y_hbm, src_hbm, dst_hbm, zeros_hbm, out_hbm,
                    sidx, didx, rows, y_s, acc, sem0, sem1):
        c = lax.axis_index("c")
        s = lax.axis_index("s")
        wid = c * NS + s
        rbase = s * ROWS_PT

        pltpu.sync_copy(src_hbm.at[wid], sidx)
        pltpu.sync_copy(dst_hbm.at[wid], didx)

        def fire(g, buf, sem):
            pltpu.async_copy(y_s.at[sidx.at[g]], rows.at[buf], sem)

        def wait(g, buf, sem):
            pltpu.make_async_copy(y_s.at[sidx.at[g]], rows.at[buf], sem).wait()

        def scatter(g, buf):
            pltpu.sync_copy(rows.at[buf], acc.at[didx.at[g]], add=True)

        for p in range(npass):
            pltpu.sync_copy(y_hbm.at[p, pl.ds(rbase, ROWS_PT)],
                            y_s.at[pl.ds(rbase, ROWS_PT)])

            @pl.when(c == 0)
            def _():
                pltpu.sync_copy(y_hbm.at[p, pl.ds(rbase, ROWS_PT)],
                                acc.at[pl.ds(rbase, ROWS_PT)])

            @pl.when(c != 0)
            def _():
                pltpu.sync_copy(zeros_hbm, acc.at[pl.ds(rbase, ROWS_PT)])

            @pl.when(s == NS - 1)
            def _():
                pltpu.sync_copy(y_hbm.at[p, pl.ds(REM_BASE, ROWS_REM)],
                                y_s.at[pl.ds(REM_BASE, ROWS_REM)])

                @pl.when(c == 0)
                def _():
                    pltpu.sync_copy(y_hbm.at[p, pl.ds(REM_BASE, ROWS_REM)],
                                    acc.at[pl.ds(REM_BASE, ROWS_REM)])

                @pl.when(c != 0)
                def _():
                    pltpu.sync_copy(zeros_hbm.at[pl.ds(0, ROWS_REM)],
                                    acc.at[pl.ds(REM_BASE, ROWS_REM)])

            plsc.subcore_barrier()

            fire(0, 0, sem0)

            def body(q, carry):
                g0 = 2 * q
                g1 = g0 + 1
                fire(g1, 1, sem1)
                wait(g0, 0, sem0)
                scatter(g0, 0)

                @pl.when(g1 + 1 < CPT)
                def _():
                    fire(g1 + 1, 0, sem0)

                wait(g1, 1, sem1)
                scatter(g1, 1)
                return carry

            lax.fori_loop(0, CPT // 2, body, 0)
            plsc.subcore_barrier()
            pltpu.sync_copy(acc.at[pl.ds(rbase, ROWS_PT)],
                            out_hbm.at[p, c, pl.ds(rbase, ROWS_PT)])

            @pl.when(s == NS - 1)
            def _():
                pltpu.sync_copy(acc.at[pl.ds(REM_BASE, ROWS_REM)],
                                out_hbm.at[p, c, pl.ds(REM_BASE, ROWS_REM)])

    return edge_kernel


_edge_scatter_16 = _make_edge_scatter(NUM_CLASSES, 1)


@functools.partial(
    pl.kernel,
    out_type=jax.ShapeDtypeStruct((NC, N_NODES, HALF), jnp.float32),
    mesh=_MESH,
    compiler_params=pltpu.CompilerParams(use_tc_tiling_on_sc=False),
    scratch_types=[
        pltpu.VMEM((CPH, K_CHUNK), jnp.int32),
        pltpu.VMEM((CPH, K_CHUNK), jnp.int32),
        pltpu.VMEM((2, K_CHUNK, HALF), jnp.float32),
        pltpu.VMEM_SHARED((N_NODES, HALF), jnp.float32),
        pltpu.VMEM_SHARED((N_ACC, HALF), jnp.float32),
        pltpu.SemaphoreType.DMA,
        pltpu.SemaphoreType.DMA,
    ],
)
def _edge_scatter_fsplit(y_hbm, src_hbm, dst_hbm, out_hbm,
                         sidx, didx, rows, y_s, acc, sem0, sem1):
    c = lax.axis_index("c")
    s = lax.axis_index("s")
    rbase = s * ROWS_PT

    pltpu.sync_copy(y_hbm.at[c, pl.ds(rbase, ROWS_PT)],
                    y_s.at[pl.ds(rbase, ROWS_PT)])
    pltpu.sync_copy(y_hbm.at[c, pl.ds(rbase, ROWS_PT)],
                    acc.at[pl.ds(rbase, ROWS_PT)])

    @pl.when(s == NS - 1)
    def _():
        pltpu.sync_copy(y_hbm.at[c, pl.ds(REM_BASE, ROWS_REM)],
                        y_s.at[pl.ds(REM_BASE, ROWS_REM)])
        pltpu.sync_copy(y_hbm.at[c, pl.ds(REM_BASE, ROWS_REM)],
                        acc.at[pl.ds(REM_BASE, ROWS_REM)])

    plsc.subcore_barrier()

    def fire(g, buf, sem):
        pltpu.async_copy(y_s.at[sidx.at[g]], rows.at[buf], sem)

    def wait(g, buf, sem):
        pltpu.make_async_copy(y_s.at[sidx.at[g]], rows.at[buf], sem).wait()

    def scatter(g, buf):
        pltpu.sync_copy(rows.at[buf], acc.at[didx.at[g]], add=True)

    def body(q, carry):
        g0 = 2 * q
        g1 = g0 + 1
        fire(g1, 1, sem1)
        wait(g0, 0, sem0)
        scatter(g0, 0)

        @pl.when(g1 + 1 < CPH)
        def _():
            fire(g1 + 1, 0, sem0)

        wait(g1, 1, sem1)
        scatter(g1, 1)
        return carry

    for h in range(2):
        pltpu.sync_copy(src_hbm.at[s, pl.ds(h * CPH, CPH)], sidx)
        pltpu.sync_copy(dst_hbm.at[s, pl.ds(h * CPH, CPH)], didx)
        fire(0, 0, sem0)
        lax.fori_loop(0, CPH // 2, body, 0)

    plsc.subcore_barrier()
    pltpu.sync_copy(acc.at[pl.ds(rbase, ROWS_PT)],
                    out_hbm.at[c, pl.ds(rbase, ROWS_PT)])

    @pl.when(s == NS - 1)
    def _():
        pltpu.sync_copy(acc.at[pl.ds(REM_BASE, ROWS_REM)],
                        out_hbm.at[c, pl.ds(REM_BASE, ROWS_REM)])


_BLK = 1000
_GRID = N_NODES // _BLK

_DINV_SPEC = pl.BlockSpec((1, 1, _BLK), lambda i: (i, 0, 0))


def _dinv_block(dinv_ref):
    return dinv_ref[...].reshape(_BLK)


def _tc_y1_body(degp_ref, x_ref, w1_ref, y_ref, dinv_ref):
    deg = jnp.sum(degp_ref[0], axis=0) + 1.0
    dinv = lax.rsqrt(deg)
    z = jnp.dot(x_ref[...], w1_ref[...], preferred_element_type=jnp.float32)
    y = z * dinv[:, None]
    y_ref[0] = y[:, :HALF]
    y_ref[1] = y[:, HALF:]
    dinv_ref[...] = dinv[None, None, :]


def _tc_y1(degp, x, w1):
    return pl.pallas_call(
        _tc_y1_body,
        grid=(_GRID,),
        in_specs=[
            pl.BlockSpec((1, NW, _BLK), lambda i: (i, 0, 0)),
            pl.BlockSpec((_BLK, IN_FEAT), lambda i: (i, 0)),
            pl.BlockSpec((IN_FEAT, HIDDEN), lambda i: (0, 0)),
        ],
        out_specs=[
            pl.BlockSpec((2, _BLK, HALF), lambda i: (0, i, 0)),
            pl.BlockSpec((1, 1, _BLK), lambda i: (i, 0, 0)),
        ],
        out_shape=[
            jax.ShapeDtypeStruct((2, N_NODES, HALF), jnp.float32),
            jax.ShapeDtypeStruct((_GRID, 1, _BLK), jnp.float32),
        ],
    )(degp, x, w1)


def _tc_mid_body(acc_ref, dinv_ref, w2_ref, w3_ref, y2_ref):
    dinv = _dinv_block(dinv_ref)
    h = jnp.concatenate([acc_ref[0], acc_ref[1]], axis=1) * dinv[:, None]
    h = jnp.maximum(h, 0.0)
    w23 = jnp.dot(w2_ref[...], w3_ref[...], preferred_element_type=jnp.float32)
    y2_ref[0] = jnp.dot(h, w23, preferred_element_type=jnp.float32) * dinv[:, None]


def _tc_mid(acc, dinv, w2, w3):
    return pl.pallas_call(
        _tc_mid_body,
        grid=(_GRID,),
        in_specs=[
            pl.BlockSpec((NC, _BLK, HALF), lambda i: (0, i, 0)),
            _DINV_SPEC,
            pl.BlockSpec((HIDDEN, HIDDEN), lambda i: (0, 0)),
            pl.BlockSpec((HIDDEN, NUM_CLASSES), lambda i: (0, 0)),
        ],
        out_specs=pl.BlockSpec((1, _BLK, NUM_CLASSES), lambda i: (0, i, 0)),
        out_shape=jax.ShapeDtypeStruct((1, N_NODES, NUM_CLASSES), jnp.float32),
    )(acc, dinv, w2, w3)


def _tc_out_body(acc_ref, dinv_ref, o_ref):
    dinv = _dinv_block(dinv_ref)
    o_ref[...] = (acc_ref[0, 0] + acc_ref[0, 1]) * dinv[:, None]


def _tc_out(acc, dinv):
    return pl.pallas_call(
        _tc_out_body,
        grid=(_GRID,),
        in_specs=[
            pl.BlockSpec((1, NC, _BLK, NUM_CLASSES), lambda i: (0, 0, i, 0)),
            _DINV_SPEC,
        ],
        out_specs=pl.BlockSpec((_BLK, NUM_CLASSES), lambda i: (i, 0)),
        out_shape=jax.ShapeDtypeStruct((N_NODES, NUM_CLASSES), jnp.float32),
    )(acc, dinv)


def kernel(x, edge_index, W1, W2, W3):
    src = edge_index[0].astype(jnp.int32)
    dst = edge_index[1].astype(jnp.int32)
    src_p = jnp.concatenate(
        [src, jnp.zeros((E_PAD - N_EDGES,), jnp.int32)]).reshape(NW, CPT, K_CHUNK)
    dst_p = jnp.concatenate(
        [dst, jnp.full((E_PAD - N_EDGES,), N_NODES, jnp.int32)]).reshape(NW, CPT, K_CHUNK)
    src_f = jnp.concatenate(
        [src, jnp.zeros((E_PAD_F - N_EDGES,), jnp.int32)]).reshape(NS, CPT_F, K_CHUNK)
    dst_f = jnp.concatenate(
        [dst, jnp.full((E_PAD_F - N_EDGES,), N_NODES, jnp.int32)]).reshape(NS, CPT_F, K_CHUNK)
    zeros16 = jnp.zeros((ROWS_PT, NUM_CLASSES), jnp.float32)

    degp = _deg_kernel(dst)
    y1, dinv = _tc_y1(degp, x, W1)
    acc1 = _edge_scatter_fsplit(y1, src_f, dst_f)
    y2 = _tc_mid(acc1, dinv, W2, W3)
    acc2 = _edge_scatter_16(y2, src_p, dst_p, zeros16)
    return _tc_out(acc2, dinv)

# --- scband reference (transcript-rebuilt; emitter-appended) ---
"""Pipeline reference for scband-gat-41832981463436 (READ-ONLY COPY).

The authoritative reference and input builder live on the scoring server;
editing this copy changes nothing except your own understanding.
"""

import jax, jax.numpy as jnp
import numpy as np

N_NODES = 10000
IN_FEAT = 128
HIDDEN = 128
NUM_CLASSES = 16


def setup_inputs(seed: int = 0) -> dict:
    key = jax.random.key(seed)
    k1, k2, k3, k4, k5 = jax.random.split(key, 5)
    x = jax.random.normal(k1, (N_NODES, IN_FEAT), dtype=jnp.float32)
    edge_index = jax.random.randint(k2, (2, 320000), 0, N_NODES, dtype=jnp.int64)
    # GCNConv weights (glorot-ish init), bias=False in all layers
    W1 = jax.random.normal(k3, (IN_FEAT, HIDDEN), dtype=jnp.float32) * (1.0 / np.sqrt(IN_FEAT))
    W2 = jax.random.normal(k4, (HIDDEN, HIDDEN), dtype=jnp.float32) * (1.0 / np.sqrt(HIDDEN))
    W3 = jax.random.normal(k5, (HIDDEN, NUM_CLASSES), dtype=jnp.float32) * (1.0 / np.sqrt(HIDDEN))
    return {"x": x, "edge_index": edge_index, "W1": W1, "W2": W2, "W3": W3}


def _gcn_conv(x, edge_index, W, n_nodes):
    # PyG GCNConv: add self-loops, symmetric normalization D^-1/2 (A+I) D^-1/2, then linear
    src = edge_index[0]
    dst = edge_index[1]
    loop = jnp.arange(n_nodes, dtype=edge_index.dtype)
    src = jnp.concatenate([src, loop])
    dst = jnp.concatenate([dst, loop])
    ones = jnp.ones(src.shape[0], dtype=x.dtype)
    deg = jnp.zeros((n_nodes,), dtype=x.dtype).at[dst].add(ones)
    deg_inv_sqrt = jnp.where(deg > 0, jax.lax.rsqrt(deg), 0.0)
    norm = deg_inv_sqrt[src] * deg_inv_sqrt[dst]
    h = x @ W
    msg = h[src] * norm[:, None]
    out = jnp.zeros((n_nodes, W.shape[1]), dtype=x.dtype).at[dst].add(msg)
    return out


def reference(x, edge_index, W1, W2, W3):
    n_nodes = x.shape[0]
    h = _gcn_conv(x.astype(jnp.float32), edge_index, W1, n_nodes)
    h = jax.nn.relu(h)
    h = _gcn_conv(h, edge_index, W2, n_nodes)
    # F.dropout(p=0.5, training=self.training) is identity in eval mode
    out = h @ W3
    return out

if __name__ == "__main__":
    import jax
    _d = setup_inputs()
    print(jax.jit(kernel)(*tuple(_d.values())))

</pallas_src>

<mosaic_0001>
#map = affine_map<(d0, d1) -> (0, 0, 0)>
module attributes {stable_mosaic.version = 14 : i64} {
  func.func @_edge_scatter_fsplit(%arg0: i32, %arg1: i32, %arg2: memref<2x10000x64xf32, #tpu.memory_space<hbm>>, %arg3: memref<16x160x128xi32, #tpu.memory_space<hbm>>, %arg4: memref<16x160x128xi32, #tpu.memory_space<hbm>>, %arg5: memref<2x10000x64xf32, #tpu.memory_space<hbm>>, %arg6: memref<80x128xi32, #tpu.memory_space<vmem>>, %arg7: memref<80x128xi32, #tpu.memory_space<vmem>>, %arg8: memref<2x128x64xf32, #tpu.memory_space<vmem>>, %arg9: memref<10000x64xf32, #tpu.memory_space<vmem_shared>>, %arg10: memref<10016x64xf32, #tpu.memory_space<vmem_shared>>, %arg11: memref<!tpu.dma_semaphore, #tpu.memory_space<semaphore_mem>>, %arg12: memref<!tpu.dma_semaphore, #tpu.memory_space<semaphore_mem>>) attributes {dimension_semantics = [#tpu.dimension_semantics<core_parallel>, #tpu.dimension_semantics<subcore_parallel>], iteration_bounds = array<i64: 2, 16>, scalar_prefetch = 0 : i64, scratch_operands = 7 : i64, tpu.core_type = #tpu.core_type<sc_vector_subcore>, window_params = [{transform_indices = #map}, {transform_indices = #map}, {transform_indices = #map}, {transform_indices = #map}]} {
    %mul3A = arith.constant 624 : i32
    %mul3A_0 = arith.muli %arg1, %mul3A : i32
    "tpu.region"() ({
      %run_scoped3A = tpu.sem_alloc : memref<!tpu.dma_semaphore, #tpu.memory_space<semaphore_mem>>
      %dma_start3A_43 = arith.constant 0 : i32
      %dma_start3A_44 = tpu.memref_slice %arg9[%mul3A_0, %dma_start3A_43] : memref<10000x64xf32, #tpu.memory_space<vmem_shared>> -> memref<624x64xf32, #tpu.memory_space<vmem_shared>>
      %dma_start3A_45 = arith.constant 0 : i32
      %dma_start3A_46 = tpu.memref_slice %arg2[%arg0, %mul3A_0, %dma_start3A_45] : memref<2x10000x64xf32, #tpu.memory_space<hbm>> -> memref<1x624x64xf32, #tpu.memory_space<hbm>>
      %dma_start3A_47 = tpu.memref_squeeze %dma_start3A_46 : memref<1x624x64xf32, #tpu.memory_space<hbm>> -> memref<624x64xf32, #tpu.memory_space<hbm>>
      tpu.enqueue_dma source(%dma_start3A_47 : memref<624x64xf32, #tpu.memory_space<hbm>>) target(%dma_start3A_44 : memref<624x64xf32, #tpu.memory_space<vmem_shared>>) target_semaphore(%run_scoped3A : memref<!tpu.dma_semaphore, #tpu.memory_space<semaphore_mem>>)
      %dma_wait3A = arith.constant 0 : i32
      %dma_wait3A_48 = tpu.memref_slice %arg9[%mul3A_0, %dma_wait3A] : memref<10000x64xf32, #tpu.memory_space<vmem_shared>> -> memref<624x64xf32, #tpu.memory_space<vmem_shared>>
      %dma_wait3A_49 = arith.constant 0 : i32
      %dma_wait3A_50 = tpu.memref_slice %arg2[%arg0, %mul3A_0, %dma_wait3A_49] : memref<2x10000x64xf32, #tpu.memory_space<hbm>> -> memref<1x624x64xf32, #tpu.memory_space<hbm>>
      %dma_wait3A_51 = tpu.memref_squeeze %dma_wait3A_50 : memref<1x624x64xf32, #tpu.memory_space<hbm>> -> memref<624x64xf32, #tpu.memory_space<hbm>>
      tpu.wait_dma2 semaphore(%run_scoped3A : memref<!tpu.dma_semaphore, #tpu.memory_space<semaphore_mem>>) src(%dma_wait3A_51 : memref<624x64xf32, #tpu.memory_space<hbm>>) dst(%dma_wait3A_48 : memref<624x64xf32, #tpu.memory_space<vmem_shared>>)
      tpu.yield
    }) : () -> ()
    "tpu.region"() ({
      %run_scoped3A = tpu.sem_alloc : memref<!tpu.dma_semaphore, #tpu.memory_space<semaphore_mem>>
      %dma_start3A_43 = arith.constant 0 : i32
      %dma_start3A_44 = tpu.memref_slice %arg10[%mul3A_0, %dma_start3A_43] : memref<10016x64xf32, #tpu.memory_space<vmem_shared>> -> memref<624x64xf32, #tpu.memory_space<vmem_shared>>
      %dma_start3A_45 = arith.constant 0 : i32
      %dma_start3A_46 = tpu.memref_slice %arg2[%arg0, %mul3A_0, %dma_start3A_45] : memref<2x10000x64xf32, #tpu.memory_space<hbm>> -> memref<1x624x64xf32, #tpu.memory_space<hbm>>
      %dma_start3A_47 = tpu.memref_squeeze %dma_start3A_46 : memref<1x624x64xf32, #tpu.memory_space<hbm>> -> memref<624x64xf32, #tpu.memory_space<hbm>>
      tpu.enqueue_dma source(%dma_start3A_47 : memref<624x64xf32, #tpu.memory_space<hbm>>) target(%dma_start3A_44 : memref<624x64xf32, #tpu.memory_space<vmem_shared>>) target_semaphore(%run_scoped3A : memref<!tpu.dma_semaphore, #tpu.memory_space<semaphore_mem>>)
      %dma_wait3A = arith.constant 0 : i32
      %dma_wait3A_48 = tpu.memref_slice %arg10[%mul3A_0, %dma_wait3A] : memref<10016x64xf32, #tpu.memory_space<vmem_shared>> -> memref<624x64xf32, #tpu.memory_space<vmem_shared>>
      %dma_wait3A_49 = arith.constant 0 : i32
      %dma_wait3A_50 = tpu.memref_slice %arg2[%arg0, %mul3A_0, %dma_wait3A_49] : memref<2x10000x64xf32, #tpu.memory_space<hbm>> -> memref<1x624x64xf32, #tpu.memory_space<hbm>>
      %dma_wait3A_51 = tpu.memref_squeeze %dma_wait3A_50 : memref<1x624x64xf32, #tpu.memory_space<hbm>> -> memref<624x64xf32, #tpu.memory_space<hbm>>
      tpu.wait_dma2 semaphore(%run_scoped3A : memref<!tpu.dma_semaphore, #tpu.memory_space<semaphore_mem>>) src(%dma_wait3A_51 : memref<624x64xf32, #tpu.memory_space<hbm>>) dst(%dma_wait3A_48 : memref<624x64xf32, #tpu.memory_space<vmem_shared>>)
      tpu.yield
    }) : () -> ()
    %eq3A = arith.constant 15 : i32
    %eq3A_1 = arith.cmpi eq, %arg1, %eq3A : i32
    %convert_element_type3A = arith.extui %eq3A_1 : i1 to i32
    %cond3A = arith.constant 0 : i32
    %cond3A_2 = arith.cmpi ne, %convert_element_type3A, %cond3A : i32
    scf.if %cond3A_2 {
      "tpu.region"() ({
        %run_scoped3A = tpu.sem_alloc : memref<!tpu.dma_semaphore, #tpu.memory_space<semaphore_mem>>
        %dma_start3A_43 = arith.constant 9984 : i32
        %dma_start3A_44 = arith.constant 0 : i32
        %dma_start3A_45 = tpu.memref_slice %arg9[%dma_start3A_43, %dma_start3A_44] : memref<10000x64xf32, #tpu.memory_space<vmem_shared>> -> memref<16x64xf32, #tpu.memory_space<vmem_shared>>
        %dma_start3A_46 = arith.constant 9984 : i32
        %dma_start3A_47 = arith.constant 0 : i32
        %dma_start3A_48 = tpu.memref_slice %arg2[%arg0, %dma_start3A_46, %dma_start3A_47] : memref<2x10000x64xf32, #tpu.memory_space<hbm>> -> memref<1x16x64xf32, #tpu.memory_space<hbm>>
        %dma_start3A_49 = tpu.memref_squeeze %dma_start3A_48 : memref<1x16x64xf32, #tpu.memory_space<hbm>> -> memref<16x64xf32, #tpu.memory_space<hbm>>
        tpu.enqueue_dma source(%dma_start3A_49 : memref<16x64xf32, #tpu.memory_space<hbm>>) target(%dma_start3A_45 : memref<16x64xf32, #tpu.memory_space<vmem_shared>>) target_semaphore(%run_scoped3A : memref<!tpu.dma_semaphore, #tpu.memory_space<semaphore_mem>>)
        %dma_wait3A = arith.constant 9984 : i32
        %dma_wait3A_50 = arith.constant 0 : i32
        %dma_wait3A_51 = tpu.memref_slice %arg9[%dma_wait3A, %dma_wait3A_50] : memref<10000x64xf32, #tpu.memory_space<vmem_shared>> -> memref<16x64xf32, #tpu.memory_space<vmem_shared>>
        %dma_wait3A_52 = arith.constant 9984 : i32
        %dma_wait3A_53 = arith.constant 0 : i32
        %dma_wait3A_54 = tpu.memref_slice %arg2[%arg0, %dma_wait3A_52, %dma_wait3A_53] : memref<2x10000x64xf32, #tpu.memory_space<hbm>> -> memref<1x16x64xf32, #tpu.memory_space<hbm>>
        %dma_wait3A_55 = tpu.memref_squeeze %dma_wait3A_54 : memref<1x16x64xf32, #tpu.memory_space<hbm>> -> memref<16x64xf32, #tpu.memory_space<hbm>>
        tpu.wait_dma2 semaphore(%run_scoped3A : memref<!tpu.dma_semaphore, #tpu.memory_space<semaphore_mem>>) src(%dma_wait3A_55 : memref<16x64xf32, #tpu.memory_space<hbm>>) dst(%dma_wait3A_51 : memref<16x64xf32, #tpu.memory_space<vmem_shared>>)
        tpu.yield
      }) : () -> ()
      "tpu.region"() ({
        %run_scoped3A = tpu.sem_alloc : memref<!tpu.dma_semaphore, #tpu.memory_space<semaphore_mem>>
        %dma_start3A_43 = arith.constant 9984 : i32
        %dma_start3A_44 = arith.constant 0 : i32
        %dma_start3A_45 = tpu.memref_slice %arg10[%dma_start3A_43, %dma_start3A_44] : memref<10016x64xf32, #tpu.memory_space<vmem_shared>> -> memref<16x64xf32, #tpu.memory_space<vmem_shared>>
        %dma_start3A_46 = arith.constant 9984 : i32
        %dma_start3A_47 = arith.constant 0 : i32
        %dma_start3A_48 = tpu.memref_slice %arg2[%arg0, %dma_start3A_46, %dma_start3A_47] : memref<2x10000x64xf32, #tpu.memory_space<hbm>> -> memref<1x16x64xf32, #tpu.memory_space<hbm>>
        %dma_start3A_49 = tpu.memref_squeeze %dma_start3A_48 : memref<1x16x64xf32, #tpu.memory_space<hbm>> -> memref<16x64xf32, #tpu.memory_space<hbm>>
        tpu.enqueue_dma source(%dma_start3A_49 : memref<16x64xf32, #tpu.memory_space<hbm>>) target(%dma_start3A_45 : memref<16x64xf32, #tpu.memory_space<vmem_shared>>) target_semaphore(%run_scoped3A : memref<!tpu.dma_semaphore, #tpu.memory_space<semaphore_mem>>)
        %dma_wait3A = arith.constant 9984 : i32
        %dma_wait3A_50 = arith.constant 0 : i32
        %dma_wait3A_51 = tpu.memref_slice %arg10[%dma_wait3A, %dma_wait3A_50] : memref<10016x64xf32, #tpu.memory_space<vmem_shared>> -> memref<16x64xf32, #tpu.memory_space<vmem_shared>>
        %dma_wait3A_52 = arith.constant 9984 : i32
        %dma_wait3A_53 = arith.constant 0 : i32
        %dma_wait3A_54 = tpu.memref_slice %arg2[%arg0, %dma_wait3A_52, %dma_wait3A_53] : memref<2x10000x64xf32, #tpu.memory_space<hbm>> -> memref<1x16x64xf32, #tpu.memory_space<hbm>>
        %dma_wait3A_55 = tpu.memref_squeeze %dma_wait3A_54 : memref<1x16x64xf32, #tpu.memory_space<hbm>> -> memref<16x64xf32, #tpu.memory_space<hbm>>
        tpu.wait_dma2 semaphore(%run_scoped3A : memref<!tpu.dma_semaphore, #tpu.memory_space<semaphore_mem>>) src(%dma_wait3A_55 : memref<16x64xf32, #tpu.memory_space<hbm>>) dst(%dma_wait3A_51 : memref<16x64xf32, #tpu.memory_space<vmem_shared>>)
        tpu.yield
      }) : () -> ()
    } else {
    }
    %barrier3A = arith.constant 0 : index
    tpu.barrier barrier_id(%barrier3A)
    "tpu.region"() ({
      %run_scoped3A = tpu.sem_alloc : memref<!tpu.dma_semaphore, #tpu.memory_space<semaphore_mem>>
      %dma_start3A_43 = arith.constant 0 : i32
      %dma_start3A_44 = arith.constant 0 : i32
      %dma_start3A_45 = tpu.memref_slice %arg3[%arg1, %dma_start3A_43, %dma_start3A_44] : memref<16x160x128xi32, #tpu.memory_space<hbm>> -> memref<1x80x128xi32, #tpu.memory_space<hbm>>
      %dma_start3A_46 = tpu.memref_squeeze %dma_start3A_45 : memref<1x80x128xi32, #tpu.memory_space<hbm>> -> memref<80x128xi32, #tpu.memory_space<hbm>>
      %dma_start3A_47 = arith.constant 0 : i32
      %dma_start3A_48 = arith.constant 0 : i32
      %dma_start3A_49 = tpu.memref_slice %arg3[%arg1, %dma_start3A_47, %dma_start3A_48] : memref<16x160x128xi32, #tpu.memory_space<hbm>> -> memref<1x80x128xi32, #tpu.memory_space<hbm>>
      %dma_start3A_50 = tpu.memref_squeeze %dma_start3A_49 : memref<1x80x128xi32, #tpu.memory_space<hbm>> -> memref<80x128xi32, #tpu.memory_space<hbm>>
      tpu.enqueue_dma source(%dma_start3A_50 : memref<80x128xi32, #tpu.memory_space<hbm>>) target(%arg6 : memref<80x128xi32, #tpu.memory_space<vmem>>) target_semaphore(%run_scoped3A : memref<!tpu.dma_semaphore, #tpu.memory_space<semaphore_mem>>)
      %dma_wait3A = arith.constant 0 : i32
      %dma_wait3A_51 = arith.constant 0 : i32
      %dma_wait3A_52 = tpu.memref_slice %arg3[%arg1, %dma_wait3A, %dma_wait3A_51] : memref<16x160x128xi32, #tpu.memory_space<hbm>> -> memref<1x80x128xi32, #tpu.memory_space<hbm>>
      %dma_wait3A_53 = tpu.memref_squeeze %dma_wait3A_52 : memref<1x80x128xi32, #tpu.memory_space<hbm>> -> memref<80x128xi32, #tpu.memory_space<hbm>>
      %dma_wait3A_54 = arith.constant 0 : i32
      %dma_wait3A_55 = arith.constant 0 : i32
      %dma_wait3A_56 = tpu.memref_slice %arg3[%arg1, %dma_wait3A_54, %dma_wait3A_55] : memref<16x160x128xi32, #tpu.memory_space<hbm>> -> memref<1x80x128xi32, #tpu.memory_space<hbm>>
      %dma_wait3A_57 = tpu.memref_squeeze %dma_wait3A_56 : memref<1x80x128xi32, #tpu.memory_space<hbm>> -> memref<80x128xi32, #tpu.memory_space<hbm>>
      tpu.wait_dma2 semaphore(%run_scoped3A : memref<!tpu.dma_semaphore, #tpu.memory_space<semaphore_mem>>) src(%dma_wait3A_57 : memref<80x128xi32, #tpu.memory_space<hbm>>) dst(%arg6 : memref<80x128xi32, #tpu.memory_space<vmem>>)
      tpu.yield
    }) : () -> ()
    "tpu.region"() ({
      %run_scoped3A = tpu.sem_alloc : memref<!tpu.dma_semaphore, #tpu.memory_space<semaphore_mem>>
      %dma_start3A_43 = arith.constant 0 : i32
      %dma_start3A_44 = arith.constant 0 : i32
      %dma_start3A_45 = tpu.memref_slice %arg4[%arg1, %dma_start3A_43, %dma_start3A_44] : memref<16x160x128xi32, #tpu.memory_space<hbm>> -> memref<1x80x128xi32, #tpu.memory_space<hbm>>
      %dma_start3A_46 = tpu.memref_squeeze %dma_start3A_45 : memref<1x80x128xi32, #tpu.memory_space<hbm>> -> memref<80x128xi32, #tpu.memory_space<hbm>>
      %dma_start3A_47 = arith.constant 0 : i32
      %dma_start3A_48 = arith.constant 0 : i32
      %dma_start3A_49 = tpu.memref_slice %arg4[%arg1, %dma_start3A_47, %dma_start3A_48] : memref<16x160x128xi32, #tpu.memory_space<hbm>> -> memref<1x80x128xi32, #tpu.memory_space<hbm>>
      %dma_start3A_50 = tpu.memref_squeeze %dma_start3A_49 : memref<1x80x128xi32, #tpu.memory_space<hbm>> -> memref<80x128xi32, #tpu.memory_space<hbm>>
      tpu.enqueue_dma source(%dma_start3A_50 : memref<80x128xi32, #tpu.memory_space<hbm>>) target(%arg7 : memref<80x128xi32, #tpu.memory_space<vmem>>) target_semaphore(%run_scoped3A : memref<!tpu.dma_semaphore, #tpu.memory_space<semaphore_mem>>)
      %dma_wait3A = arith.constant 0 : i32
      %dma_wait3A_51 = arith.constant 0 : i32
      %dma_wait3A_52 = tpu.memref_slice %arg4[%arg1, %dma_wait3A, %dma_wait3A_51] : memref<16x160x128xi32, #tpu.memory_space<hbm>> -> memref<1x80x128xi32, #tpu.memory_space<hbm>>
      %dma_wait3A_53 = tpu.memref_squeeze %dma_wait3A_52 : memref<1x80x128xi32, #tpu.memory_space<hbm>> -> memref<80x128xi32, #tpu.memory_space<hbm>>
      %dma_wait3A_54 = arith.constant 0 : i32
      %dma_wait3A_55 = arith.constant 0 : i32
      %dma_wait3A_56 = tpu.memref_slice %arg4[%arg1, %dma_wait3A_54, %dma_wait3A_55] : memref<16x160x128xi32, #tpu.memory_space<hbm>> -> memref<1x80x128xi32, #tpu.memory_space<hbm>>
      %dma_wait3A_57 = tpu.memref_squeeze %dma_wait3A_56 : memref<1x80x128xi32, #tpu.memory_space<hbm>> -> memref<80x128xi32, #tpu.memory_space<hbm>>
      tpu.wait_dma2 semaphore(%run_scoped3A : memref<!tpu.dma_semaphore, #tpu.memory_space<semaphore_mem>>) src(%dma_wait3A_57 : memref<80x128xi32, #tpu.memory_space<hbm>>) dst(%arg7 : memref<80x128xi32, #tpu.memory_space<vmem>>)
      tpu.yield
    }) : () -> ()
    %dma_start3A = arith.constant 0 : i32
    %dma_start3A_3 = arith.constant 0 : i32
    %dma_start3A_4 = arith.constant 0 : i32
    %dma_start3A_5 = arith.constant 0 : i32
    %dma_start3A_6 = tpu.memref_slice %arg8[%dma_start3A_3, %dma_start3A_4, %dma_start3A_5] : memref<2x128x64xf32, #tpu.memory_space<vmem>> -> memref<1x128x64xf32, #tpu.memory_space<vmem>>
    %dma_start3A_7 = tpu.memref_squeeze %dma_start3A_6 : memref<1x128x64xf32, #tpu.memory_space<vmem>> -> memref<128x64xf32, #tpu.memory_space<vmem>>
    %dma_start3A_8 = arith.constant 0 : i32
    %dma_start3A_9 = tpu.memref_slice %arg6[%dma_start3A, %dma_start3A_8] : memref<80x128xi32, #tpu.memory_space<vmem>> -> memref<1x128xi32, #tpu.memory_space<vmem>>
    %dma_start3A_10 = tpu.memref_squeeze %dma_start3A_9 : memref<1x128xi32, #tpu.memory_space<vmem>> -> memref<128xi32, #tpu.memory_space<vmem>>
    %dma_start3A_11 = arith.constant 0 : i32
    %dma_start3A_12 = arith.constant 0 : i32
    %dma_start3A_13 = tpu.memref_slice %arg9[%dma_start3A_11, %dma_start3A_12] : memref<10000x64xf32, #tpu.memory_space<vmem_shared>> -> memref<10000x64xf32, #tpu.memory_space<vmem_shared>>
    tpu.enqueue_indirect_dma source(%dma_start3A_13 : memref<10000x64xf32, #tpu.memory_space<vmem_shared>>) target(%dma_start3A_7 : memref<128x64xf32, #tpu.memory_space<vmem>>) offsets(%dma_start3A_10 : memref<128xi32, #tpu.memory_space<vmem>>) semaphore(%arg11 : memref<!tpu.dma_semaphore, #tpu.memory_space<semaphore_mem>>)
    %scan3A = arith.constant 0 : i32
    %scan3A_14 = arith.constant 0 : i32
    %scan3A_15 = arith.constant 40 : i32
    %scan3A_16 = arith.addi %scan3A_14, %scan3A_15 : i32
    %scan3A_17 = arith.constant 1 : i32
    scf.for %scan3A_43 = %scan3A_14 to %scan3A_16 step %scan3A_17  : i32 {
      %mul3A_44 = arith.constant 2 : i32
      %mul3A_45 = arith.muli %mul3A_44, %scan3A_43 : i32
      %add3A = arith.constant 1 : i32
      %add3A_46 = arith.addi %mul3A_45, %add3A : i32
      %dma_start3A_47 = arith.constant 1 : i32
      %dma_start3A_48 = arith.constant 0 : i32
      %dma_start3A_49 = arith.constant 0 : i32
      %dma_start3A_50 = tpu.memref_slice %arg8[%dma_start3A_47, %dma_start3A_48, %dma_start3A_49] : memref<2x128x64xf32, #tpu.memory_space<vmem>> -> memref<1x128x64xf32, #tpu.memory_space<vmem>>
      %dma_start3A_51 = tpu.memref_squeeze %dma_start3A_50 : memref<1x128x64xf32, #tpu.memory_space<vmem>> -> memref<128x64xf32, #tpu.memory_space<vmem>>
      %dma_start3A_52 = arith.constant 0 : i32
      %dma_start3A_53 = tpu.memref_slice %arg6[%add3A_46, %dma_start3A_52] : memref<80x128xi32, #tpu.memory_space<vmem>> -> memref<1x128xi32, #tpu.memory_space<vmem>>
      %dma_start3A_54 = tpu.memref_squeeze %dma_start3A_53 : memref<1x128xi32, #tpu.memory_space<vmem>> -> memref<128xi32, #tpu.memory_space<vmem>>
      %dma_start3A_55 = arith.constant 0 : i32
      %dma_start3A_56 = arith.constant 0 : i32
      %dma_start3A_57 = tpu.memref_slice %arg9[%dma_start3A_55, %dma_start3A_56] : memref<10000x64xf32, #tpu.memory_space<vmem_shared>> -> memref<10000x64xf32, #tpu.memory_space<vmem_shared>>
      tpu.enqueue_indirect_dma source(%dma_start3A_57 : memref<10000x64xf32, #tpu.memory_space<vmem_shared>>) target(%dma_start3A_51 : memref<128x64xf32, #tpu.memory_space<vmem>>) offsets(%dma_start3A_54 : memref<128xi32, #tpu.memory_space<vmem>>) semaphore(%arg12 : memref<!tpu.dma_semaphore, #tpu.memory_space<semaphore_mem>>)
      %dma_wait3A = arith.constant 0 : i32
      %dma_wait3A_58 = arith.constant 0 : i32
      %dma_wait3A_59 = arith.constant 0 : i32
      %dma_wait3A_60 = tpu.memref_slice %arg8[%dma_wait3A, %dma_wait3A_58, %dma_wait3A_59] : memref<2x128x64xf32, #tpu.memory_space<vmem>> -> memref<1x128x64xf32, #tpu.memory_space<vmem>>
      %dma_wait3A_61 = tpu.memref_squeeze %dma_wait3A_60 : memref<1x128x64xf32, #tpu.memory_space<vmem>> -> memref<128x64xf32, #tpu.memory_space<vmem>>
      %dma_wait3A_62 = arith.constant 0 : i32
      %dma_wait3A_63 = tpu.memref_slice %arg6[%mul3A_45, %dma_wait3A_62] : memref<80x128xi32, #tpu.memory_space<vmem>> -> memref<1x128xi32, #tpu.memory_space<vmem>>
      %dma_wait3A_64 = tpu.memref_squeeze %dma_wait3A_63 : memref<1x128xi32, #tpu.memory_space<vmem>> -> memref<128xi32, #tpu.memory_space<vmem>>
      %dma_wait3A_65 = arith.constant 0 : i32
      %dma_wait3A_66 = arith.constant 0 : i32
      %dma_wait3A_67 = tpu.memref_slice %arg9[%dma_wait3A_65, %dma_wait3A_66] : memref<10000x64xf32, #tpu.memory_space<vmem_shared>> -> memref<10000x64xf32, #tpu.memory_space<vmem_shared>>
      tpu.wait_indirect_dma semaphore(%arg11 : memref<!tpu.dma_semaphore, #tpu.memory_space<semaphore_mem>>) src(%dma_wait3A_67 : memref<10000x64xf32, #tpu.memory_space<vmem_shared>>) dst(%dma_wait3A_61 : memref<128x64xf32, #tpu.memory_space<vmem>>)
      %run_scoped3A = arith.constant 0 : i32
      "tpu.region"() ({
        %run_scoped3A_86 = tpu.sem_alloc : memref<!tpu.dma_semaphore, #tpu.memory_space<semaphore_mem>>
        %dma_start3A_87 = arith.constant 0 : i32
        %dma_start3A_88 = arith.constant 0 : i32
        %dma_start3A_89 = tpu.memref_slice %arg8[%run_scoped3A, %dma_start3A_87, %dma_start3A_88] : memref<2x128x64xf32, #tpu.memory_space<vmem>> -> memref<1x128x64xf32, #tpu.memory_space<vmem>>
        %dma_start3A_90 = tpu.memref_squeeze %dma_start3A_89 : memref<1x128x64xf32, #tpu.memory_space<vmem>> -> memref<128x64xf32, #tpu.memory_space<vmem>>
        %dma_start3A_91 = arith.constant 0 : i32
        %dma_start3A_92 = tpu.memref_slice %arg7[%mul3A_45, %dma_start3A_91] : memref<80x128xi32, #tpu.memory_space<vmem>> -> memref<1x128xi32, #tpu.memory_space<vmem>>
        %dma_start3A_93 = tpu.memref_squeeze %dma_start3A_92 : memref<1x128xi32, #tpu.memory_space<vmem>> -> memref<128xi32, #tpu.memory_space<vmem>>
        %dma_start3A_94 = arith.constant 0 : i32
        %dma_start3A_95 = arith.constant 0 : i32
        %dma_start3A_96 = tpu.memref_slice %arg10[%dma_start3A_94, %dma_start3A_95] : memref<10016x64xf32, #tpu.memory_space<vmem_shared>> -> memref<10016x64xf32, #tpu.memory_space<vmem_shared>>
        tpu.enqueue_indirect_dma source(%dma_start3A_90 : memref<128x64xf32, #tpu.memory_space<vmem>>) target(%dma_start3A_96 : memref<10016x64xf32, #tpu.memory_space<vmem_shared>>) offsets(%dma_start3A_93 : memref<128xi32, #tpu.memory_space<vmem>>) semaphore(%run_scoped3A_86 : memref<!tpu.dma_semaphore, #tpu.memory_space<semaphore_mem>>) {add = true}
        %dma_wait3A_97 = arith.constant 0 : i32
        %dma_wait3A_98 = arith.constant 0 : i32
        %dma_wait3A_99 = tpu.memref_slice %arg8[%run_scoped3A, %dma_wait3A_97, %dma_wait3A_98] : memref<2x128x64xf32, #tpu.memory_space<vmem>> -> memref<1x128x64xf32, #tpu.memory_space<vmem>>
        %dma_wait3A_100 = tpu.memref_squeeze %dma_wait3A_99 : memref<1x128x64xf32, #tpu.memory_space<vmem>> -> memref<128x64xf32, #tpu.memory_space<vmem>>
        %dma_wait3A_101 = arith.constant 0 : i32
        %dma_wait3A_102 = tpu.memref_slice %arg7[%mul3A_45, %dma_wait3A_101] : memref<80x128xi32, #tpu.memory_space<vmem>> -> memref<1x128xi32, #tpu.memory_space<vmem>>
        %dma_wait3A_103 = tpu.memref_squeeze %dma_wait3A_102 : memref<1x128xi32, #tpu.memory_space<vmem>> -> memref<128xi32, #tpu.memory_space<vmem>>
        %dma_wait3A_104 = arith.constant 0 : i32
        %dma_wait3A_105 = arith.constant 0 : i32
        %dma_wait3A_106 = tpu.memref_slice %arg10[%dma_wait3A_104, %dma_wait3A_105] : memref<10016x64xf32, #tpu.memory_space<vmem_shared>> -> memref<10016x64xf32, #tpu.memory_space<vmem_shared>>
        tpu.wait_indirect_dma semaphore(%run_scoped3A_86 : memref<!tpu.dma_semaphore, #tpu.memory_space<semaphore_mem>>) src(%dma_wait3A_100 : memref<128x64xf32, #tpu.memory_space<vmem>>) dst(%dma_wait3A_106 : memref<10016x64xf32, #tpu.memory_space<vmem_shared>>)
        tpu.yield
      }) : () -> ()
      %add3A_68 = arith.constant 1 : i32
      %add3A_69 = arith.addi %add3A_46, %add3A_68 : i32
      %lt3A = arith.constant 80 : i32
      %lt3A_70 = arith.cmpi slt, %add3A_69, %lt3A : i32
      %convert_element_type3A_71 = arith.extui %lt3A_70 : i1 to i32
      %cond3A_72 = arith.constant 0 : i32
      %cond3A_73 = arith.cmpi ne, %convert_element_type3A_71, %cond3A_72 : i32
      scf.if %cond3A_73 {
        %add3A_86 = arith.constant 1 : i32
        %add3A_87 = arith.addi %add3A_46, %add3A_86 : i32
        %dma_start3A_88 = arith.constant 0 : i32
        %dma_start3A_89 = arith.constant 0 : i32
        %dma_start3A_90 = arith.constant 0 : i32
        %dma_start3A_91 = tpu.memref_slice %arg8[%dma_start3A_88, %dma_start3A_89, %dma_start3A_90] : memref<2x128x64xf32, #tpu.memory_space<vmem>> -> memref<1x128x64xf32, #tpu.memory_space<vmem>>
        %dma_start3A_92 = tpu.memref_squeeze %dma_start3A_91 : memref<1x128x64xf32, #tpu.memory_space<vmem>> -> memref<128x64xf32, #tpu.memory_space<vmem>>
        %dma_start3A_93 = arith.constant 0 : i32
        %dma_start3A_94 = tpu.memref_slice %arg6[%add3A_87, %dma_start3A_93] : memref<80x128xi32, #tpu.memory_space<vmem>> -> memref<1x128xi32, #tpu.memory_space<vmem>>
        %dma_start3A_95 = tpu.memref_squeeze %dma_start3A_94 : memref<1x128xi32, #tpu.memory_space<vmem>> -> memref<128xi32, #tpu.memory_space<vmem>>
        %dma_start3A_96 = arith.constant 0 : i32
        %dma_start3A_97 = arith.constant 0 : i32
        %dma_start3A_98 = tpu.memref_slice %arg9[%dma_start3A_96, %dma_start3A_97] : memref<10000x64xf32, #tpu.memory_space<vmem_shared>> -> memref<10000x64xf32, #tpu.memory_space<vmem_shared>>
        tpu.enqueue_indirect_dma source(%dma_start3A_98 : memref<10000x64xf32, #tpu.memory_space<vmem_shared>>) target(%dma_start3A_92 : memref<128x64xf32, #tpu.memory_space<vmem>>) offsets(%dma_start3A_95 : memref<128xi32, #tpu.memory_space<vmem>>) semaphore(%arg11 : memref<!tpu.dma_semaphore, #tpu.memory_space<semaphore_mem>>)
      } else {
      }
      %dma_wait3A_74 = arith.constant 1 : i32
      %dma_wait3A_75 = arith.constant 0 : i32
      %dma_wait3A_76 = arith.constant 0 : i32
      %dma_wait3A_77 = tpu.memref_slice %arg8[%dma_wait3A_74, %dma_wait3A_75, %dma_wait3A_76] : memref<2x128x64xf32, #tpu.memory_space<vmem>> -> memref<1x128x64xf32, #tpu.memory_space<vmem>>
      %dma_wait3A_78 = tpu.memref_squeeze %dma_wait3A_77 : memref<1x128x64xf32, #tpu.memory_space<vmem>> -> memref<128x64xf32, #tpu.memory_space<vmem>>
      %dma_wait3A_79 = arith.constant 0 : i32
      %dma_wait3A_80 = tpu.memref_slice %arg6[%add3A_46, %dma_wait3A_79] : memref<80x128xi32, #tpu.memory_space<vmem>> -> memref<1x128xi32, #tpu.memory_space<vmem>>
      %dma_wait3A_81 = tpu.memref_squeeze %dma_wait3A_80 : memref<1x128xi32, #tpu.memory_space<vmem>> -> memref<128xi32, #tpu.memory_space<vmem>>
      %dma_wait3A_82 = arith.constant 0 : i32
      %dma_wait3A_83 = arith.constant 0 : i32
      %dma_wait3A_84 = tpu.memref_slice %arg9[%dma_wait3A_82, %dma_wait3A_83] : memref<10000x64xf32, #tpu.memory_space<vmem_shared>> -> memref<10000x64xf32, #tpu.memory_space<vmem_shared>>
      tpu.wait_indirect_dma semaphore(%arg12 : memref<!tpu.dma_semaphore, #tpu.memory_space<semaphore_mem>>) src(%dma_wait3A_84 : memref<10000x64xf32, #tpu.memory_space<vmem_shared>>) dst(%dma_wait3A_78 : memref<128x64xf32, #tpu.memory_space<vmem>>)
      %run_scoped3A_85 = arith.constant 1 : i32
      "tpu.region"() ({
        %run_scoped3A_86 = tpu.sem_alloc : memref<!tpu.dma_semaphore, #tpu.memory_space<semaphore_mem>>
        %dma_start3A_87 = arith.constant 0 : i32
        %dma_start3A_88 = arith.constant 0 : i32
        %dma_start3A_89 = tpu.memref_slice %arg8[%run_scoped3A_85, %dma_start3A_87, %dma_start3A_88] : memref<2x128x64xf32, #tpu.memory_space<vmem>> -> memref<1x128x64xf32, #tpu.memory_space<vmem>>
        %dma_start3A_90 = tpu.memref_squeeze %dma_start3A_89 : memref<1x128x64xf32, #tpu.memory_space<vmem>> -> memref<128x64xf32, #tpu.memory_space<vmem>>
        %dma_start3A_91 = arith.constant 0 : i32
        %dma_start3A_92 = tpu.memref_slice %arg7[%add3A_46, %dma_start3A_91] : memref<80x128xi32, #tpu.memory_space<vmem>> -> memref<1x128xi32, #tpu.memory_space<vmem>>
        %dma_start3A_93 = tpu.memref_squeeze %dma_start3A_92 : memref<1x128xi32, #tpu.memory_space<vmem>> -> memref<128xi32, #tpu.memory_space<vmem>>
        %dma_start3A_94 = arith.constant 0 : i32
        %dma_start3A_95 = arith.constant 0 : i32
        %dma_start3A_96 = tpu.memref_slice %arg10[%dma_start3A_94, %dma_start3A_95] : memref<10016x64xf32, #tpu.memory_space<vmem_shared>> -> memref<10016x64xf32, #tpu.memory_space<vmem_shared>>
        tpu.enqueue_indirect_dma source(%dma_start3A_90 : memref<128x64xf32, #tpu.memory_space<vmem>>) target(%dma_start3A_96 : memref<10016x64xf32, #tpu.memory_space<vmem_shared>>) offsets(%dma_start3A_93 : memref<128xi32, #tpu.memory_space<vmem>>) semaphore(%run_scoped3A_86 : memref<!tpu.dma_semaphore, #tpu.memory_space<semaphore_mem>>) {add = true}
        %dma_wait3A_97 = arith.constant 0 : i32
        %dma_wait3A_98 = arith.constant 0 : i32
        %dma_wait3A_99 = tpu.memref_slice %arg8[%run_scoped3A_85, %dma_wait3A_97, %dma_wait3A_98] : memref<2x128x64xf32, #tpu.memory_space<vmem>> -> memref<1x128x64xf32, #tpu.memory_space<vmem>>
        %dma_wait3A_100 = tpu.memref_squeeze %dma_wait3A_99 : memref<1x128x64xf32, #tpu.memory_space<vmem>> -> memref<128x64xf32, #tpu.memory_space<vmem>>
        %dma_wait3A_101 = arith.constant 0 : i32
        %dma_wait3A_102 = tpu.memref_slice %arg7[%add3A_46, %dma_wait3A_101] : memref<80x128xi32, #tpu.memory_space<vmem>> -> memref<1x128xi32, #tpu.memory_space<vmem>>
        %dma_wait3A_103 = tpu.memref_squeeze %dma_wait3A_102 : memref<1x128xi32, #tpu.memory_space<vmem>> -> memref<128xi32, #tpu.memory_space<vmem>>
        %dma_wait3A_104 = arith.constant 0 : i32
        %dma_wait3A_105 = arith.constant 0 : i32
        %dma_wait3A_106 = tpu.memref_slice %arg10[%dma_wait3A_104, %dma_wait3A_105] : memref<10016x64xf32, #tpu.memory_space<vmem_shared>> -> memref<10016x64xf32, #tpu.memory_space<vmem_shared>>
        tpu.wait_indirect_dma semaphore(%run_scoped3A_86 : memref<!tpu.dma_semaphore, #tpu.memory_space<semaphore_mem>>) src(%dma_wait3A_100 : memref<128x64xf32, #tpu.memory_space<vmem>>) dst(%dma_wait3A_106 : memref<10016x64xf32, #tpu.memory_space<vmem_shared>>)
        tpu.yield
      }) : () -> ()
    }
    %scan3A_18 = arith.constant 40 : i32
    "tpu.region"() ({
      %run_scoped3A = tpu.sem_alloc : memref<!tpu.dma_semaphore, #tpu.memory_space<semaphore_mem>>
      %dma_start3A_43 = arith.constant 80 : i32
      %dma_start3A_44 = arith.constant 0 : i32
      %dma_start3A_45 = tpu.memref_slice %arg3[%arg1, %dma_start3A_43, %dma_start3A_44] : memref<16x160x128xi32, #tpu.memory_space<hbm>> -> memref<1x80x128xi32, #tpu.memory_space<hbm>>
      %dma_start3A_46 = tpu.memref_squeeze %dma_start3A_45 : memref<1x80x128xi32, #tpu.memory_space<hbm>> -> memref<80x128xi32, #tpu.memory_space<hbm>>
      %dma_start3A_47 = arith.constant 80 : i32
      %dma_start3A_48 = arith.constant 0 : i32
      %dma_start3A_49 = tpu.memref_slice %arg3[%arg1, %dma_start3A_47, %dma_start3A_48] : memref<16x160x128xi32, #tpu.memory_space<hbm>> -> memref<1x80x128xi32, #tpu.memory_space<hbm>>
      %dma_start3A_50 = tpu.memref_squeeze %dma_start3A_49 : memref<1x80x128xi32, #tpu.memory_space<hbm>> -> memref<80x128xi32, #tpu.memory_space<hbm>>
      tpu.enqueue_dma source(%dma_start3A_50 : memref<80x128xi32, #tpu.memory_space<hbm>>) target(%arg6 : memref<80x128xi32, #tpu.memory_space<vmem>>) target_semaphore(%run_scoped3A : memref<!tpu.dma_semaphore, #tpu.memory_space<semaphore_mem>>)
      %dma_wait3A = arith.constant 80 : i32
      %dma_wait3A_51 = arith.constant 0 : i32
      %dma_wait3A_52 = tpu.memref_slice %arg3[%arg1, %dma_wait3A, %dma_wait3A_51] : memref<16x160x128xi32, #tpu.memory_space<hbm>> -> memref<1x80x128xi32, #tpu.memory_space<hbm>>
      %dma_wait3A_53 = tpu.memref_squeeze %dma_wait3A_52 : memref<1x80x128xi32, #tpu.memory_space<hbm>> -> memref<80x128xi32, #tpu.memory_space<hbm>>
      %dma_wait3A_54 = arith.constant 80 : i32
      %dma_wait3A_55 = arith.constant 0 : i32
      %dma_wait3A_56 = tpu.memref_slice %arg3[%arg1, %dma_wait3A_54, %dma_wait3A_55] : memref<16x160x128xi32, #tpu.memory_space<hbm>> -> memref<1x80x128xi32, #tpu.memory_space<hbm>>
      %dma_wait3A_57 = tpu.memref_squeeze %dma_wait3A_56 : memref<1x80x128xi32, #tpu.memory_space<hbm>> -> memref<80x128xi32, #tpu.memory_space<hbm>>
      tpu.wait_dma2 semaphore(%run_scoped3A : memref<!tpu.dma_semaphore, #tpu.memory_space<semaphore_mem>>) src(%dma_wait3A_57 : memref<80x128xi32, #tpu.memory_space<hbm>>) dst(%arg6 : memref<80x128xi32, #tpu.memory_space<vmem>>)
      tpu.yield
    }) : () -> ()
    "tpu.region"() ({
      %run_scoped3A = tpu.sem_alloc : memref<!tpu.dma_semaphore, #tpu.memory_space<semaphore_mem>>
      %dma_start3A_43 = arith.constant 80 : i32
      %dma_start3A_44 = arith.constant 0 : i32
      %dma_start3A_45 = tpu.memref_slice %arg4[%arg1, %dma_start3A_43, %dma_start3A_44] : memref<16x160x128xi32, #tpu.memory_space<hbm>> -> memref<1x80x128xi32, #tpu.memory_space<hbm>>
      %dma_start3A_46 = tpu.memref_squeeze %dma_start3A_45 : memref<1x80x128xi32, #tpu.memory_space<hbm>> -> memref<80x128xi32, #tpu.memory_space<hbm>>
      %dma_start3A_47 = arith.constant 80 : i32
      %dma_start3A_48 = arith.constant 0 : i32
      %dma_start3A_49 = tpu.memref_slice %arg4[%arg1, %dma_start3A_47, %dma_start3A_48] : memref<16x160x128xi32, #tpu.memory_space<hbm>> -> memref<1x80x128xi32, #tpu.memory_space<hbm>>
      %dma_start3A_50 = tpu.memref_squeeze %dma_start3A_49 : memref<1x80x128xi32, #tpu.memory_space<hbm>> -> memref<80x128xi32, #tpu.memory_space<hbm>>
      tpu.enqueue_dma source(%dma_start3A_50 : memref<80x128xi32, #tpu.memory_space<hbm>>) target(%arg7 : memref<80x128xi32, #tpu.memory_space<vmem>>) target_semaphore(%run_scoped3A : memref<!tpu.dma_semaphore, #tpu.memory_space<semaphore_mem>>)
      %dma_wait3A = arith.constant 80 : i32
      %dma_wait3A_51 = arith.constant 0 : i32
      %dma_wait3A_52 = tpu.memref_slice %arg4[%arg1, %dma_wait3A, %dma_wait3A_51] : memref<16x160x128xi32, #tpu.memory_space<hbm>> -> memref<1x80x128xi32, #tpu.memory_space<hbm>>
      %dma_wait3A_53 = tpu.memref_squeeze %dma_wait3A_52 : memref<1x80x128xi32, #tpu.memory_space<hbm>> -> memref<80x128xi32, #tpu.memory_space<hbm>>
      %dma_wait3A_54 = arith.constant 80 : i32
      %dma_wait3A_55 = arith.constant 0 : i32
      %dma_wait3A_56 = tpu.memref_slice %arg4[%arg1, %dma_wait3A_54, %dma_wait3A_55] : memref<16x160x128xi32, #tpu.memory_space<hbm>> -> memref<1x80x128xi32, #tpu.memory_space<hbm>>
      %dma_wait3A_57 = tpu.memref_squeeze %dma_wait3A_56 : memref<1x80x128xi32, #tpu.memory_space<hbm>> -> memref<80x128xi32, #tpu.memory_space<hbm>>
      tpu.wait_dma2 semaphore(%run_scoped3A : memref<!tpu.dma_semaphore, #tpu.memory_space<semaphore_mem>>) src(%dma_wait3A_57 : memref<80x128xi32, #tpu.memory_space<hbm>>) dst(%arg7 : memref<80x128xi32, #tpu.memory_space<vmem>>)
      tpu.yield
    }) : () -> ()
    %dma_start3A_19 = arith.constant 0 : i32
    %dma_start3A_20 = arith.constant 0 : i32
    %dma_start3A_21 = arith.constant 0 : i32
    %dma_start3A_22 = arith.constant 0 : i32
    %dma_start3A_23 = tpu.memref_slice %arg8[%dma_start3A_20, %dma_start3A_21, %dma_start3A_22] : memref<2x128x64xf32, #tpu.memory_space<vmem>> -> memref<1x128x64xf32, #tpu.memory_space<vmem>>
    %dma_start3A_24 = tpu.memref_squeeze %dma_start3A_23 : memref<1x128x64xf32, #tpu.memory_space<vmem>> -> memref<128x64xf32, #tpu.memory_space<vmem>>
    %dma_start3A_25 = arith.constant 0 : i32
    %dma_start3A_26 = tpu.memref_slice %arg6[%dma_start3A_19, %dma_start3A_25] : memref<80x128xi32, #tpu.memory_space<vmem>> -> memref<1x128xi32, #tpu.memory_space<vmem>>
    %dma_start3A_27 = tpu.memref_squeeze %dma_start3A_26 : memref<1x128xi32, #tpu.memory_space<vmem>> -> memref<128xi32, #tpu.memory_space<vmem>>
    %dma_start3A_28 = arith.constant 0 : i32
    %dma_start3A_29 = arith.constant 0 : i32
    %dma_start3A_30 = tpu.memref_slice %arg9[%dma_start3A_28, %dma_start3A_29] : memref<10000x64xf32, #tpu.memory_space<vmem_shared>> -> memref<10000x64xf32, #tpu.memory_space<vmem_shared>>
    tpu.enqueue_indirect_dma source(%dma_start3A_30 : memref<10000x64xf32, #tpu.memory_space<vmem_shared>>) target(%dma_start3A_24 : memref<128x64xf32, #tpu.memory_space<vmem>>) offsets(%dma_start3A_27 : memref<128xi32, #tpu.memory_space<vmem>>) semaphore(%arg11 : memref<!tpu.dma_semaphore, #tpu.memory_space<semaphore_mem>>)
    %scan3A_31 = arith.constant 0 : i32
    %scan3A_32 = arith.constant 0 : i32
    %scan3A_33 = arith.constant 40 : i32
    %scan3A_34 = arith.addi %scan3A_32, %scan3A_33 : i32
    %scan3A_35 = arith.constant 1 : i32
    scf.for %scan3A_43 = %scan3A_32 to %scan3A_34 step %scan3A_35  : i32 {
      %mul3A_44 = arith.constant 2 : i32
      %mul3A_45 = arith.muli %mul3A_44, %scan3A_43 : i32
      %add3A = arith.constant 1 : i32
      %add3A_46 = arith.addi %mul3A_45, %add3A : i32
      %dma_start3A_47 = arith.constant 1 : i32
      %dma_start3A_48 = arith.constant 0 : i32
      %dma_start3A_49 = arith.constant 0 : i32
      %dma_start3A_50 = tpu.memref_slice %arg8[%dma_start3A_47, %dma_start3A_48, %dma_start3A_49] : memref<2x128x64xf32, #tpu.memory_space<vmem>> -> memref<1x128x64xf32, #tpu.memory_space<vmem>>
      %dma_start3A_51 = tpu.memref_squeeze %dma_start3A_50 : memref<1x128x64xf32, #tpu.memory_space<vmem>> -> memref<128x64xf32, #tpu.memory_space<vmem>>
      %dma_start3A_52 = arith.constant 0 : i32
      %dma_start3A_53 = tpu.memref_slice %arg6[%add3A_46, %dma_start3A_52] : memref<80x128xi32, #tpu.memory_space<vmem>> -> memref<1x128xi32, #tpu.memory_space<vmem>>
      %dma_start3A_54 = tpu.memref_squeeze %dma_start3A_53 : memref<1x128xi32, #tpu.memory_space<vmem>> -> memref<128xi32, #tpu.memory_space<vmem>>
      %dma_start3A_55 = arith.constant 0 : i32
      %dma_start3A_56 = arith.constant 0 : i32
      %dma_start3A_57 = tpu.memref_slice %arg9[%dma_start3A_55, %dma_start3A_56] : memref<10000x64xf32, #tpu.memory_space<vmem_shared>> -> memref<10000x64xf32, #tpu.memory_space<vmem_shared>>
      tpu.enqueue_indirect_dma source(%dma_start3A_57 : memref<10000x64xf32, #tpu.memory_space<vmem_shared>>) target(%dma_start3A_51 : memref<128x64xf32, #tpu.memory_space<vmem>>) offsets(%dma_start3A_54 : memref<128xi32, #tpu.memory_space<vmem>>) semaphore(%arg12 : memref<!tpu.dma_semaphore, #tpu.memory_space<semaphore_mem>>)
      %dma_wait3A = arith.constant 0 : i32
      %dma_wait3A_58 = arith.constant 0 : i32
      %dma_wait3A_59 = arith.constant 0 : i32
      %dma_wait3A_60 = tpu.memref_slice %arg8[%dma_wait3A, %dma_wait3A_58, %dma_wait3A_59] : memref<2x128x64xf32, #tpu.memory_space<vmem>> -> memref<1x128x64xf32, #tpu.memory_space<vmem>>
      %dma_wait3A_61 = tpu.memref_squeeze %dma_wait3A_60 : memref<1x128x64xf32, #tpu.memory_space<vmem>> -> memref<128x64xf32, #tpu.memory_space<vmem>>
      %dma_wait3A_62 = arith.constant 0 : i32
      %dma_wait3A_63 = tpu.memref_slice %arg6[%mul3A_45, %dma_wait3A_62] : memref<80x128xi32, #tpu.memory_space<vmem>> -> memref<1x128xi32, #tpu.memory_space<vmem>>
      %dma_wait3A_64 = tpu.memref_squeeze %dma_wait3A_63 : memref<1x128xi32, #tpu.memory_space<vmem>> -> memref<128xi32, #tpu.memory_space<vmem>>
      %dma_wait3A_65 = arith.constant 0 : i32
      %dma_wait3A_66 = arith.constant 0 : i32
      %dma_wait3A_67 = tpu.memref_slice %arg9[%dma_wait3A_65, %dma_wait3A_66] : memref<10000x64xf32, #tpu.memory_space<vmem_shared>> -> memref<10000x64xf32, #tpu.memory_space<vmem_shared>>
      tpu.wait_indirect_dma semaphore(%arg11 : memref<!tpu.dma_semaphore, #tpu.memory_space<semaphore_mem>>) src(%dma_wait3A_67 : memref<10000x64xf32, #tpu.memory_space<vmem_shared>>) dst(%dma_wait3A_61 : memref<128x64xf32, #tpu.memory_space<vmem>>)
      %run_scoped3A = arith.constant 0 : i32
      "tpu.region"() ({
        %run_scoped3A_86 = tpu.sem_alloc : memref<!tpu.dma_semaphore, #tpu.memory_space<semaphore_mem>>
        %dma_start3A_87 = arith.constant 0 : i32
        %dma_start3A_88 = arith.constant 0 : i32
        %dma_start3A_89 = tpu.memref_slice %arg8[%run_scoped3A, %dma_start3A_87, %dma_start3A_88] : memref<2x128x64xf32, #tpu.memory_space<vmem>> -> memref<1x128x64xf32, #tpu.memory_space<vmem>>
        %dma_start3A_90 = tpu.memref_squeeze %dma_start3A_89 : memref<1x128x64xf32, #tpu.memory_space<vmem>> -> memref<128x64xf32, #tpu.memory_space<vmem>>
        %dma_start3A_91 = arith.constant 0 : i32
        %dma_start3A_92 = tpu.memref_slice %arg7[%mul3A_45, %dma_start3A_91] : memref<80x128xi32, #tpu.memory_space<vmem>> -> memref<1x128xi32, #tpu.memory_space<vmem>>
        %dma_start3A_93 = tpu.memref_squeeze %dma_start3A_92 : memref<1x128xi32, #tpu.memory_space<vmem>> -> memref<128xi32, #tpu.memory_space<vmem>>
        %dma_start3A_94 = arith.constant 0 : i32
        %dma_start3A_95 = arith.constant 0 : i32
        %dma_start3A_96 = tpu.memref_slice %arg10[%dma_start3A_94, %dma_start3A_95] : memref<10016x64xf32, #tpu.memory_space<vmem_shared>> -> memref<10016x64xf32, #tpu.memory_space<vmem_shared>>
        tpu.enqueue_indirect_dma source(%dma_start3A_90 : memref<128x64xf32, #tpu.memory_space<vmem>>) target(%dma_start3A_96 : memref<10016x64xf32, #tpu.memory_space<vmem_shared>>) offsets(%dma_start3A_93 : memref<128xi32, #tpu.memory_space<vmem>>) semaphore(%run_scoped3A_86 : memref<!tpu.dma_semaphore, #tpu.memory_space<semaphore_mem>>) {add = true}
        %dma_wait3A_97 = arith.constant 0 : i32
        %dma_wait3A_98 = arith.constant 0 : i32
        %dma_wait3A_99 = tpu.memref_slice %arg8[%run_scoped3A, %dma_wait3A_97, %dma_wait3A_98] : memref<2x128x64xf32, #tpu.memory_space<vmem>> -> memref<1x128x64xf32, #tpu.memory_space<vmem>>
        %dma_wait3A_100 = tpu.memref_squeeze %dma_wait3A_99 : memref<1x128x64xf32, #tpu.memory_space<vmem>> -> memref<128x64xf32, #tpu.memory_space<vmem>>
        %dma_wait3A_101 = arith.constant 0 : i32
        %dma_wait3A_102 = tpu.memref_slice %arg7[%mul3A_45, %dma_wait3A_101] : memref<80x128xi32, #tpu.memory_space<vmem>> -> memref<1x128xi32, #tpu.memory_space<vmem>>
        %dma_wait3A_103 = tpu.memref_squeeze %dma_wait3A_102 : memref<1x128xi32, #tpu.memory_space<vmem>> -> memref<128xi32, #tpu.memory_space<vmem>>
        %dma_wait3A_104 = arith.constant 0 : i32
        %dma_wait3A_105 = arith.constant 0 : i32
        %dma_wait3A_106 = tpu.memref_slice %arg10[%dma_wait3A_104, %dma_wait3A_105] : memref<10016x64xf32, #tpu.memory_space<vmem_shared>> -> memref<10016x64xf32, #tpu.memory_space<vmem_shared>>
        tpu.wait_indirect_dma semaphore(%run_scoped3A_86 : memref<!tpu.dma_semaphore, #tpu.memory_space<semaphore_mem>>) src(%dma_wait3A_100 : memref<128x64xf32, #tpu.memory_space<vmem>>) dst(%dma_wait3A_106 : memref<10016x64xf32, #tpu.memory_space<vmem_shared>>)
        tpu.yield
      }) : () -> ()
      %add3A_68 = arith.constant 1 : i32
      %add3A_69 = arith.addi %add3A_46, %add3A_68 : i32
      %lt3A = arith.constant 80 : i32
      %lt3A_70 = arith.cmpi slt, %add3A_69, %lt3A : i32
      %convert_element_type3A_71 = arith.extui %lt3A_70 : i1 to i32
      %cond3A_72 = arith.constant 0 : i32
      %cond3A_73 = arith.cmpi ne, %convert_element_type3A_71, %cond3A_72 : i32
      scf.if %cond3A_73 {
        %add3A_86 = arith.constant 1 : i32
        %add3A_87 = arith.addi %add3A_46, %add3A_86 : i32
        %dma_start3A_88 = arith.constant 0 : i32
        %dma_start3A_89 = arith.constant 0 : i32
        %dma_start3A_90 = arith.constant 0 : i32
        %dma_start3A_91 = tpu.memref_slice %arg8[%dma_start3A_88, %dma_start3A_89, %dma_start3A_90] : memref<2x128x64xf32, #tpu.memory_space<vmem>> -> memref<1x128x64xf32, #tpu.memory_space<vmem>>
        %dma_start3A_92 = tpu.memref_squeeze %dma_start3A_91 : memref<1x128x64xf32, #tpu.memory_space<vmem>> -> memref<128x64xf32, #tpu.memory_space<vmem>>
        %dma_start3A_93 = arith.constant 0 : i32
        %dma_start3A_94 = tpu.memref_slice %arg6[%add3A_87, %dma_start3A_93] : memref<80x128xi32, #tpu.memory_space<vmem>> -> memref<1x128xi32, #tpu.memory_space<vmem>>
        %dma_start3A_95 = tpu.memref_squeeze %dma_start3A_94 : memref<1x128xi32, #tpu.memory_space<vmem>> -> memref<128xi32, #tpu.memory_space<vmem>>
        %dma_start3A_96 = arith.constant 0 : i32
        %dma_start3A_97 = arith.constant 0 : i32
        %dma_start3A_98 = tpu.memref_slice %arg9[%dma_start3A_96, %dma_start3A_97] : memref<10000x64xf32, #tpu.memory_space<vmem_shared>> -> memref<10000x64xf32, #tpu.memory_space<vmem_shared>>
        tpu.enqueue_indirect_dma source(%dma_start3A_98 : memref<10000x64xf32, #tpu.memory_space<vmem_shared>>) target(%dma_start3A_92 : memref<128x64xf32, #tpu.memory_space<vmem>>) offsets(%dma_start3A_95 : memref<128xi32, #tpu.memory_space<vmem>>) semaphore(%arg11 : memref<!tpu.dma_semaphore, #tpu.memory_space<semaphore_mem>>)
      } else {
      }
      %dma_wait3A_74 = arith.constant 1 : i32
      %dma_wait3A_75 = arith.constant 0 : i32
      %dma_wait3A_76 = arith.constant 0 : i32
      %dma_wait3A_77 = tpu.memref_slice %arg8[%dma_wait3A_74, %dma_wait3A_75, %dma_wait3A_76] : memref<2x128x64xf32, #tpu.memory_space<vmem>> -> memref<1x128x64xf32, #tpu.memory_space<vmem>>
      %dma_wait3A_78 = tpu.memref_squeeze %dma_wait3A_77 : memref<1x128x64xf32, #tpu.memory_space<vmem>> -> memref<128x64xf32, #tpu.memory_space<vmem>>
      %dma_wait3A_79 = arith.constant 0 : i32
      %dma_wait3A_80 = tpu.memref_slice %arg6[%add3A_46, %dma_wait3A_79] : memref<80x128xi32, #tpu.memory_space<vmem>> -> memref<1x128xi32, #tpu.memory_space<vmem>>
      %dma_wait3A_81 = tpu.memref_squeeze %dma_wait3A_80 : memref<1x128xi32, #tpu.memory_space<vmem>> -> memref<128xi32, #tpu.memory_space<vmem>>
      %dma_wait3A_82 = arith.constant 0 : i32
      %dma_wait3A_83 = arith.constant 0 : i32
      %dma_wait3A_84 = tpu.memref_slice %arg9[%dma_wait3A_82, %dma_wait3A_83] : memref<10000x64xf32, #tpu.memory_space<vmem_shared>> -> memref<10000x64xf32, #tpu.memory_space<vmem_shared>>
      tpu.wait_indirect_dma semaphore(%arg12 : memref<!tpu.dma_semaphore, #tpu.memory_space<semaphore_mem>>) src(%dma_wait3A_84 : memref<10000x64xf32, #tpu.memory_space<vmem_shared>>) dst(%dma_wait3A_78 : memref<128x64xf32, #tpu.memory_space<vmem>>)
      %run_scoped3A_85 = arith.constant 1 : i32
      "tpu.region"() ({
        %run_scoped3A_86 = tpu.sem_alloc : memref<!tpu.dma_semaphore, #tpu.memory_space<semaphore_mem>>
        %dma_start3A_87 = arith.constant 0 : i32
        %dma_start3A_88 = arith.constant 0 : i32
        %dma_start3A_89 = tpu.memref_slice %arg8[%run_scoped3A_85, %dma_start3A_87, %dma_start3A_88] : memref<2x128x64xf32, #tpu.memory_space<vmem>> -> memref<1x128x64xf32, #tpu.memory_space<vmem>>
        %dma_start3A_90 = tpu.memref_squeeze %dma_start3A_89 : memref<1x128x64xf32, #tpu.memory_space<vmem>> -> memref<128x64xf32, #tpu.memory_space<vmem>>
        %dma_start3A_91 = arith.constant 0 : i32
        %dma_start3A_92 = tpu.memref_slice %arg7[%add3A_46, %dma_start3A_91] : memref<80x128xi32, #tpu.memory_space<vmem>> -> memref<1x128xi32, #tpu.memory_space<vmem>>
        %dma_start3A_93 = tpu.memref_squeeze %dma_start3A_92 : memref<1x128xi32, #tpu.memory_space<vmem>> -> memref<128xi32, #tpu.memory_space<vmem>>
        %dma_start3A_94 = arith.constant 0 : i32
        %dma_start3A_95 = arith.constant 0 : i32
        %dma_start3A_96 = tpu.memref_slice %arg10[%dma_start3A_94, %dma_start3A_95] : memref<10016x64xf32, #tpu.memory_space<vmem_shared>> -> memref<10016x64xf32, #tpu.memory_space<vmem_shared>>
        tpu.enqueue_indirect_dma source(%dma_start3A_90 : memref<128x64xf32, #tpu.memory_space<vmem>>) target(%dma_start3A_96 : memref<10016x64xf32, #tpu.memory_space<vmem_shared>>) offsets(%dma_start3A_93 : memref<128xi32, #tpu.memory_space<vmem>>) semaphore(%run_scoped3A_86 : memref<!tpu.dma_semaphore, #tpu.memory_space<semaphore_mem>>) {add = true}
        %dma_wait3A_97 = arith.constant 0 : i32
        %dma_wait3A_98 = arith.constant 0 : i32
        %dma_wait3A_99 = tpu.memref_slice %arg8[%run_scoped3A_85, %dma_wait3A_97, %dma_wait3A_98] : memref<2x128x64xf32, #tpu.memory_space<vmem>> -> memref<1x128x64xf32, #tpu.memory_space<vmem>>
        %dma_wait3A_100 = tpu.memref_squeeze %dma_wait3A_99 : memref<1x128x64xf32, #tpu.memory_space<vmem>> -> memref<128x64xf32, #tpu.memory_space<vmem>>
        %dma_wait3A_101 = arith.constant 0 : i32
        %dma_wait3A_102 = tpu.memref_slice %arg7[%add3A_46, %dma_wait3A_101] : memref<80x128xi32, #tpu.memory_space<vmem>> -> memref<1x128xi32, #tpu.memory_space<vmem>>
        %dma_wait3A_103 = tpu.memref_squeeze %dma_wait3A_102 : memref<1x128xi32, #tpu.memory_space<vmem>> -> memref<128xi32, #tpu.memory_space<vmem>>
        %dma_wait3A_104 = arith.constant 0 : i32
        %dma_wait3A_105 = arith.constant 0 : i32
        %dma_wait3A_106 = tpu.memref_slice %arg10[%dma_wait3A_104, %dma_wait3A_105] : memref<10016x64xf32, #tpu.memory_space<vmem_shared>> -> memref<10016x64xf32, #tpu.memory_space<vmem_shared>>
        tpu.wait_indirect_dma semaphore(%run_scoped3A_86 : memref<!tpu.dma_semaphore, #tpu.memory_space<semaphore_mem>>) src(%dma_wait3A_100 : memref<128x64xf32, #tpu.memory_space<vmem>>) dst(%dma_wait3A_106 : memref<10016x64xf32, #tpu.memory_space<vmem_shared>>)
        tpu.yield
      }) : () -> ()
    }
    %scan3A_36 = arith.constant 40 : i32
    %barrier3A_37 = arith.constant 0 : index
    tpu.barrier barrier_id(%barrier3A_37)
    "tpu.region"() ({
      %run_scoped3A = tpu.sem_alloc : memref<!tpu.dma_semaphore, #tpu.memory_space<semaphore_mem>>
      %dma_start3A_43 = arith.constant 0 : i32
      %dma_start3A_44 = tpu.memref_slice %arg5[%arg0, %mul3A_0, %dma_start3A_43] : memref<2x10000x64xf32, #tpu.memory_space<hbm>> -> memref<1x624x64xf32, #tpu.memory_space<hbm>>
      %dma_start3A_45 = tpu.memref_squeeze %dma_start3A_44 : memref<1x624x64xf32, #tpu.memory_space<hbm>> -> memref<624x64xf32, #tpu.memory_space<hbm>>
      %dma_start3A_46 = arith.constant 0 : i32
      %dma_start3A_47 = tpu.memref_slice %arg10[%mul3A_0, %dma_start3A_46] : memref<10016x64xf32, #tpu.memory_space<vmem_shared>> -> memref<624x64xf32, #tpu.memory_space<vmem_shared>>
      tpu.enqueue_dma source(%dma_start3A_47 : memref<624x64xf32, #tpu.memory_space<vmem_shared>>) target(%dma_start3A_45 : memref<624x64xf32, #tpu.memory_space<hbm>>) target_semaphore(%run_scoped3A : memref<!tpu.dma_semaphore, #tpu.memory_space<semaphore_mem>>)
      %dma_wait3A = arith.constant 0 : i32
      %dma_wait3A_48 = tpu.memref_slice %arg5[%arg0, %mul3A_0, %dma_wait3A] : memref<2x10000x64xf32, #tpu.memory_space<hbm>> -> memref<1x624x64xf32, #tpu.memory_space<hbm>>
      %dma_wait3A_49 = tpu.memref_squeeze %dma_wait3A_48 : memref<1x624x64xf32, #tpu.memory_space<hbm>> -> memref<624x64xf32, #tpu.memory_space<hbm>>
      %dma_wait3A_50 = arith.constant 0 : i32
      %dma_wait3A_51 = tpu.memref_slice %arg10[%mul3A_0, %dma_wait3A_50] : memref<10016x64xf32, #tpu.memory_space<vmem_shared>> -> memref<624x64xf32, #tpu.memory_space<vmem_shared>>
      tpu.wait_dma2 semaphore(%run_scoped3A : memref<!tpu.dma_semaphore, #tpu.memory_space<semaphore_mem>>) src(%dma_wait3A_51 : memref<624x64xf32, #tpu.memory_space<vmem_shared>>) dst(%dma_wait3A_49 : memref<624x64xf32, #tpu.memory_space<hbm>>)
      tpu.yield
    }) : () -> ()
    %eq3A_38 = arith.constant 15 : i32
    %eq3A_39 = arith.cmpi eq, %arg1, %eq3A_38 : i32
    %convert_element_type3A_40 = arith.extui %eq3A_39 : i1 to i32
    %cond3A_41 = arith.constant 0 : i32
    %cond3A_42 = arith.cmpi ne, %convert_element_type3A_40, %cond3A_41 : i32
    scf.if %cond3A_42 {
      "tpu.region"() ({
        %run_scoped3A = tpu.sem_alloc : memref<!tpu.dma_semaphore, #tpu.memory_space<semaphore_mem>>
        %dma_start3A_43 = arith.constant 9984 : i32
        %dma_start3A_44 = arith.constant 0 : i32
        %dma_start3A_45 = tpu.memref_slice %arg5[%arg0, %dma_start3A_43, %dma_start3A_44] : memref<2x10000x64xf32, #tpu.memory_space<hbm>> -> memref<1x16x64xf32, #tpu.memory_space<hbm>>
        %dma_start3A_46 = tpu.memref_squeeze %dma_start3A_45 : memref<1x16x64xf32, #tpu.memory_space<hbm>> -> memref<16x64xf32, #tpu.memory_space<hbm>>
        %dma_start3A_47 = arith.constant 9984 : i32
        %dma_start3A_48 = arith.constant 0 : i32
        %dma_start3A_49 = tpu.memref_slice %arg10[%dma_start3A_47, %dma_start3A_48] : memref<10016x64xf32, #tpu.memory_space<vmem_shared>> -> memref<16x64xf32, #tpu.memory_space<vmem_shared>>
        tpu.enqueue_dma source(%dma_start3A_49 : memref<16x64xf32, #tpu.memory_space<vmem_shared>>) target(%dma_start3A_46 : memref<16x64xf32, #tpu.memory_space<hbm>>) target_semaphore(%run_scoped3A : memref<!tpu.dma_semaphore, #tpu.memory_space<semaphore_mem>>)
        %dma_wait3A = arith.constant 9984 : i32
        %dma_wait3A_50 = arith.constant 0 : i32
        %dma_wait3A_51 = tpu.memref_slice %arg5[%arg0, %dma_wait3A, %dma_wait3A_50] : memref<2x10000x64xf32, #tpu.memory_space<hbm>> -> memref<1x16x64xf32, #tpu.memory_space<hbm>>
        %dma_wait3A_52 = tpu.memref_squeeze %dma_wait3A_51 : memref<1x16x64xf32, #tpu.memory_space<hbm>> -> memref<16x64xf32, #tpu.memory_space<hbm>>
        %dma_wait3A_53 = arith.constant 9984 : i32
        %dma_wait3A_54 = arith.constant 0 : i32
        %dma_wait3A_55 = tpu.memref_slice %arg10[%dma_wait3A_53, %dma_wait3A_54] : memref<10016x64xf32, #tpu.memory_space<vmem_shared>> -> memref<16x64xf32, #tpu.memory_space<vmem_shared>>
        tpu.wait_dma2 semaphore(%run_scoped3A : memref<!tpu.dma_semaphore, #tpu.memory_space<semaphore_mem>>) src(%dma_wait3A_55 : memref<16x64xf32, #tpu.memory_space<vmem_shared>>) dst(%dma_wait3A_52 : memref<16x64xf32, #tpu.memory_space<hbm>>)
        tpu.yield
      }) : () -> ()
    } else {
    }
    return
  }
}

#map = affine_map<(d0, d1) -> (0, 0, 0)>
#map1 = affine_map<(d0, d1) -> (0, 0)>
#map2 = affine_map<(d0, d1) -> (0, 0, 0, 0)>
module attributes {stable_mosaic.version = 14 : i64} {
  func.func @edge_kernel(%arg0: i32, %arg1: i32, %arg2: memref<1x10000x16xf32, #tpu.memory_space<hbm>>, %arg3: memref<32x80x128xi32, #tpu.memory_space<hbm>>, %arg4: memref<32x80x128xi32, #tpu.memory_space<hbm>>, %arg5: memref<624x16xf32, #tpu.memory_space<hbm>>, %arg6: memref<1x2x10000x16xf32, #tpu.memory_space<hbm>>, %arg7: memref<80x128xi32, #tpu.memory_space<vmem>>, %arg8: memref<80x128xi32, #tpu.memory_space<vmem>>, %arg9: memref<2x128x16xf32, #tpu.memory_space<vmem>>, %arg10: memref<10000x16xf32, #tpu.memory_space<vmem_shared>>, %arg11: memref<10016x16xf32, #tpu.memory_space<vmem_shared>>, %arg12: memref<!tpu.dma_semaphore, #tpu.memory_space<semaphore_mem>>, %arg13: memref<!tpu.dma_semaphore, #tpu.memory_space<semaphore_mem>>) attributes {dimension_semantics = [#tpu.dimension_semantics<core_parallel>, #tpu.dimension_semantics<subcore_parallel>], iteration_bounds = array<i64: 2, 16>, scalar_prefetch = 0 : i64, scratch_operands = 7 : i64, tpu.core_type = #tpu.core_type<sc_vector_subcore>, window_params = [{transform_indices = #map}, {transform_indices = #map}, {transform_indices = #map}, {transform_indices = #map1}, {transform_indices = #map2}]} {
    %mul3A = arith.constant 16 : i32
    %mul3A_0 = arith.muli %arg0, %mul3A : i32
    %add3A = arith.addi %mul3A_0, %arg1 : i32
    %mul3A_1 = arith.constant 624 : i32
    %mul3A_2 = arith.muli %arg1, %mul3A_1 : i32
    "tpu.region"() ({
      %run_scoped3A_37 = tpu.sem_alloc : memref<!tpu.dma_semaphore, #tpu.memory_space<semaphore_mem>>
      %dma_start3A_38 = arith.constant 0 : i32
      %dma_start3A_39 = arith.constant 0 : i32
      %dma_start3A_40 = tpu.memref_slice %arg3[%add3A, %dma_start3A_38, %dma_start3A_39] : memref<32x80x128xi32, #tpu.memory_space<hbm>> -> memref<1x80x128xi32, #tpu.memory_space<hbm>>
      %dma_start3A_41 = tpu.memref_squeeze %dma_start3A_40 : memref<1x80x128xi32, #tpu.memory_space<hbm>> -> memref<80x128xi32, #tpu.memory_space<hbm>>
      %dma_start3A_42 = arith.constant 0 : i32
      %dma_start3A_43 = arith.constant 0 : i32
      %dma_start3A_44 = tpu.memref_slice %arg3[%add3A, %dma_start3A_42, %dma_start3A_43] : memref<32x80x128xi32, #tpu.memory_space<hbm>> -> memref<1x80x128xi32, #tpu.memory_space<hbm>>
      %dma_start3A_45 = tpu.memref_squeeze %dma_start3A_44 : memref<1x80x128xi32, #tpu.memory_space<hbm>> -> memref<80x128xi32, #tpu.memory_space<hbm>>
      tpu.enqueue_dma source(%dma_start3A_45 : memref<80x128xi32, #tpu.memory_space<hbm>>) target(%arg7 : memref<80x128xi32, #tpu.memory_space<vmem>>) target_semaphore(%run_scoped3A_37 : memref<!tpu.dma_semaphore, #tpu.memory_space<semaphore_mem>>)
      %dma_wait3A = arith.constant 0 : i32
      %dma_wait3A_46 = arith.constant 0 : i32
      %dma_wait3A_47 = tpu.memref_slice %arg3[%add3A, %dma_wait3A, %dma_wait3A_46] : memref<32x80x128xi32, #tpu.memory_space<hbm>> -> memref<1x80x128xi32, #tpu.memory_space<hbm>>
      %dma_wait3A_48 = tpu.memref_squeeze %dma_wait3A_47 : memref<1x80x128xi32, #tpu.memory_space<hbm>> -> memref<80x128xi32, #tpu.memory_space<hbm>>
      %dma_wait3A_49 = arith.constant 0 : i32
      %dma_wait3A_50 = arith.constant 0 : i32
      %dma_wait3A_51 = tpu.memref_slice %arg3[%add3A, %dma_wait3A_49, %dma_wait3A_50] : memref<32x80x128xi32, #tpu.memory_space<hbm>> -> memref<1x80x128xi32, #tpu.memory_space<hbm>>
      %dma_wait3A_52 = tpu.memref_squeeze %dma_wait3A_51 : memref<1x80x128xi32, #tpu.memory_space<hbm>> -> memref<80x128xi32, #tpu.memory_space<hbm>>
      tpu.wait_dma2 semaphore(%run_scoped3A_37 : memref<!tpu.dma_semaphore, #tpu.memory_space<semaphore_mem>>) src(%dma_wait3A_52 : memref<80x128xi32, #tpu.memory_space<hbm>>) dst(%arg7 : memref<80x128xi32, #tpu.memory_space<vmem>>)
      tpu.yield
    }) : () -> ()
    "tpu.region"() ({
      %run_scoped3A_37 = tpu.sem_alloc : memref<!tpu.dma_semaphore, #tpu.memory_space<semaphore_mem>>
      %dma_start3A_38 = arith.constant 0 : i32
      %dma_start3A_39 = arith.constant 0 : i32
      %dma_start3A_40 = tpu.memref_slice %arg4[%add3A, %dma_start3A_38, %dma_start3A_39] : memref<32x80x128xi32, #tpu.memory_space<hbm>> -> memref<1x80x128xi32, #tpu.memory_space<hbm>>
      %dma_start3A_41 = tpu.memref_squeeze %dma_start3A_40 : memref<1x80x128xi32, #tpu.memory_space<hbm>> -> memref<80x128xi32, #tpu.memory_space<hbm>>
      %dma_start3A_42 = arith.constant 0 : i32
      %dma_start3A_43 = arith.constant 0 : i32
      %dma_start3A_44 = tpu.memref_slice %arg4[%add3A, %dma_start3A_42, %dma_start3A_43] : memref<32x80x128xi32, #tpu.memory_space<hbm>> -> memref<1x80x128xi32, #tpu.memory_space<hbm>>
      %dma_start3A_45 = tpu.memref_squeeze %dma_start3A_44 : memref<1x80x128xi32, #tpu.memory_space<hbm>> -> memref<80x128xi32, #tpu.memory_space<hbm>>
      tpu.enqueue_dma source(%dma_start3A_45 : memref<80x128xi32, #tpu.memory_space<hbm>>) target(%arg8 : memref<80x128xi32, #tpu.memory_space<vmem>>) target_semaphore(%run_scoped3A_37 : memref<!tpu.dma_semaphore, #tpu.memory_space<semaphore_mem>>)
      %dma_wait3A = arith.constant 0 : i32
      %dma_wait3A_46 = arith.constant 0 : i32
      %dma_wait3A_47 = tpu.memref_slice %arg4[%add3A, %dma_wait3A, %dma_wait3A_46] : memref<32x80x128xi32, #tpu.memory_space<hbm>> -> memref<1x80x128xi32, #tpu.memory_space<hbm>>
      %dma_wait3A_48 = tpu.memref_squeeze %dma_wait3A_47 : memref<1x80x128xi32, #tpu.memory_space<hbm>> -> memref<80x128xi32, #tpu.memory_space<hbm>>
      %dma_wait3A_49 = arith.constant 0 : i32
      %dma_wait3A_50 = arith.constant 0 : i32
      %dma_wait3A_51 = tpu.memref_slice %arg4[%add3A, %dma_wait3A_49, %dma_wait3A_50] : memref<32x80x128xi32, #tpu.memory_space<hbm>> -> memref<1x80x128xi32, #tpu.memory_space<hbm>>
      %dma_wait3A_52 = tpu.memref_squeeze %dma_wait3A_51 : memref<1x80x128xi32, #tpu.memory_space<hbm>> -> memref<80x128xi32, #tpu.memory_space<hbm>>
      tpu.wait_dma2 semaphore(%run_scoped3A_37 : memref<!tpu.dma_semaphore, #tpu.memory_space<semaphore_mem>>) src(%dma_wait3A_52 : memref<80x128xi32, #tpu.memory_space<hbm>>) dst(%arg8 : memref<80x128xi32, #tpu.memory_space<vmem>>)
      tpu.yield
    }) : () -> ()
    %run_scoped3A = arith.constant 0 : i32
    "tpu.region"() ({
      %run_scoped3A_37 = tpu.sem_alloc : memref<!tpu.dma_semaphore, #tpu.memory_space<semaphore_mem>>
      %dma_start3A_38 = arith.constant 0 : i32
      %dma_start3A_39 = tpu.memref_slice %arg10[%mul3A_2, %dma_start3A_38] : memref<10000x16xf32, #tpu.memory_space<vmem_shared>> -> memref<624x16xf32, #tpu.memory_space<vmem_shared>>
      %dma_start3A_40 = arith.constant 0 : i32
      %dma_start3A_41 = tpu.memref_slice %arg2[%run_scoped3A, %mul3A_2, %dma_start3A_40] : memref<1x10000x16xf32, #tpu.memory_space<hbm>> -> memref<1x624x16xf32, #tpu.memory_space<hbm>>
      %dma_start3A_42 = tpu.memref_squeeze %dma_start3A_41 : memref<1x624x16xf32, #tpu.memory_space<hbm>> -> memref<624x16xf32, #tpu.memory_space<hbm>>
      tpu.enqueue_dma source(%dma_start3A_42 : memref<624x16xf32, #tpu.memory_space<hbm>>) target(%dma_start3A_39 : memref<624x16xf32, #tpu.memory_space<vmem_shared>>) target_semaphore(%run_scoped3A_37 : memref<!tpu.dma_semaphore, #tpu.memory_space<semaphore_mem>>)
      %dma_wait3A = arith.constant 0 : i32
      %dma_wait3A_43 = tpu.memref_slice %arg10[%mul3A_2, %dma_wait3A] : memref<10000x16xf32, #tpu.memory_space<vmem_shared>> -> memref<624x16xf32, #tpu.memory_space<vmem_shared>>
      %dma_wait3A_44 = arith.constant 0 : i32
      %dma_wait3A_45 = tpu.memref_slice %arg2[%run_scoped3A, %mul3A_2, %dma_wait3A_44] : memref<1x10000x16xf32, #tpu.memory_space<hbm>> -> memref<1x624x16xf32, #tpu.memory_space<hbm>>
      %dma_wait3A_46 = tpu.memref_squeeze %dma_wait3A_45 : memref<1x624x16xf32, #tpu.memory_space<hbm>> -> memref<624x16xf32, #tpu.memory_space<hbm>>
      tpu.wait_dma2 semaphore(%run_scoped3A_37 : memref<!tpu.dma_semaphore, #tpu.memory_space<semaphore_mem>>) src(%dma_wait3A_46 : memref<624x16xf32, #tpu.memory_space<hbm>>) dst(%dma_wait3A_43 : memref<624x16xf32, #tpu.memory_space<vmem_shared>>)
      tpu.yield
    }) : () -> ()
    %eq3A = arith.constant 0 : i32
    %eq3A_3 = arith.cmpi eq, %arg0, %eq3A : i32
    %convert_element_type3A = arith.extui %eq3A_3 : i1 to i32
    %cond3A = arith.constant 0 : i32
    %cond3A_4 = arith.cmpi ne, %convert_element_type3A, %cond3A : i32
    scf.if %cond3A_4 {
      %run_scoped3A_37 = arith.constant 0 : i32
      "tpu.region"() ({
        %run_scoped3A_38 = tpu.sem_alloc : memref<!tpu.dma_semaphore, #tpu.memory_space<semaphore_mem>>
        %dma_start3A_39 = arith.constant 0 : i32
        %dma_start3A_40 = tpu.memref_slice %arg11[%mul3A_2, %dma_start3A_39] : memref<10016x16xf32, #tpu.memory_space<vmem_shared>> -> memref<624x16xf32, #tpu.memory_space<vmem_shared>>
        %dma_start3A_41 = arith.constant 0 : i32
        %dma_start3A_42 = tpu.memref_slice %arg2[%run_scoped3A_37, %mul3A_2, %dma_start3A_41] : memref<1x10000x16xf32, #tpu.memory_space<hbm>> -> memref<1x624x16xf32, #tpu.memory_space<hbm>>
        %dma_start3A_43 = tpu.memref_squeeze %dma_start3A_42 : memref<1x624x16xf32, #tpu.memory_space<hbm>> -> memref<624x16xf32, #tpu.memory_space<hbm>>
        tpu.enqueue_dma source(%dma_start3A_43 : memref<624x16xf32, #tpu.memory_space<hbm>>) target(%dma_start3A_40 : memref<624x16xf32, #tpu.memory_space<vmem_shared>>) target_semaphore(%run_scoped3A_38 : memref<!tpu.dma_semaphore, #tpu.memory_space<semaphore_mem>>)
        %dma_wait3A = arith.constant 0 : i32
        %dma_wait3A_44 = tpu.memref_slice %arg11[%mul3A_2, %dma_wait3A] : memref<10016x16xf32, #tpu.memory_space<vmem_shared>> -> memref<624x16xf32, #tpu.memory_space<vmem_shared>>
        %dma_wait3A_45 = arith.constant 0 : i32
        %dma_wait3A_46 = tpu.memref_slice %arg2[%run_scoped3A_37, %mul3A_2, %dma_wait3A_45] : memref<1x10000x16xf32, #tpu.memory_space<hbm>> -> memref<1x624x16xf32, #tpu.memory_space<hbm>>
        %dma_wait3A_47 = tpu.memref_squeeze %dma_wait3A_46 : memref<1x624x16xf32, #tpu.memory_space<hbm>> -> memref<624x16xf32, #tpu.memory_space<hbm>>
        tpu.wait_dma2 semaphore(%run_scoped3A_38 : memref<!tpu.dma_semaphore, #tpu.memory_space<semaphore_mem>>) src(%dma_wait3A_47 : memref<624x16xf32, #tpu.memory_space<hbm>>) dst(%dma_wait3A_44 : memref<624x16xf32, #tpu.memory_space<vmem_shared>>)
        tpu.yield
      }) : () -> ()
    } else {
    }
    %ne3A = arith.constant 0 : i32
    %ne3A_5 = arith.cmpi ne, %arg0, %ne3A : i32
    %convert_element_type3A_6 = arith.extui %ne3A_5 : i1 to i32
    %cond3A_7 = arith.constant 0 : i32
    %cond3A_8 = arith.cmpi ne, %convert_element_type3A_6, %cond3A_7 : i32
    scf.if %cond3A_8 {
      "tpu.region"() ({
        %run_scoped3A_37 = tpu.sem_alloc : memref<!tpu.dma_semaphore, #tpu.memory_space<semaphore_mem>>
        %dma_start3A_38 = arith.constant 0 : i32
        %dma_start3A_39 = tpu.memref_slice %arg11[%mul3A_2, %dma_start3A_38] : memref<10016x16xf32, #tpu.memory_space<vmem_shared>> -> memref<624x16xf32, #tpu.memory_space<vmem_shared>>
        tpu.enqueue_dma source(%arg5 : memref<624x16xf32, #tpu.memory_space<hbm>>) target(%dma_start3A_39 : memref<624x16xf32, #tpu.memory_space<vmem_shared>>) target_semaphore(%run_scoped3A_37 : memref<!tpu.dma_semaphore, #tpu.memory_space<semaphore_mem>>)
        %dma_wait3A = arith.constant 0 : i32
        %dma_wait3A_40 = tpu.memref_slice %arg11[%mul3A_2, %dma_wait3A] : memref<10016x16xf32, #tpu.memory_space<vmem_shared>> -> memref<624x16xf32, #tpu.memory_space<vmem_shared>>
        tpu.wait_dma2 semaphore(%run_scoped3A_37 : memref<!tpu.dma_semaphore, #tpu.memory_space<semaphore_mem>>) src(%arg5 : memref<624x16xf32, #tpu.memory_space<hbm>>) dst(%dma_wait3A_40 : memref<624x16xf32, #tpu.memory_space<vmem_shared>>)
        tpu.yield
      }) : () -> ()
    } else {
    }
    %eq3A_9 = arith.constant 15 : i32
    %eq3A_10 = arith.cmpi eq, %arg1, %eq3A_9 : i32
    %convert_element_type3A_11 = arith.extui %eq3A_10 : i1 to i32
    %cond3A_12 = arith.constant 0 : i32
    %cond3A_13 = arith.cmpi ne, %convert_element_type3A_11, %cond3A_12 : i32
    scf.if %cond3A_13 {
      %run_scoped3A_37 = arith.constant 0 : i32
      "tpu.region"() ({
        %run_scoped3A_48 = tpu.sem_alloc : memref<!tpu.dma_semaphore, #tpu.memory_space<semaphore_mem>>
        %dma_start3A_49 = arith.constant 9984 : i32
        %dma_start3A_50 = arith.constant 0 : i32
        %dma_start3A_51 = tpu.memref_slice %arg10[%dma_start3A_49, %dma_start3A_50] : memref<10000x16xf32, #tpu.memory_space<vmem_shared>> -> memref<16x16xf32, #tpu.memory_space<vmem_shared>>
        %dma_start3A_52 = arith.constant 9984 : i32
        %dma_start3A_53 = arith.constant 0 : i32
        %dma_start3A_54 = tpu.memref_slice %arg2[%run_scoped3A_37, %dma_start3A_52, %dma_start3A_53] : memref<1x10000x16xf32, #tpu.memory_space<hbm>> -> memref<1x16x16xf32, #tpu.memory_space<hbm>>
        %dma_start3A_55 = tpu.memref_squeeze %dma_start3A_54 : memref<1x16x16xf32, #tpu.memory_space<hbm>> -> memref<16x16xf32, #tpu.memory_space<hbm>>
        tpu.enqueue_dma source(%dma_start3A_55 : memref<16x16xf32, #tpu.memory_space<hbm>>) target(%dma_start3A_51 : memref<16x16xf32, #tpu.memory_space<vmem_shared>>) target_semaphore(%run_scoped3A_48 : memref<!tpu.dma_semaphore, #tpu.memory_space<semaphore_mem>>)
        %dma_wait3A = arith.constant 9984 : i32
        %dma_wait3A_56 = arith.constant 0 : i32
        %dma_wait3A_57 = tpu.memref_slice %arg10[%dma_wait3A, %dma_wait3A_56] : memref<10000x16xf32, #tpu.memory_space<vmem_shared>> -> memref<16x16xf32, #tpu.memory_space<vmem_shared>>
        %dma_wait3A_58 = arith.constant 9984 : i32
        %dma_wait3A_59 = arith.constant 0 : i32
        %dma_wait3A_60 = tpu.memref_slice %arg2[%run_scoped3A_37, %dma_wait3A_58, %dma_wait3A_59] : memref<1x10000x16xf32, #tpu.memory_space<hbm>> -> memref<1x16x16xf32, #tpu.memory_space<hbm>>
        %dma_wait3A_61 = tpu.memref_squeeze %dma_wait3A_60 : memref<1x16x16xf32, #tpu.memory_space<hbm>> -> memref<16x16xf32, #tpu.memory_space<hbm>>
        tpu.wait_dma2 semaphore(%run_scoped3A_48 : memref<!tpu.dma_semaphore, #tpu.memory_space<semaphore_mem>>) src(%dma_wait3A_61 : memref<16x16xf32, #tpu.memory_space<hbm>>) dst(%dma_wait3A_57 : memref<16x16xf32, #tpu.memory_space<vmem_shared>>)
        tpu.yield
      }) : () -> ()
      %eq3A_38 = arith.constant 0 : i32
      %eq3A_39 = arith.cmpi eq, %arg0, %eq3A_38 : i32
      %convert_element_type3A_40 = arith.extui %eq3A_39 : i1 to i32
      %cond3A_41 = arith.constant 0 : i32
      %cond3A_42 = arith.cmpi ne, %convert_element_type3A_40, %cond3A_41 : i32
      scf.if %cond3A_42 {
        %run_scoped3A_48 = arith.constant 0 : i32
        "tpu.region"() ({
          %run_scoped3A_49 = tpu.sem_alloc : memref<!tpu.dma_semaphore, #tpu.memory_space<semaphore_mem>>
          %dma_start3A_50 = arith.constant 9984 : i32
          %dma_start3A_51 = arith.constant 0 : i32
          %dma_start3A_52 = tpu.memref_slice %arg11[%dma_start3A_50, %dma_start3A_51] : memref<10016x16xf32, #tpu.memory_space<vmem_shared>> -> memref<16x16xf32, #tpu.memory_space<vmem_shared>>
          %dma_start3A_53 = arith.constant 9984 : i32
          %dma_start3A_54 = arith.constant 0 : i32
          %dma_start3A_55 = tpu.memref_slice %arg2[%run_scoped3A_48, %dma_start3A_53, %dma_start3A_54] : memref<1x10000x16xf32, #tpu.memory_space<hbm>> -> memref<1x16x16xf32, #tpu.memory_space<hbm>>
          %dma_start3A_56 = tpu.memref_squeeze %dma_start3A_55 : memref<1x16x16xf32, #tpu.memory_space<hbm>> -> memref<16x16xf32, #tpu.memory_space<hbm>>
          tpu.enqueue_dma source(%dma_start3A_56 : memref<16x16xf32, #tpu.memory_space<hbm>>) target(%dma_start3A_52 : memref<16x16xf32, #tpu.memory_space<vmem_shared>>) target_semaphore(%run_scoped3A_49 : memref<!tpu.dma_semaphore, #tpu.memory_space<semaphore_mem>>)
          %dma_wait3A = arith.constant 9984 : i32
          %dma_wait3A_57 = arith.constant 0 : i32
          %dma_wait3A_58 = tpu.memref_slice %arg11[%dma_wait3A, %dma_wait3A_57] : memref<10016x16xf32, #tpu.memory_space<vmem_shared>> -> memref<16x16xf32, #tpu.memory_space<vmem_shared>>
          %dma_wait3A_59 = arith.constant 9984 : i32
          %dma_wait3A_60 = arith.constant 0 : i32
          %dma_wait3A_61 = tpu.memref_slice %arg2[%run_scoped3A_48, %dma_wait3A_59, %dma_wait3A_60] : memref<1x10000x16xf32, #tpu.memory_space<hbm>> -> memref<1x16x16xf32, #tpu.memory_space<hbm>>
          %dma_wait3A_62 = tpu.memref_squeeze %dma_wait3A_61 : memref<1x16x16xf32, #tpu.memory_space<hbm>> -> memref<16x16xf32, #tpu.memory_space<hbm>>
          tpu.wait_dma2 semaphore(%run_scoped3A_49 : memref<!tpu.dma_semaphore, #tpu.memory_space<semaphore_mem>>) src(%dma_wait3A_62 : memref<16x16xf32, #tpu.memory_space<hbm>>) dst(%dma_wait3A_58 : memref<16x16xf32, #tpu.memory_space<vmem_shared>>)
          tpu.yield
        }) : () -> ()
      } else {
      }
      %ne3A_43 = arith.constant 0 : i32
      %ne3A_44 = arith.cmpi ne, %arg0, %ne3A_43 : i32
      %convert_element_type3A_45 = arith.extui %ne3A_44 : i1 to i32
      %cond3A_46 = arith.constant 0 : i32
      %cond3A_47 = arith.cmpi ne, %convert_element_type3A_45, %cond3A_46 : i32
      scf.if %cond3A_47 {
        "tpu.region"() ({
          %run_scoped3A_48 = tpu.sem_alloc : memref<!tpu.dma_semaphore, #tpu.memory_space<semaphore_mem>>
          %dma_start3A_49 = arith.constant 9984 : i32
          %dma_start3A_50 = arith.constant 0 : i32
          %dma_start3A_51 = tpu.memref_slice %arg11[%dma_start3A_49, %dma_start3A_50] : memref<10016x16xf32, #tpu.memory_space<vmem_shared>> -> memref<16x16xf32, #tpu.memory_space<vmem_shared>>
          %dma_start3A_52 = arith.constant 0 : i32
          %dma_start3A_53 = arith.constant 0 : i32
          %dma_start3A_54 = tpu.memref_slice %arg5[%dma_start3A_52, %dma_start3A_53] : memref<624x16xf32, #tpu.memory_space<hbm>> -> memref<16x16xf32, #tpu.memory_space<hbm>>
          tpu.enqueue_dma source(%dma_start3A_54 : memref<16x16xf32, #tpu.memory_space<hbm>>) target(%dma_start3A_51 : memref<16x16xf32, #tpu.memory_space<vmem_shared>>) target_semaphore(%run_scoped3A_48 : memref<!tpu.dma_semaphore, #tpu.memory_space<semaphore_mem>>)
          %dma_wait3A = arith.constant 9984 : i32
          %dma_wait3A_55 = arith.constant 0 : i32
          %dma_wait3A_56 = tpu.memref_slice %arg11[%dma_wait3A, %dma_wait3A_55] : memref<10016x16xf32, #tpu.memory_space<vmem_shared>> -> memref<16x16xf32, #tpu.memory_space<vmem_shared>>
          %dma_wait3A_57 = arith.constant 0 : i32
          %dma_wait3A_58 = arith.constant 0 : i32
          %dma_wait3A_59 = tpu.memref_slice %arg5[%dma_wait3A_57, %dma_wait3A_58] : memref<624x16xf32, #tpu.memory_space<hbm>> -> memref<16x16xf32, #tpu.memory_space<hbm>>
          tpu.wait_dma2 semaphore(%run_scoped3A_48 : memref<!tpu.dma_semaphore, #tpu.memory_space<semaphore_mem>>) src(%dma_wait3A_59 : memref<16x16xf32, #tpu.memory_space<hbm>>) dst(%dma_wait3A_56 : memref<16x16xf32, #tpu.memory_space<vmem_shared>>)
          tpu.yield
        }) : () -> ()
      } else {
      }
    } else {
    }
    %barrier3A = arith.constant 0 : index
    tpu.barrier barrier_id(%barrier3A)
    %dma_start3A = arith.constant 0 : i32
    %dma_start3A_14 = arith.constant 0 : i32
    %dma_start3A_15 = arith.constant 0 : i32
    %dma_start3A_16 = arith.constant 0 : i32
    %dma_start3A_17 = tpu.memref_slice %arg9[%dma_start3A_14, %dma_start3A_15, %dma_start3A_16] : memref<2x128x16xf32, #tpu.memory_space<vmem>> -> memref<1x128x16xf32, #tpu.memory_space<vmem>>
    %dma_start3A_18 = tpu.memref_squeeze %dma_start3A_17 : memref<1x128x16xf32, #tpu.memory_space<vmem>> -> memref<128x16xf32, #tpu.memory_space<vmem>>
    %dma_start3A_19 = arith.constant 0 : i32
    %dma_start3A_20 = tpu.memref_slice %arg7[%dma_start3A, %dma_start3A_19] : memref<80x128xi32, #tpu.memory_space<vmem>> -> memref<1x128xi32, #tpu.memory_space<vmem>>
    %dma_start3A_21 = tpu.memref_squeeze %dma_start3A_20 : memref<1x128xi32, #tpu.memory_space<vmem>> -> memref<128xi32, #tpu.memory_space<vmem>>
    %dma_start3A_22 = arith.constant 0 : i32
    %dma_start3A_23 = arith.constant 0 : i32
    %dma_start3A_24 = tpu.memref_slice %arg10[%dma_start3A_22, %dma_start3A_23] : memref<10000x16xf32, #tpu.memory_space<vmem_shared>> -> memref<10000x16xf32, #tpu.memory_space<vmem_shared>>
    tpu.enqueue_indirect_dma source(%dma_start3A_24 : memref<10000x16xf32, #tpu.memory_space<vmem_shared>>) target(%dma_start3A_18 : memref<128x16xf32, #tpu.memory_space<vmem>>) offsets(%dma_start3A_21 : memref<128xi32, #tpu.memory_space<vmem>>) semaphore(%arg12 : memref<!tpu.dma_semaphore, #tpu.memory_space<semaphore_mem>>)
    %scan3A = arith.constant 0 : i32
    %scan3A_25 = arith.constant 0 : i32
    %scan3A_26 = arith.constant 40 : i32
    %scan3A_27 = arith.addi %scan3A_25, %scan3A_26 : i32
    %scan3A_28 = arith.constant 1 : i32
    scf.for %scan3A_37 = %scan3A_25 to %scan3A_27 step %scan3A_28  : i32 {
      %mul3A_38 = arith.constant 2 : i32
      %mul3A_39 = arith.muli %mul3A_38, %scan3A_37 : i32
      %add3A_40 = arith.constant 1 : i32
      %add3A_41 = arith.addi %mul3A_39, %add3A_40 : i32
      %dma_start3A_42 = arith.constant 1 : i32
      %dma_start3A_43 = arith.constant 0 : i32
      %dma_start3A_44 = arith.constant 0 : i32
      %dma_start3A_45 = tpu.memref_slice %arg9[%dma_start3A_42, %dma_start3A_43, %dma_start3A_44] : memref<2x128x16xf32, #tpu.memory_space<vmem>> -> memref<1x128x16xf32, #tpu.memory_space<vmem>>
      %dma_start3A_46 = tpu.memref_squeeze %dma_start3A_45 : memref<1x128x16xf32, #tpu.memory_space<vmem>> -> memref<128x16xf32, #tpu.memory_space<vmem>>
      %dma_start3A_47 = arith.constant 0 : i32
      %dma_start3A_48 = tpu.memref_slice %arg7[%add3A_41, %dma_start3A_47] : memref<80x128xi32, #tpu.memory_space<vmem>> -> memref<1x128xi32, #tpu.memory_space<vmem>>
      %dma_start3A_49 = tpu.memref_squeeze %dma_start3A_48 : memref<1x128xi32, #tpu.memory_space<vmem>> -> memref<128xi32, #tpu.memory_space<vmem>>
      %dma_start3A_50 = arith.constant 0 : i32
      %dma_start3A_51 = arith.constant 0 : i32
      %dma_start3A_52 = tpu.memref_slice %arg10[%dma_start3A_50, %dma_start3A_51] : memref<10000x16xf32, #tpu.memory_space<vmem_shared>> -> memref<10000x16xf32, #tpu.memory_space<vmem_shared>>
      tpu.enqueue_indirect_dma source(%dma_start3A_52 : memref<10000x16xf32, #tpu.memory_space<vmem_shared>>) target(%dma_start3A_46 : memref<128x16xf32, #tpu.memory_space<vmem>>) offsets(%dma_start3A_49 : memref<128xi32, #tpu.memory_space<vmem>>) semaphore(%arg13 : memref<!tpu.dma_semaphore, #tpu.memory_space<semaphore_mem>>)
      %dma_wait3A = arith.constant 0 : i32
      %dma_wait3A_53 = arith.constant 0 : i32
      %dma_wait3A_54 = arith.constant 0 : i32
      %dma_wait3A_55 = tpu.memref_slice %arg9[%dma_wait3A, %dma_wait3A_53, %dma_wait3A_54] : memref<2x128x16xf32, #tpu.memory_space<vmem>> -> memref<1x128x16xf32, #tpu.memory_space<vmem>>
      %dma_wait3A_56 = tpu.memref_squeeze %dma_wait3A_55 : memref<1x128x16xf32, #tpu.memory_space<vmem>> -> memref<128x16xf32, #tpu.memory_space<vmem>>
      %dma_wait3A_57 = arith.constant 0 : i32
      %dma_wait3A_58 = tpu.memref_slice %arg7[%mul3A_39, %dma_wait3A_57] : memref<80x128xi32, #tpu.memory_space<vmem>> -> memref<1x128xi32, #tpu.memory_space<vmem>>
      %dma_wait3A_59 = tpu.memref_squeeze %dma_wait3A_58 : memref<1x128xi32, #tpu.memory_space<vmem>> -> memref<128xi32, #tpu.memory_space<vmem>>
      %dma_wait3A_60 = arith.constant 0 : i32
      %dma_wait3A_61 = arith.constant 0 : i32
      %dma_wait3A_62 = tpu.memref_slice %arg10[%dma_wait3A_60, %dma_wait3A_61] : memref<10000x16xf32, #tpu.memory_space<vmem_shared>> -> memref<10000x16xf32, #tpu.memory_space<vmem_shared>>
      tpu.wait_indirect_dma semaphore(%arg12 : memref<!tpu.dma_semaphore, #tpu.memory_space<semaphore_mem>>) src(%dma_wait3A_62 : memref<10000x16xf32, #tpu.memory_space<vmem_shared>>) dst(%dma_wait3A_56 : memref<128x16xf32, #tpu.memory_space<vmem>>)
      %run_scoped3A_63 = arith.constant 0 : i32
      "tpu.region"() ({
        %run_scoped3A_82 = tpu.sem_alloc : memref<!tpu.dma_semaphore, #tpu.memory_space<semaphore_mem>>
        %dma_start3A_83 = arith.constant 0 : i32
        %dma_start3A_84 = arith.constant 0 : i32
        %dma_start3A_85 = tpu.memref_slice %arg9[%run_scoped3A_63, %dma_start3A_83, %dma_start3A_84] : memref<2x128x16xf32, #tpu.memory_space<vmem>> -> memref<1x128x16xf32, #tpu.memory_space<vmem>>
        %dma_start3A_86 = tpu.memref_squeeze %dma_start3A_85 : memref<1x128x16xf32, #tpu.memory_space<vmem>> -> memref<128x16xf32, #tpu.memory_space<vmem>>
        %dma_start3A_87 = arith.constant 0 : i32
        %dma_start3A_88 = tpu.memref_slice %arg8[%mul3A_39, %dma_start3A_87] : memref<80x128xi32, #tpu.memory_space<vmem>> -> memref<1x128xi32, #tpu.memory_space<vmem>>
        %dma_start3A_89 = tpu.memref_squeeze %dma_start3A_88 : memref<1x128xi32, #tpu.memory_space<vmem>> -> memref<128xi32, #tpu.memory_space<vmem>>
        %dma_start3A_90 = arith.constant 0 : i32
        %dma_start3A_91 = arith.constant 0 : i32
        %dma_start3A_92 = tpu.memref_slice %arg11[%dma_start3A_90, %dma_start3A_91] : memref<10016x16xf32, #tpu.memory_space<vmem_shared>> -> memref<10016x16xf32, #tpu.memory_space<vmem_shared>>
        tpu.enqueue_indirect_dma source(%dma_start3A_86 : memref<128x16xf32, #tpu.memory_space<vmem>>) target(%dma_start3A_92 : memref<10016x16xf32, #tpu.memory_space<vmem_shared>>) offsets(%dma_start3A_89 : memref<128xi32, #tpu.memory_space<vmem>>) semaphore(%run_scoped3A_82 : memref<!tpu.dma_semaphore, #tpu.memory_space<semaphore_mem>>) {add = true}
        %dma_wait3A_93 = arith.constant 0 : i32
        %dma_wait3A_94 = arith.constant 0 : i32
        %dma_wait3A_95 = tpu.memref_slice %arg9[%run_scoped3A_63, %dma_wait3A_93, %dma_wait3A_94] : memref<2x128x16xf32, #tpu.memory_space<vmem>> -> memref<1x128x16xf32, #tpu.memory_space<vmem>>
        %dma_wait3A_96 = tpu.memref_squeeze %dma_wait3A_95 : memref<1x128x16xf32, #tpu.memory_space<vmem>> -> memref<128x16xf32, #tpu.memory_space<vmem>>
        %dma_wait3A_97 = arith.constant 0 : i32
        %dma_wait3A_98 = tpu.memref_slice %arg8[%mul3A_39, %dma_wait3A_97] : memref<80x128xi32, #tpu.memory_space<vmem>> -> memref<1x128xi32, #tpu.memory_space<vmem>>
        %dma_wait3A_99 = tpu.memref_squeeze %dma_wait3A_98 : memref<1x128xi32, #tpu.memory_space<vmem>> -> memref<128xi32, #tpu.memory_space<vmem>>
        %dma_wait3A_100 = arith.constant 0 : i32
        %dma_wait3A_101 = arith.constant 0 : i32
        %dma_wait3A_102 = tpu.memref_slice %arg11[%dma_wait3A_100, %dma_wait3A_101] : memref<10016x16xf32, #tpu.memory_space<vmem_shared>> -> memref<10016x16xf32, #tpu.memory_space<vmem_shared>>
        tpu.wait_indirect_dma semaphore(%run_scoped3A_82 : memref<!tpu.dma_semaphore, #tpu.memory_space<semaphore_mem>>) src(%dma_wait3A_96 : memref<128x16xf32, #tpu.memory_space<vmem>>) dst(%dma_wait3A_102 : memref<10016x16xf32, #tpu.memory_space<vmem_shared>>)
        tpu.yield
      }) : () -> ()
      %add3A_64 = arith.constant 1 : i32
      %add3A_65 = arith.addi %add3A_41, %add3A_64 : i32
      %lt3A = arith.constant 80 : i32
      %lt3A_66 = arith.cmpi slt, %add3A_65, %lt3A : i32
      %convert_element_type3A_67 = arith.extui %lt3A_66 : i1 to i32
      %cond3A_68 = arith.constant 0 : i32
      %cond3A_69 = arith.cmpi ne, %convert_element_type3A_67, %cond3A_68 : i32
      scf.if %cond3A_69 {
        %add3A_82 = arith.constant 1 : i32
        %add3A_83 = arith.addi %add3A_41, %add3A_82 : i32
        %dma_start3A_84 = arith.constant 0 : i32
        %dma_start3A_85 = arith.constant 0 : i32
        %dma_start3A_86 = arith.constant 0 : i32
        %dma_start3A_87 = tpu.memref_slice %arg9[%dma_start3A_84, %dma_start3A_85, %dma_start3A_86] : memref<2x128x16xf32, #tpu.memory_space<vmem>> -> memref<1x128x16xf32, #tpu.memory_space<vmem>>
        %dma_start3A_88 = tpu.memref_squeeze %dma_start3A_87 : memref<1x128x16xf32, #tpu.memory_space<vmem>> -> memref<128x16xf32, #tpu.memory_space<vmem>>
        %dma_start3A_89 = arith.constant 0 : i32
        %dma_start3A_90 = tpu.memref_slice %arg7[%add3A_83, %dma_start3A_89] : memref<80x128xi32, #tpu.memory_space<vmem>> -> memref<1x128xi32, #tpu.memory_space<vmem>>
        %dma_start3A_91 = tpu.memref_squeeze %dma_start3A_90 : memref<1x128xi32, #tpu.memory_space<vmem>> -> memref<128xi32, #tpu.memory_space<vmem>>
        %dma_start3A_92 = arith.constant 0 : i32
        %dma_start3A_93 = arith.constant 0 : i32
        %dma_start3A_94 = tpu.memref_slice %arg10[%dma_start3A_92, %dma_start3A_93] : memref<10000x16xf32, #tpu.memory_space<vmem_shared>> -> memref<10000x16xf32, #tpu.memory_space<vmem_shared>>
        tpu.enqueue_indirect_dma source(%dma_start3A_94 : memref<10000x16xf32, #tpu.memory_space<vmem_shared>>) target(%dma_start3A_88 : memref<128x16xf32, #tpu.memory_space<vmem>>) offsets(%dma_start3A_91 : memref<128xi32, #tpu.memory_space<vmem>>) semaphore(%arg12 : memref<!tpu.dma_semaphore, #tpu.memory_space<semaphore_mem>>)
      } else {
      }
      %dma_wait3A_70 = arith.constant 1 : i32
      %dma_wait3A_71 = arith.constant 0 : i32
      %dma_wait3A_72 = arith.constant 0 : i32
      %dma_wait3A_73 = tpu.memref_slice %arg9[%dma_wait3A_70, %dma_wait3A_71, %dma_wait3A_72] : memref<2x128x16xf32, #tpu.memory_space<vmem>> -> memref<1x128x16xf32, #tpu.memory_space<vmem>>
      %dma_wait3A_74 = tpu.memref_squeeze %dma_wait3A_73 : memref<1x128x16xf32, #tpu.memory_space<vmem>> -> memref<128x16xf32, #tpu.memory_space<vmem>>
      %dma_wait3A_75 = arith.constant 0 : i32
      %dma_wait3A_76 = tpu.memref_slice %arg7[%add3A_41, %dma_wait3A_75] : memref<80x128xi32, #tpu.memory_space<vmem>> -> memref<1x128xi32, #tpu.memory_space<vmem>>
      %dma_wait3A_77 = tpu.memref_squeeze %dma_wait3A_76 : memref<1x128xi32, #tpu.memory_space<vmem>> -> memref<128xi32, #tpu.memory_space<vmem>>
      %dma_wait3A_78 = arith.constant 0 : i32
      %dma_wait3A_79 = arith.constant 0 : i32
      %dma_wait3A_80 = tpu.memref_slice %arg10[%dma_wait3A_78, %dma_wait3A_79] : memref<10000x16xf32, #tpu.memory_space<vmem_shared>> -> memref<10000x16xf32, #tpu.memory_space<vmem_shared>>
      tpu.wait_indirect_dma semaphore(%arg13 : memref<!tpu.dma_semaphore, #tpu.memory_space<semaphore_mem>>) src(%dma_wait3A_80 : memref<10000x16xf32, #tpu.memory_space<vmem_shared>>) dst(%dma_wait3A_74 : memref<128x16xf32, #tpu.memory_space<vmem>>)
      %run_scoped3A_81 = arith.constant 1 : i32
      "tpu.region"() ({
        %run_scoped3A_82 = tpu.sem_alloc : memref<!tpu.dma_semaphore, #tpu.memory_space<semaphore_mem>>
        %dma_start3A_83 = arith.constant 0 : i32
        %dma_start3A_84 = arith.constant 0 : i32
        %dma_start3A_85 = tpu.memref_slice %arg9[%run_scoped3A_81, %dma_start3A_83, %dma_start3A_84] : memref<2x128x16xf32, #tpu.memory_space<vmem>> -> memref<1x128x16xf32, #tpu.memory_space<vmem>>
        %dma_start3A_86 = tpu.memref_squeeze %dma_start3A_85 : memref<1x128x16xf32, #tpu.memory_space<vmem>> -> memref<128x16xf32, #tpu.memory_space<vmem>>
        %dma_start3A_87 = arith.constant 0 : i32
        %dma_start3A_88 = tpu.memref_slice %arg8[%add3A_41, %dma_start3A_87] : memref<80x128xi32, #tpu.memory_space<vmem>> -> memref<1x128xi32, #tpu.memory_space<vmem>>
        %dma_start3A_89 = tpu.memref_squeeze %dma_start3A_88 : memref<1x128xi32, #tpu.memory_space<vmem>> -> memref<128xi32, #tpu.memory_space<vmem>>
        %dma_start3A_90 = arith.constant 0 : i32
        %dma_start3A_91 = arith.constant 0 : i32
        %dma_start3A_92 = tpu.memref_slice %arg11[%dma_start3A_90, %dma_start3A_91] : memref<10016x16xf32, #tpu.memory_space<vmem_shared>> -> memref<10016x16xf32, #tpu.memory_space<vmem_shared>>
        tpu.enqueue_indirect_dma source(%dma_start3A_86 : memref<128x16xf32, #tpu.memory_space<vmem>>) target(%dma_start3A_92 : memref<10016x16xf32, #tpu.memory_space<vmem_shared>>) offsets(%dma_start3A_89 : memref<128xi32, #tpu.memory_space<vmem>>) semaphore(%run_scoped3A_82 : memref<!tpu.dma_semaphore, #tpu.memory_space<semaphore_mem>>) {add = true}
        %dma_wait3A_93 = arith.constant 0 : i32
        %dma_wait3A_94 = arith.constant 0 : i32
        %dma_wait3A_95 = tpu.memref_slice %arg9[%run_scoped3A_81, %dma_wait3A_93, %dma_wait3A_94] : memref<2x128x16xf32, #tpu.memory_space<vmem>> -> memref<1x128x16xf32, #tpu.memory_space<vmem>>
        %dma_wait3A_96 = tpu.memref_squeeze %dma_wait3A_95 : memref<1x128x16xf32, #tpu.memory_space<vmem>> -> memref<128x16xf32, #tpu.memory_space<vmem>>
        %dma_wait3A_97 = arith.constant 0 : i32
        %dma_wait3A_98 = tpu.memref_slice %arg8[%add3A_41, %dma_wait3A_97] : memref<80x128xi32, #tpu.memory_space<vmem>> -> memref<1x128xi32, #tpu.memory_space<vmem>>
        %dma_wait3A_99 = tpu.memref_squeeze %dma_wait3A_98 : memref<1x128xi32, #tpu.memory_space<vmem>> -> memref<128xi32, #tpu.memory_space<vmem>>
        %dma_wait3A_100 = arith.constant 0 : i32
        %dma_wait3A_101 = arith.constant 0 : i32
        %dma_wait3A_102 = tpu.memref_slice %arg11[%dma_wait3A_100, %dma_wait3A_101] : memref<10016x16xf32, #tpu.memory_space<vmem_shared>> -> memref<10016x16xf32, #tpu.memory_space<vmem_shared>>
        tpu.wait_indirect_dma semaphore(%run_scoped3A_82 : memref<!tpu.dma_semaphore, #tpu.memory_space<semaphore_mem>>) src(%dma_wait3A_96 : memref<128x16xf32, #tpu.memory_space<vmem>>) dst(%dma_wait3A_102 : memref<10016x16xf32, #tpu.memory_space<vmem_shared>>)
        tpu.yield
      }) : () -> ()
    }
    %scan3A_29 = arith.constant 40 : i32
    %barrier3A_30 = arith.constant 0 : index
    tpu.barrier barrier_id(%barrier3A_30)
    %run_scoped3A_31 = arith.constant 0 : i32
    "tpu.region"() ({
      %run_scoped3A_37 = tpu.sem_alloc : memref<!tpu.dma_semaphore, #tpu.memory_space<semaphore_mem>>
      %dma_start3A_38 = arith.constant 0 : i32
      %dma_start3A_39 = tpu.memref_slice %arg6[%run_scoped3A_31, %arg0, %mul3A_2, %dma_start3A_38] : memref<1x2x10000x16xf32, #tpu.memory_space<hbm>> -> memref<1x1x624x16xf32, #tpu.memory_space<hbm>>
      %dma_start3A_40 = tpu.memref_squeeze %dma_start3A_39 : memref<1x1x624x16xf32, #tpu.memory_space<hbm>> -> memref<624x16xf32, #tpu.memory_space<hbm>>
      %dma_start3A_41 = arith.constant 0 : i32
      %dma_start3A_42 = tpu.memref_slice %arg11[%mul3A_2, %dma_start3A_41] : memref<10016x16xf32, #tpu.memory_space<vmem_shared>> -> memref<624x16xf32, #tpu.memory_space<vmem_shared>>
      tpu.enqueue_dma source(%dma_start3A_42 : memref<624x16xf32, #tpu.memory_space<vmem_shared>>) target(%dma_start3A_40 : memref<624x16xf32, #tpu.memory_space<hbm>>) target_semaphore(%run_scoped3A_37 : memref<!tpu.dma_semaphore, #tpu.memory_space<semaphore_mem>>)
      %dma_wait3A = arith.constant 0 : i32
      %dma_wait3A_43 = tpu.memref_slice %arg6[%run_scoped3A_31, %arg0, %mul3A_2, %dma_wait3A] : memref<1x2x10000x16xf32, #tpu.memory_space<hbm>> -> memref<1x1x624x16xf32, #tpu.memory_space<hbm>>
      %dma_wait3A_44 = tpu.memref_squeeze %dma_wait3A_43 : memref<1x1x624x16xf32, #tpu.memory_space<hbm>> -> memref<624x16xf32, #tpu.memory_space<hbm>>
      %dma_wait3A_45 = arith.constant 0 : i32
      %dma_wait3A_46 = tpu.memref_slice %arg11[%mul3A_2, %dma_wait3A_45] : memref<10016x16xf32, #tpu.memory_space<vmem_shared>> -> memref<624x16xf32, #tpu.memory_space<vmem_shared>>
      tpu.wait_dma2 semaphore(%run_scoped3A_37 : memref<!tpu.dma_semaphore, #tpu.memory_space<semaphore_mem>>) src(%dma_wait3A_46 : memref<624x16xf32, #tpu.memory_space<vmem_shared>>) dst(%dma_wait3A_44 : memref<624x16xf32, #tpu.memory_space<hbm>>)
      tpu.yield
    }) : () -> ()
    %eq3A_32 = arith.constant 15 : i32
    %eq3A_33 = arith.cmpi eq, %arg1, %eq3A_32 : i32
    %convert_element_type3A_34 = arith.extui %eq3A_33 : i1 to i32
    %cond3A_35 = arith.constant 0 : i32
    %cond3A_36 = arith.cmpi ne, %convert_element_type3A_34, %cond3A_35 : i32
    scf.if %cond3A_36 {
      %run_scoped3A_37 = arith.constant 0 : i32
      "tpu.region"() ({
        %run_scoped3A_38 = tpu.sem_alloc : memref<!tpu.dma_semaphore, #tpu.memory_space<semaphore_mem>>
        %dma_start3A_39 = arith.constant 9984 : i32
        %dma_start3A_40 = arith.constant 0 : i32
        %dma_start3A_41 = tpu.memref_slice %arg6[%run_scoped3A_37, %arg0, %dma_start3A_39, %dma_start3A_40] : memref<1x2x10000x16xf32, #tpu.memory_space<hbm>> -> memref<1x1x16x16xf32, #tpu.memory_space<hbm>>
        %dma_start3A_42 = tpu.memref_squeeze %dma_start3A_41 : memref<1x1x16x16xf32, #tpu.memory_space<hbm>> -> memref<16x16xf32, #tpu.memory_space<hbm>>
        %dma_start3A_43 = arith.constant 9984 : i32
        %dma_start3A_44 = arith.constant 0 : i32
        %dma_start3A_45 = tpu.memref_slice %arg11[%dma_start3A_43, %dma_start3A_44] : memref<10016x16xf32, #tpu.memory_space<vmem_shared>> -> memref<16x16xf32, #tpu.memory_space<vmem_shared>>
        tpu.enqueue_dma source(%dma_start3A_45 : memref<16x16xf32, #tpu.memory_space<vmem_shared>>) target(%dma_start3A_42 : memref<16x16xf32, #tpu.memory_space<hbm>>) target_semaphore(%run_scoped3A_38 : memref<!tpu.dma_semaphore, #tpu.memory_space<semaphore_mem>>)
        %dma_wait3A = arith.constant 9984 : i32
        %dma_wait3A_46 = arith.constant 0 : i32
        %dma_wait3A_47 = tpu.memref_slice %arg6[%run_scoped3A_37, %arg0, %dma_wait3A, %dma_wait3A_46] : memref<1x2x10000x16xf32, #tpu.memory_space<hbm>> -> memref<1x1x16x16xf32, #tpu.memory_space<hbm>>
        %dma_wait3A_48 = tpu.memref_squeeze %dma_wait3A_47 : memref<1x1x16x16xf32, #tpu.memory_space<hbm>> -> memref<16x16xf32, #tpu.memory_space<hbm>>
        %dma_wait3A_49 = arith.constant 9984 : i32
        %dma_wait3A_50 = arith.constant 0 : i32
        %dma_wait3A_51 = tpu.memref_slice %arg11[%dma_wait3A_49, %dma_wait3A_50] : memref<10016x16xf32, #tpu.memory_space<vmem_shared>> -> memref<16x16xf32, #tpu.memory_space<vmem_shared>>
        tpu.wait_dma2 semaphore(%run_scoped3A_38 : memref<!tpu.dma_semaphore, #tpu.memory_space<semaphore_mem>>) src(%dma_wait3A_51 : memref<16x16xf32, #tpu.memory_space<vmem_shared>>) dst(%dma_wait3A_48 : memref<16x16xf32, #tpu.memory_space<hbm>>)
        tpu.yield
      }) : () -> ()
    } else {
    }
    return
  }
}

#map = affine_map<(d0, d1) -> (0)>
#map1 = affine_map<(d0, d1) -> (0, 0, 0)>
module attributes {stable_mosaic.version = 14 : i64} {
  func.func @_deg_kernel(%arg0: i32, %arg1: i32, %arg2: memref<320000xi32, #tpu.memory_space<hbm>>, %arg3: memref<10x32x1000xf32, #tpu.memory_space<hbm>>, %arg4: memref<10000xi32, #tpu.memory_space<vmem>>, %arg5: memref<10000xf32, #tpu.memory_space<vmem>>) attributes {dimension_semantics = [#tpu.dimension_semantics<core_parallel>, #tpu.dimension_semantics<subcore_parallel>], iteration_bounds = array<i64: 2, 16>, scalar_prefetch = 0 : i64, scratch_operands = 2 : i64, tpu.core_type = #tpu.core_type<sc_vector_subcore>, window_params = [{transform_indices = #map}, {transform_indices = #map1}]} {
    %mul3A = arith.constant 16 : i32
    %mul3A_0 = arith.muli %arg0, %mul3A : i32
    %add3A = arith.addi %mul3A_0, %arg1 : i32
    %mul3A_1 = arith.constant 10000 : i32
    %mul3A_2 = arith.muli %add3A, %mul3A_1 : i32
    "tpu.region"() ({
      %run_scoped3A_26 = tpu.sem_alloc : memref<!tpu.dma_semaphore, #tpu.memory_space<semaphore_mem>>
      %dma_start3A = tpu.memref_slice %arg2[%mul3A_2] : memref<320000xi32, #tpu.memory_space<hbm>> -> memref<10000xi32, #tpu.memory_space<hbm>>
      %dma_start3A_27 = tpu.memref_slice %arg2[%mul3A_2] : memref<320000xi32, #tpu.memory_space<hbm>> -> memref<10000xi32, #tpu.memory_space<hbm>>
      tpu.enqueue_dma source(%dma_start3A_27 : memref<10000xi32, #tpu.memory_space<hbm>>) target(%arg4 : memref<10000xi32, #tpu.memory_space<vmem>>) target_semaphore(%run_scoped3A_26 : memref<!tpu.dma_semaphore, #tpu.memory_space<semaphore_mem>>)
      %dma_wait3A = tpu.memref_slice %arg2[%mul3A_2] : memref<320000xi32, #tpu.memory_space<hbm>> -> memref<10000xi32, #tpu.memory_space<hbm>>
      %dma_wait3A_28 = tpu.memref_slice %arg2[%mul3A_2] : memref<320000xi32, #tpu.memory_space<hbm>> -> memref<10000xi32, #tpu.memory_space<hbm>>
      tpu.wait_dma2 semaphore(%run_scoped3A_26 : memref<!tpu.dma_semaphore, #tpu.memory_space<semaphore_mem>>) src(%dma_wait3A_28 : memref<10000xi32, #tpu.memory_space<hbm>>) dst(%arg4 : memref<10000xi32, #tpu.memory_space<vmem>>)
      tpu.yield
    }) : () -> ()
    %broadcast_in_dim3A = arith.constant 0.000000e+00 : f32
    %broadcast_in_dim3A_3 = vector.broadcast %broadcast_in_dim3A : f32 to vector<16xf32>
    %scan3A = arith.constant 0 : i32
    %scan3A_4 = arith.constant 0 : i32
    %scan3A_5 = arith.constant 625 : i32
    %scan3A_6 = arith.addi %scan3A_4, %scan3A_5 : i32
    %scan3A_7 = arith.constant 1 : i32
    scf.for %scan3A_26 = %scan3A_4 to %scan3A_6 step %scan3A_7  : i32 {
      %mul3A_27 = arith.constant 16 : i32
      %mul3A_28 = arith.muli %scan3A_26, %mul3A_27 : i32
      %swap3A = arith.index_cast %mul3A_28 : i32 to index
      %swap3A_29 = tpu.vector_load %arg5[%swap3A] {strides = array<i32>} : memref<10000xf32, #tpu.memory_space<vmem>>, vector<16xf32>,
      tpu.vector_store %arg5[%swap3A], %broadcast_in_dim3A_3 {strides = array<i32>} : memref<10000xf32, #tpu.memory_space<vmem>>, vector<16xf32>,
    }
    %scan3A_8 = arith.constant 625 : i32
    %broadcast_in_dim3A_9 = arith.constant 1.000000e+00 : f32
    %broadcast_in_dim3A_10 = vector.broadcast %broadcast_in_dim3A_9 : f32 to vector<16xf32>
    %scan3A_11 = arith.constant 0 : i32
    %scan3A_12 = arith.constant 0 : i32
    %scan3A_13 = arith.constant 625 : i32
    %scan3A_14 = arith.addi %scan3A_12, %scan3A_13 : i32
    %scan3A_15 = arith.constant 1 : i32
    scf.for %scan3A_26 = %scan3A_12 to %scan3A_14 step %scan3A_15  : i32 {
      %mul3A_27 = arith.constant 16 : i32
      %mul3A_28 = arith.muli %scan3A_26, %mul3A_27 : i32
      %get3A = arith.index_cast %mul3A_28 : i32 to index
      %get3A_29 = tpu.vector_load %arg4[%get3A] {strides = array<i32>} : memref<10000xi32, #tpu.memory_space<vmem>>, vector<16xi32>,
      tpu.vector_store_idx %arg5[%get3A_29], %broadcast_in_dim3A_10 {add = true} : memref<10000xf32, #tpu.memory_space<vmem>>[vector<16xi32>], vector<16xf32>,
    }
    %scan3A_16 = arith.constant 625 : i32
    %run_scoped3A = arith.constant 0 : i32
    "tpu.region"() ({
      %run_scoped3A_26 = tpu.sem_alloc : memref<!tpu.dma_semaphore, #tpu.memory_space<semaphore_mem>>
      %dma_start3A = arith.constant 0 : i32
      %dma_start3A_27 = tpu.memref_slice %arg5[%dma_start3A] : memref<10000xf32, #tpu.memory_space<vmem>> -> memref<1000xf32, #tpu.memory_space<vmem>>
      %dma_start3A_28 = arith.constant 0 : i32
      %dma_start3A_29 = tpu.memref_slice %arg3[%run_scoped3A, %add3A, %dma_start3A_28] : memref<10x32x1000xf32, #tpu.memory_space<hbm>> -> memref<1x1x1000xf32, #tpu.memory_space<hbm>>
      %dma_start3A_30 = tpu.memref_squeeze %dma_start3A_29 : memref<1x1x1000xf32, #tpu.memory_space<hbm>> -> memref<1000xf32, #tpu.memory_space<hbm>>
      %dma_start3A_31 = arith.constant 0 : i32
      %dma_start3A_32 = tpu.memref_slice %arg3[%run_scoped3A, %add3A, %dma_start3A_31] : memref<10x32x1000xf32, #tpu.memory_space<hbm>> -> memref<1x1x1000xf32, #tpu.memory_space<hbm>>
      %dma_start3A_33 = tpu.memref_squeeze %dma_start3A_32 : memref<1x1x1000xf32, #tpu.memory_space<hbm>> -> memref<1000xf32, #tpu.memory_space<hbm>>
      %dma_start3A_34 = arith.constant 0 : i32
      %dma_start3A_35 = tpu.memref_slice %arg5[%dma_start3A_34] : memref<10000xf32, #tpu.memory_space<vmem>> -> memref<1000xf32, #tpu.memory_space<vmem>>
      tpu.enqueue_dma source(%dma_start3A_35 : memref<1000xf32, #tpu.memory_space<vmem>>) target(%dma_start3A_33 : memref<1000xf32, #tpu.memory_space<hbm>>) target_semaphore(%run_scoped3A_26 : memref<!tpu.dma_semaphore, #tpu.memory_space<semaphore_mem>>)
      %dma_wait3A = arith.constant 0 : i32
      %dma_wait3A_36 = tpu.memref_slice %arg5[%dma_wait3A] : memref<10000xf32, #tpu.memory_space<vmem>> -> memref<1000xf32, #tpu.memory_space<vmem>>
      %dma_wait3A_37 = arith.constant 0 : i32
      %dma_wait3A_38 = tpu.memref_slice %arg3[%run_scoped3A, %add3A, %dma_wait3A_37] : memref<10x32x1000xf32, #tpu.memory_space<hbm>> -> memref<1x1x1000xf32, #tpu.memory_space<hbm>>
      %dma_wait3A_39 = tpu.memref_squeeze %dma_wait3A_38 : memref<1x1x1000xf32, #tpu.memory_space<hbm>> -> memref<1000xf32, #tpu.memory_space<hbm>>
      %dma_wait3A_40 = arith.constant 0 : i32
      %dma_wait3A_41 = tpu.memref_slice %arg3[%run_scoped3A, %add3A, %dma_wait3A_40] : memref<10x32x1000xf32, #tpu.memory_space<hbm>> -> memref<1x1x1000xf32, #tpu.memory_space<hbm>>
      %dma_wait3A_42 = tpu.memref_squeeze %dma_wait3A_41 : memref<1x1x1000xf32, #tpu.memory_space<hbm>> -> memref<1000xf32, #tpu.memory_space<hbm>>
      %dma_wait3A_43 = arith.constant 0 : i32
      %dma_wait3A_44 = tpu.memref_slice %arg5[%dma_wait3A_43] : memref<10000xf32, #tpu.memory_space<vmem>> -> memref<1000xf32, #tpu.memory_space<vmem>>
      tpu.wait_dma2 semaphore(%run_scoped3A_26 : memref<!tpu.dma_semaphore, #tpu.memory_space<semaphore_mem>>) src(%dma_wait3A_44 : memref<1000xf32, #tpu.memory_space<vmem>>) dst(%dma_wait3A_42 : memref<1000xf32, #tpu.memory_space<hbm>>)
      tpu.yield
    }) : () -> ()
    %run_scoped3A_17 = arith.constant 1 : i32
    "tpu.region"() ({
      %run_scoped3A_26 = tpu.sem_alloc : memref<!tpu.dma_semaphore, #tpu.memory_space<semaphore_mem>>
      %dma_start3A = arith.constant 1000 : i32
      %dma_start3A_27 = tpu.memref_slice %arg5[%dma_start3A] : memref<10000xf32, #tpu.memory_space<vmem>> -> memref<1000xf32, #tpu.memory_space<vmem>>
      %dma_start3A_28 = arith.constant 0 : i32
      %dma_start3A_29 = tpu.memref_slice %arg3[%run_scoped3A_17, %add3A, %dma_start3A_28] : memref<10x32x1000xf32, #tpu.memory_space<hbm>> -> memref<1x1x1000xf32, #tpu.memory_space<hbm>>
      %dma_start3A_30 = tpu.memref_squeeze %dma_start3A_29 : memref<1x1x1000xf32, #tpu.memory_space<hbm>> -> memref<1000xf32, #tpu.memory_space<hbm>>
      %dma_start3A_31 = arith.constant 0 : i32
      %dma_start3A_32 = tpu.memref_slice %arg3[%run_scoped3A_17, %add3A, %dma_start3A_31] : memref<10x32x1000xf32, #tpu.memory_space<hbm>> -> memref<1x1x1000xf32, #tpu.memory_space<hbm>>
      %dma_start3A_33 = tpu.memref_squeeze %dma_start3A_32 : memref<1x1x1000xf32, #tpu.memory_space<hbm>> -> memref<1000xf32, #tpu.memory_space<hbm>>
      %dma_start3A_34 = arith.constant 1000 : i32
      %dma_start3A_35 = tpu.memref_slice %arg5[%dma_start3A_34] : memref<10000xf32, #tpu.memory_space<vmem>> -> memref<1000xf32, #tpu.memory_space<vmem>>
      tpu.enqueue_dma source(%dma_start3A_35 : memref<1000xf32, #tpu.memory_space<vmem>>) target(%dma_start3A_33 : memref<1000xf32, #tpu.memory_space<hbm>>) target_semaphore(%run_scoped3A_26 : memref<!tpu.dma_semaphore, #tpu.memory_space<semaphore_mem>>)
      %dma_wait3A = arith.constant 1000 : i32
      %dma_wait3A_36 = tpu.memref_slice %arg5[%dma_wait3A] : memref<10000xf32, #tpu.memory_space<vmem>> -> memref<1000xf32, #tpu.memory_space<vmem>>
      %dma_wait3A_37 = arith.constant 0 : i32
      %dma_wait3A_38 = tpu.memref_slice %arg3[%run_scoped3A_17, %add3A, %dma_wait3A_37] : memref<10x32x1000xf32, #tpu.memory_space<hbm>> -> memref<1x1x1000xf32, #tpu.memory_space<hbm>>
      %dma_wait3A_39 = tpu.memref_squeeze %dma_wait3A_38 : memref<1x1x1000xf32, #tpu.memory_space<hbm>> -> memref<1000xf32, #tpu.memory_space<hbm>>
      %dma_wait3A_40 = arith.constant 0 : i32
      %dma_wait3A_41 = tpu.memref_slice %arg3[%run_scoped3A_17, %add3A, %dma_wait3A_40] : memref<10x32x1000xf32, #tpu.memory_space<hbm>> -> memref<1x1x1000xf32, #tpu.memory_space<hbm>>
      %dma_wait3A_42 = tpu.memref_squeeze %dma_wait3A_41 : memref<1x1x1000xf32, #tpu.memory_space<hbm>> -> memref<1000xf32, #tpu.memory_space<hbm>>
      %dma_wait3A_43 = arith.constant 1000 : i32
      %dma_wait3A_44 = tpu.memref_slice %arg5[%dma_wait3A_43] : memref<10000xf32, #tpu.memory_space<vmem>> -> memref<1000xf32, #tpu.memory_space<vmem>>
      tpu.wait_dma2 semaphore(%run_scoped3A_26 : memref<!tpu.dma_semaphore, #tpu.memory_space<semaphore_mem>>) src(%dma_wait3A_44 : memref<1000xf32, #tpu.memory_space<vmem>>) dst(%dma_wait3A_42 : memref<1000xf32, #tpu.memory_space<hbm>>)
      tpu.yield
    }) : () -> ()
    %run_scoped3A_18 = arith.constant 2 : i32
    "tpu.region"() ({
      %run_scoped3A_26 = tpu.sem_alloc : memref<!tpu.dma_semaphore, #tpu.memory_space<semaphore_mem>>
      %dma_start3A = arith.constant 2000 : i32
      %dma_start3A_27 = tpu.memref_slice %arg5[%dma_start3A] : memref<10000xf32, #tpu.memory_space<vmem>> -> memref<1000xf32, #tpu.memory_space<vmem>>
      %dma_start3A_28 = arith.constant 0 : i32
      %dma_start3A_29 = tpu.memref_slice %arg3[%run_scoped3A_18, %add3A, %dma_start3A_28] : memref<10x32x1000xf32, #tpu.memory_space<hbm>> -> memref<1x1x1000xf32, #tpu.memory_space<hbm>>
      %dma_start3A_30 = tpu.memref_squeeze %dma_start3A_29 : memref<1x1x1000xf32, #tpu.memory_space<hbm>> -> memref<1000xf32, #tpu.memory_space<hbm>>
      %dma_start3A_31 = arith.constant 0 : i32
      %dma_start3A_32 = tpu.memref_slice %arg3[%run_scoped3A_18, %add3A, %dma_start3A_31] : memref<10x32x1000xf32, #tpu.memory_space<hbm>> -> memref<1x1x1000xf32, #tpu.memory_space<hbm>>
      %dma_start3A_33 = tpu.memref_squeeze %dma_start3A_32 : memref<1x1x1000xf32, #tpu.memory_space<hbm>> -> memref<1000xf32, #tpu.memory_space<hbm>>
      %dma_start3A_34 = arith.constant 2000 : i32
      %dma_start3A_35 = tpu.memref_slice %arg5[%dma_start3A_34] : memref<10000xf32, #tpu.memory_space<vmem>> -> memref<1000xf32, #tpu.memory_space<vmem>>
      tpu.enqueue_dma source(%dma_start3A_35 : memref<1000xf32, #tpu.memory_space<vmem>>) target(%dma_start3A_33 : memref<1000xf32, #tpu.memory_space<hbm>>) target_semaphore(%run_scoped3A_26 : memref<!tpu.dma_semaphore, #tpu.memory_space<semaphore_mem>>)
      %dma_wait3A = arith.constant 2000 : i32
      %dma_wait3A_36 = tpu.memref_slice %arg5[%dma_wait3A] : memref<10000xf32, #tpu.memory_space<vmem>> -> memref<1000xf32, #tpu.memory_space<vmem>>
      %dma_wait3A_37 = arith.constant 0 : i32
      %dma_wait3A_38 = tpu.memref_slice %arg3[%run_scoped3A_18, %add3A, %dma_wait3A_37] : memref<10x32x1000xf32, #tpu.memory_space<hbm>> -> memref<1x1x1000xf32, #tpu.memory_space<hbm>>
      %dma_wait3A_39 = tpu.memref_squeeze %dma_wait3A_38 : memref<1x1x1000xf32, #tpu.memory_space<hbm>> -> memref<1000xf32, #tpu.memory_space<hbm>>
      %dma_wait3A_40 = arith.constant 0 : i32
      %dma_wait3A_41 = tpu.memref_slice %arg3[%run_scoped3A_18, %add3A, %dma_wait3A_40] : memref<10x32x1000xf32, #tpu.memory_space<hbm>> -> memref<1x1x1000xf32, #tpu.memory_space<hbm>>
      %dma_wait3A_42 = tpu.memref_squeeze %dma_wait3A_41 : memref<1x1x1000xf32, #tpu.memory_space<hbm>> -> memref<1000xf32, #tpu.memory_space<hbm>>
      %dma_wait3A_43 = arith.constant 2000 : i32
      %dma_wait3A_44 = tpu.memref_slice %arg5[%dma_wait3A_43] : memref<10000xf32, #tpu.memory_space<vmem>> -> memref<1000xf32, #tpu.memory_space<vmem>>
      tpu.wait_dma2 semaphore(%run_scoped3A_26 : memref<!tpu.dma_semaphore, #tpu.memory_space<semaphore_mem>>) src(%dma_wait3A_44 : memref<1000xf32, #tpu.memory_space<vmem>>) dst(%dma_wait3A_42 : memref<1000xf32, #tpu.memory_space<hbm>>)
      tpu.yield
    }) : () -> ()
    %run_scoped3A_19 = arith.constant 3 : i32
    "tpu.region"() ({
      %run_scoped3A_26 = tpu.sem_alloc : memref<!tpu.dma_semaphore, #tpu.memory_space<semaphore_mem>>
      %dma_start3A = arith.constant 3000 : i32
      %dma_start3A_27 = tpu.memref_slice %arg5[%dma_start3A] : memref<10000xf32, #tpu.memory_space<vmem>> -> memref<1000xf32, #tpu.memory_space<vmem>>
      %dma_start3A_28 = arith.constant 0 : i32
      %dma_start3A_29 = tpu.memref_slice %arg3[%run_scoped3A_19, %add3A, %dma_start3A_28] : memref<10x32x1000xf32, #tpu.memory_space<hbm>> -> memref<1x1x1000xf32, #tpu.memory_space<hbm>>
      %dma_start3A_30 = tpu.memref_squeeze %dma_start3A_29 : memref<1x1x1000xf32, #tpu.memory_space<hbm>> -> memref<1000xf32, #tpu.memory_space<hbm>>
      %dma_start3A_31 = arith.constant 0 : i32
      %dma_start3A_32 = tpu.memref_slice %arg3[%run_scoped3A_19, %add3A, %dma_start3A_31] : memref<10x32x1000xf32, #tpu.memory_space<hbm>> -> memref<1x1x1000xf32, #tpu.memory_space<hbm>>
      %dma_start3A_33 = tpu.memref_squeeze %dma_start3A_32 : memref<1x1x1000xf32, #tpu.memory_space<hbm>> -> memref<1000xf32, #tpu.memory_space<hbm>>
      %dma_start3A_34 = arith.constant 3000 : i32
      %dma_start3A_35 = tpu.memref_slice %arg5[%dma_start3A_34] : memref<10000xf32, #tpu.memory_space<vmem>> -> memref<1000xf32, #tpu.memory_space<vmem>>
      tpu.enqueue_dma source(%dma_start3A_35 : memref<1000xf32, #tpu.memory_space<vmem>>) target(%dma_start3A_33 : memref<1000xf32, #tpu.memory_space<hbm>>) target_semaphore(%run_scoped3A_26 : memref<!tpu.dma_semaphore, #tpu.memory_space<semaphore_mem>>)
      %dma_wait3A = arith.constant 3000 : i32
      %dma_wait3A_36 = tpu.memref_slice %arg5[%dma_wait3A] : memref<10000xf32, #tpu.memory_space<vmem>> -> memref<1000xf32, #tpu.memory_space<vmem>>
      %dma_wait3A_37 = arith.constant 0 : i32
      %dma_wait3A_38 = tpu.memref_slice %arg3[%run_scoped3A_19, %add3A, %dma_wait3A_37] : memref<10x32x1000xf32, #tpu.memory_space<hbm>> -> memref<1x1x1000xf32, #tpu.memory_space<hbm>>
      %dma_wait3A_39 = tpu.memref_squeeze %dma_wait3A_38 : memref<1x1x1000xf32, #tpu.memory_space<hbm>> -> memref<1000xf32, #tpu.memory_space<hbm>>
      %dma_wait3A_40 = arith.constant 0 : i32
      %dma_wait3A_41 = tpu.memref_slice %arg3[%run_scoped3A_19, %add3A, %dma_wait3A_40] : memref<10x32x1000xf32, #tpu.memory_space<hbm>> -> memref<1x1x1000xf32, #tpu.memory_space<hbm>>
      %dma_wait3A_42 = tpu.memref_squeeze %dma_wait3A_41 : memref<1x1x1000xf32, #tpu.memory_space<hbm>> -> memref<1000xf32, #tpu.memory_space<hbm>>
      %dma_wait3A_43 = arith.constant 3000 : i32
      %dma_wait3A_44 = tpu.memref_slice %arg5[%dma_wait3A_43] : memref<10000xf32, #tpu.memory_space<vmem>> -> memref<1000xf32, #tpu.memory_space<vmem>>
      tpu.wait_dma2 semaphore(%run_scoped3A_26 : memref<!tpu.dma_semaphore, #tpu.memory_space<semaphore_mem>>) src(%dma_wait3A_44 : memref<1000xf32, #tpu.memory_space<vmem>>) dst(%dma_wait3A_42 : memref<1000xf32, #tpu.memory_space<hbm>>)
      tpu.yield
    }) : () -> ()
    %run_scoped3A_20 = arith.constant 4 : i32
    "tpu.region"() ({
      %run_scoped3A_26 = tpu.sem_alloc : memref<!tpu.dma_semaphore, #tpu.memory_space<semaphore_mem>>
      %dma_start3A = arith.constant 4000 : i32
      %dma_start3A_27 = tpu.memref_slice %arg5[%dma_start3A] : memref<10000xf32, #tpu.memory_space<vmem>> -> memref<1000xf32, #tpu.memory_space<vmem>>
      %dma_start3A_28 = arith.constant 0 : i32
      %dma_start3A_29 = tpu.memref_slice %arg3[%run_scoped3A_20, %add3A, %dma_start3A_28] : memref<10x32x1000xf32, #tpu.memory_space<hbm>> -> memref<1x1x1000xf32, #tpu.memory_space<hbm>>
      %dma_start3A_30 = tpu.memref_squeeze %dma_start3A_29 : memref<1x1x1000xf32, #tpu.memory_space<hbm>> -> memref<1000xf32, #tpu.memory_space<hbm>>
      %dma_start3A_31 = arith.constant 0 : i32
      %dma_start3A_32 = tpu.memref_slice %arg3[%run_scoped3A_20, %add3A, %dma_start3A_31] : memref<10x32x1000xf32, #tpu.memory_space<hbm>> -> memref<1x1x1000xf32, #tpu.memory_space<hbm>>
      %dma_start3A_33 = tpu.memref_squeeze %dma_start3A_32 : memref<1x1x1000xf32, #tpu.memory_space<hbm>> -> memref<1000xf32, #tpu.memory_space<hbm>>
      %dma_start3A_34 = arith.constant 4000 : i32
      %dma_start3A_35 = tpu.memref_slice %arg5[%dma_start3A_34] : memref<10000xf32, #tpu.memory_space<vmem>> -> memref<1000xf32, #tpu.memory_space<vmem>>
      tpu.enqueue_dma source(%dma_start3A_35 : memref<1000xf32, #tpu.memory_space<vmem>>) target(%dma_start3A_33 : memref<1000xf32, #tpu.memory_space<hbm>>) target_semaphore(%run_scoped3A_26 : memref<!tpu.dma_semaphore, #tpu.memory_space<semaphore_mem>>)
      %dma_wait3A = arith.constant 4000 : i32
      %dma_wait3A_36 = tpu.memref_slice %arg5[%dma_wait3A] : memref<10000xf32, #tpu.memory_space<vmem>> -> memref<1000xf32, #tpu.memory_space<vmem>>
      %dma_wait3A_37 = arith.constant 0 : i32
      %dma_wait3A_38 = tpu.memref_slice %arg3[%run_scoped3A_20, %add3A, %dma_wait3A_37] : memref<10x32x1000xf32, #tpu.memory_space<hbm>> -> memref<1x1x1000xf32, #tpu.memory_space<hbm>>
      %dma_wait3A_39 = tpu.memref_squeeze %dma_wait3A_38 : memref<1x1x1000xf32, #tpu.memory_space<hbm>> -> memref<1000xf32, #tpu.memory_space<hbm>>
      %dma_wait3A_40 = arith.constant 0 : i32
      %dma_wait3A_41 = tpu.memref_slice %arg3[%run_scoped3A_20, %add3A, %dma_wait3A_40] : memref<10x32x1000xf32, #tpu.memory_space<hbm>> -> memref<1x1x1000xf32, #tpu.memory_space<hbm>>
      %dma_wait3A_42 = tpu.memref_squeeze %dma_wait3A_41 : memref<1x1x1000xf32, #tpu.memory_space<hbm>> -> memref<1000xf32, #tpu.memory_space<hbm>>
      %dma_wait3A_43 = arith.constant 4000 : i32
      %dma_wait3A_44 = tpu.memref_slice %arg5[%dma_wait3A_43] : memref<10000xf32, #tpu.memory_space<vmem>> -> memref<1000xf32, #tpu.memory_space<vmem>>
      tpu.wait_dma2 semaphore(%run_scoped3A_26 : memref<!tpu.dma_semaphore, #tpu.memory_space<semaphore_mem>>) src(%dma_wait3A_44 : memref<1000xf32, #tpu.memory_space<vmem>>) dst(%dma_wait3A_42 : memref<1000xf32, #tpu.memory_space<hbm>>)
      tpu.yield
    }) : () -> ()
    %run_scoped3A_21 = arith.constant 5 : i32
    "tpu.region"() ({
      %run_scoped3A_26 = tpu.sem_alloc : memref<!tpu.dma_semaphore, #tpu.memory_space<semaphore_mem>>
      %dma_start3A = arith.constant 5000 : i32
      %dma_start3A_27 = tpu.memref_slice %arg5[%dma_start3A] : memref<10000xf32, #tpu.memory_space<vmem>> -> memref<1000xf32, #tpu.memory_space<vmem>>
      %dma_start3A_28 = arith.constant 0 : i32
      %dma_start3A_29 = tpu.memref_slice %arg3[%run_scoped3A_21, %add3A, %dma_start3A_28] : memref<10x32x1000xf32, #tpu.memory_space<hbm>> -> memref<1x1x1000xf32, #tpu.memory_space<hbm>>
      %dma_start3A_30 = tpu.memref_squeeze %dma_start3A_29 : memref<1x1x1000xf32, #tpu.memory_space<hbm>> -> memref<1000xf32, #tpu.memory_space<hbm>>
      %dma_start3A_31 = arith.constant 0 : i32
      %dma_start3A_32 = tpu.memref_slice %arg3[%run_scoped3A_21, %add3A, %dma_start3A_31] : memref<10x32x1000xf32, #tpu.memory_space<hbm>> -> memref<1x1x1000xf32, #tpu.memory_space<hbm>>
      %dma_start3A_33 = tpu.memref_squeeze %dma_start3A_32 : memref<1x1x1000xf32, #tpu.memory_space<hbm>> -> memref<1000xf32, #tpu.memory_space<hbm>>
      %dma_start3A_34 = arith.constant 5000 : i32
      %dma_start3A_35 = tpu.memref_slice %arg5[%dma_start3A_34] : memref<10000xf32, #tpu.memory_space<vmem>> -> memref<1000xf32, #tpu.memory_space<vmem>>
      tpu.enqueue_dma source(%dma_start3A_35 : memref<1000xf32, #tpu.memory_space<vmem>>) target(%dma_start3A_33 : memref<1000xf32, #tpu.memory_space<hbm>>) target_semaphore(%run_scoped3A_26 : memref<!tpu.dma_semaphore, #tpu.memory_space<semaphore_mem>>)
      %dma_wait3A = arith.constant 5000 : i32
      %dma_wait3A_36 = tpu.memref_slice %arg5[%dma_wait3A] : memref<10000xf32, #tpu.memory_space<vmem>> -> memref<1000xf32, #tpu.memory_space<vmem>>
      %dma_wait3A_37 = arith.constant 0 : i32
      %dma_wait3A_38 = tpu.memref_slice %arg3[%run_scoped3A_21, %add3A, %dma_wait3A_37] : memref<10x32x1000xf32, #tpu.memory_space<hbm>> -> memref<1x1x1000xf32, #tpu.memory_space<hbm>>
      %dma_wait3A_39 = tpu.memref_squeeze %dma_wait3A_38 : memref<1x1x1000xf32, #tpu.memory_space<hbm>> -> memref<1000xf32, #tpu.memory_space<hbm>>
      %dma_wait3A_40 = arith.constant 0 : i32
      %dma_wait3A_41 = tpu.memref_slice %arg3[%run_scoped3A_21, %add3A, %dma_wait3A_40] : memref<10x32x1000xf32, #tpu.memory_space<hbm>> -> memref<1x1x1000xf32, #tpu.memory_space<hbm>>
      %dma_wait3A_42 = tpu.memref_squeeze %dma_wait3A_41 : memref<1x1x1000xf32, #tpu.memory_space<hbm>> -> memref<1000xf32, #tpu.memory_space<hbm>>
      %dma_wait3A_43 = arith.constant 5000 : i32
      %dma_wait3A_44 = tpu.memref_slice %arg5[%dma_wait3A_43] : memref<10000xf32, #tpu.memory_space<vmem>> -> memref<1000xf32, #tpu.memory_space<vmem>>
      tpu.wait_dma2 semaphore(%run_scoped3A_26 : memref<!tpu.dma_semaphore, #tpu.memory_space<semaphore_mem>>) src(%dma_wait3A_44 : memref<1000xf32, #tpu.memory_space<vmem>>) dst(%dma_wait3A_42 : memref<1000xf32, #tpu.memory_space<hbm>>)
      tpu.yield
    }) : () -> ()
    %run_scoped3A_22 = arith.constant 6 : i32
    "tpu.region"() ({
      %run_scoped3A_26 = tpu.sem_alloc : memref<!tpu.dma_semaphore, #tpu.memory_space<semaphore_mem>>
      %dma_start3A = arith.constant 6000 : i32
      %dma_start3A_27 = tpu.memref_slice %arg5[%dma_start3A] : memref<10000xf32, #tpu.memory_space<vmem>> -> memref<1000xf32, #tpu.memory_space<vmem>>
      %dma_start3A_28 = arith.constant 0 : i32
      %dma_start3A_29 = tpu.memref_slice %arg3[%run_scoped3A_22, %add3A, %dma_start3A_28] : memref<10x32x1000xf32, #tpu.memory_space<hbm>> -> memref<1x1x1000xf32, #tpu.memory_space<hbm>>
      %dma_start3A_30 = tpu.memref_squeeze %dma_start3A_29 : memref<1x1x1000xf32, #tpu.memory_space<hbm>> -> memref<1000xf32, #tpu.memory_space<hbm>>
      %dma_start3A_31 = arith.constant 0 : i32
      %dma_start3A_32 = tpu.memref_slice %arg3[%run_scoped3A_22, %add3A, %dma_start3A_31] : memref<10x32x1000xf32, #tpu.memory_space<hbm>> -> memref<1x1x1000xf32, #tpu.memory_space<hbm>>
      %dma_start3A_33 = tpu.memref_squeeze %dma_start3A_32 : memref<1x1x1000xf32, #tpu.memory_space<hbm>> -> memref<1000xf32, #tpu.memory_space<hbm>>
      %dma_start3A_34 = arith.constant 6000 : i32
      %dma_start3A_35 = tpu.memref_slice %arg5[%dma_start3A_34] : memref<10000xf32, #tpu.memory_space<vmem>> -> memref<1000xf32, #tpu.memory_space<vmem>>
      tpu.enqueue_dma source(%dma_start3A_35 : memref<1000xf32, #tpu.memory_space<vmem>>) target(%dma_start3A_33 : memref<1000xf32, #tpu.memory_space<hbm>>) target_semaphore(%run_scoped3A_26 : memref<!tpu.dma_semaphore, #tpu.memory_space<semaphore_mem>>)
      %dma_wait3A = arith.constant 6000 : i32
      %dma_wait3A_36 = tpu.memref_slice %arg5[%dma_wait3A] : memref<10000xf32, #tpu.memory_space<vmem>> -> memref<1000xf32, #tpu.memory_space<vmem>>
      %dma_wait3A_37 = arith.constant 0 : i32
      %dma_wait3A_38 = tpu.memref_slice %arg3[%run_scoped3A_22, %add3A, %dma_wait3A_37] : memref<10x32x1000xf32, #tpu.memory_space<hbm>> -> memref<1x1x1000xf32, #tpu.memory_space<hbm>>
      %dma_wait3A_39 = tpu.memref_squeeze %dma_wait3A_38 : memref<1x1x1000xf32, #tpu.memory_space<hbm>> -> memref<1000xf32, #tpu.memory_space<hbm>>
      %dma_wait3A_40 = arith.constant 0 : i32
      %dma_wait3A_41 = tpu.memref_slice %arg3[%run_scoped3A_22, %add3A, %dma_wait3A_40] : memref<10x32x1000xf32, #tpu.memory_space<hbm>> -> memref<1x1x1000xf32, #tpu.memory_space<hbm>>
      %dma_wait3A_42 = tpu.memref_squeeze %dma_wait3A_41 : memref<1x1x1000xf32, #tpu.memory_space<hbm>> -> memref<1000xf32, #tpu.memory_space<hbm>>
      %dma_wait3A_43 = arith.constant 6000 : i32
      %dma_wait3A_44 = tpu.memref_slice %arg5[%dma_wait3A_43] : memref<10000xf32, #tpu.memory_space<vmem>> -> memref<1000xf32, #tpu.memory_space<vmem>>
      tpu.wait_dma2 semaphore(%run_scoped3A_26 : memref<!tpu.dma_semaphore, #tpu.memory_space<semaphore_mem>>) src(%dma_wait3A_44 : memref<1000xf32, #tpu.memory_space<vmem>>) dst(%dma_wait3A_42 : memref<1000xf32, #tpu.memory_space<hbm>>)
      tpu.yield
    }) : () -> ()
    %run_scoped3A_23 = arith.constant 7 : i32
    "tpu.region"() ({
      %run_scoped3A_26 = tpu.sem_alloc : memref<!tpu.dma_semaphore, #tpu.memory_space<semaphore_mem>>
      %dma_start3A = arith.constant 7000 : i32
      %dma_start3A_27 = tpu.memref_slice %arg5[%dma_start3A] : memref<10000xf32, #tpu.memory_space<vmem>> -> memref<1000xf32, #tpu.memory_space<vmem>>
      %dma_start3A_28 = arith.constant 0 : i32
      %dma_start3A_29 = tpu.memref_slice %arg3[%run_scoped3A_23, %add3A, %dma_start3A_28] : memref<10x32x1000xf32, #tpu.memory_space<hbm>> -> memref<1x1x1000xf32, #tpu.memory_space<hbm>>
      %dma_start3A_30 = tpu.memref_squeeze %dma_start3A_29 : memref<1x1x1000xf32, #tpu.memory_space<hbm>> -> memref<1000xf32, #tpu.memory_space<hbm>>
      %dma_start3A_31 = arith.constant 0 : i32
      %dma_start3A_32 = tpu.memref_slice %arg3[%run_scoped3A_23, %add3A, %dma_start3A_31] : memref<10x32x1000xf32, #tpu.memory_space<hbm>> -> memref<1x1x1000xf32, #tpu.memory_space<hbm>>
      %dma_start3A_33 = tpu.memref_squeeze %dma_start3A_32 : memref<1x1x1000xf32, #tpu.memory_space<hbm>> -> memref<1000xf32, #tpu.memory_space<hbm>>
      %dma_start3A_34 = arith.constant 7000 : i32
      %dma_start3A_35 = tpu.memref_slice %arg5[%dma_start3A_34] : memref<10000xf32, #tpu.memory_space<vmem>> -> memref<1000xf32, #tpu.memory_space<vmem>>
      tpu.enqueue_dma source(%dma_start3A_35 : memref<1000xf32, #tpu.memory_space<vmem>>) target(%dma_start3A_33 : memref<1000xf32, #tpu.memory_space<hbm>>) target_semaphore(%run_scoped3A_26 : memref<!tpu.dma_semaphore, #tpu.memory_space<semaphore_mem>>)
      %dma_wait3A = arith.constant 7000 : i32
      %dma_wait3A_36 = tpu.memref_slice %arg5[%dma_wait3A] : memref<10000xf32, #tpu.memory_space<vmem>> -> memref<1000xf32, #tpu.memory_space<vmem>>
      %dma_wait3A_37 = arith.constant 0 : i32
      %dma_wait3A_38 = tpu.memref_slice %arg3[%run_scoped3A_23, %add3A, %dma_wait3A_37] : memref<10x32x1000xf32, #tpu.memory_space<hbm>> -> memref<1x1x1000xf32, #tpu.memory_space<hbm>>
      %dma_wait3A_39 = tpu.memref_squeeze %dma_wait3A_38 : memref<1x1x1000xf32, #tpu.memory_space<hbm>> -> memref<1000xf32, #tpu.memory_space<hbm>>
      %dma_wait3A_40 = arith.constant 0 : i32
      %dma_wait3A_41 = tpu.memref_slice %arg3[%run_scoped3A_23, %add3A, %dma_wait3A_40] : memref<10x32x1000xf32, #tpu.memory_space<hbm>> -> memref<1x1x1000xf32, #tpu.memory_space<hbm>>
      %dma_wait3A_42 = tpu.memref_squeeze %dma_wait3A_41 : memref<1x1x1000xf32, #tpu.memory_space<hbm>> -> memref<1000xf32, #tpu.memory_space<hbm>>
      %dma_wait3A_43 = arith.constant 7000 : i32
      %dma_wait3A_44 = tpu.memref_slice %arg5[%dma_wait3A_43] : memref<10000xf32, #tpu.memory_space<vmem>> -> memref<1000xf32, #tpu.memory_space<vmem>>
      tpu.wait_dma2 semaphore(%run_scoped3A_26 : memref<!tpu.dma_semaphore, #tpu.memory_space<semaphore_mem>>) src(%dma_wait3A_44 : memref<1000xf32, #tpu.memory_space<vmem>>) dst(%dma_wait3A_42 : memref<1000xf32, #tpu.memory_space<hbm>>)
      tpu.yield
    }) : () -> ()
    %run_scoped3A_24 = arith.constant 8 : i32
    "tpu.region"() ({
      %run_scoped3A_26 = tpu.sem_alloc : memref<!tpu.dma_semaphore, #tpu.memory_space<semaphore_mem>>
      %dma_start3A = arith.constant 8000 : i32
      %dma_start3A_27 = tpu.memref_slice %arg5[%dma_start3A] : memref<10000xf32, #tpu.memory_space<vmem>> -> memref<1000xf32, #tpu.memory_space<vmem>>
      %dma_start3A_28 = arith.constant 0 : i32
      %dma_start3A_29 = tpu.memref_slice %arg3[%run_scoped3A_24, %add3A, %dma_start3A_28] : memref<10x32x1000xf32, #tpu.memory_space<hbm>> -> memref<1x1x1000xf32, #tpu.memory_space<hbm>>
      %dma_start3A_30 = tpu.memref_squeeze %dma_start3A_29 : memref<1x1x1000xf32, #tpu.memory_space<hbm>> -> memref<1000xf32, #tpu.memory_space<hbm>>
      %dma_start3A_31 = arith.constant 0 : i32
      %dma_start3A_32 = tpu.memref_slice %arg3[%run_scoped3A_24, %add3A, %dma_start3A_31] : memref<10x32x1000xf32, #tpu.memory_space<hbm>> -> memref<1x1x1000xf32, #tpu.memory_space<hbm>>
      %dma_start3A_33 = tpu.memref_squeeze %dma_start3A_32 : memref<1x1x1000xf32, #tpu.memory_space<hbm>> -> memref<1000xf32, #tpu.memory_space<hbm>>
      %dma_start3A_34 = arith.constant 8000 : i32
      %dma_start3A_35 = tpu.memref_slice %arg5[%dma_start3A_34] : memref<10000xf32, #tpu.memory_space<vmem>> -> memref<1000xf32, #tpu.memory_space<vmem>>
      tpu.enqueue_dma source(%dma_start3A_35 : memref<1000xf32, #tpu.memory_space<vmem>>) target(%dma_start3A_33 : memref<1000xf32, #tpu.memory_space<hbm>>) target_semaphore(%run_scoped3A_26 : memref<!tpu.dma_semaphore, #tpu.memory_space<semaphore_mem>>)
      %dma_wait3A = arith.constant 8000 : i32
      %dma_wait3A_36 = tpu.memref_slice %arg5[%dma_wait3A] : memref<10000xf32, #tpu.memory_space<vmem>> -> memref<1000xf32, #tpu.memory_space<vmem>>
      %dma_wait3A_37 = arith.constant 0 : i32
      %dma_wait3A_38 = tpu.memref_slice %arg3[%run_scoped3A_24, %add3A, %dma_wait3A_37] : memref<10x32x1000xf32, #tpu.memory_space<hbm>> -> memref<1x1x1000xf32, #tpu.memory_space<hbm>>
      %dma_wait3A_39 = tpu.memref_squeeze %dma_wait3A_38 : memref<1x1x1000xf32, #tpu.memory_space<hbm>> -> memref<1000xf32, #tpu.memory_space<hbm>>
      %dma_wait3A_40 = arith.constant 0 : i32
      %dma_wait3A_41 = tpu.memref_slice %arg3[%run_scoped3A_24, %add3A, %dma_wait3A_40] : memref<10x32x1000xf32, #tpu.memory_space<hbm>> -> memref<1x1x1000xf32, #tpu.memory_space<hbm>>
      %dma_wait3A_42 = tpu.memref_squeeze %dma_wait3A_41 : memref<1x1x1000xf32, #tpu.memory_space<hbm>> -> memref<1000xf32, #tpu.memory_space<hbm>>
      %dma_wait3A_43 = arith.constant 8000 : i32
      %dma_wait3A_44 = tpu.memref_slice %arg5[%dma_wait3A_43] : memref<10000xf32, #tpu.memory_space<vmem>> -> memref<1000xf32, #tpu.memory_space<vmem>>
      tpu.wait_dma2 semaphore(%run_scoped3A_26 : memref<!tpu.dma_semaphore, #tpu.memory_space<semaphore_mem>>) src(%dma_wait3A_44 : memref<1000xf32, #tpu.memory_space<vmem>>) dst(%dma_wait3A_42 : memref<1000xf32, #tpu.memory_space<hbm>>)
      tpu.yield
    }) : () -> ()
    %run_scoped3A_25 = arith.constant 9 : i32
    "tpu.region"() ({
      %run_scoped3A_26 = tpu.sem_alloc : memref<!tpu.dma_semaphore, #tpu.memory_space<semaphore_mem>>
      %dma_start3A = arith.constant 9000 : i32
      %dma_start3A_27 = tpu.memref_slice %arg5[%dma_start3A] : memref<10000xf32, #tpu.memory_space<vmem>> -> memref<1000xf32, #tpu.memory_space<vmem>>
      %dma_start3A_28 = arith.constant 0 : i32
      %dma_start3A_29 = tpu.memref_slice %arg3[%run_scoped3A_25, %add3A, %dma_start3A_28] : memref<10x32x1000xf32, #tpu.memory_space<hbm>> -> memref<1x1x1000xf32, #tpu.memory_space<hbm>>
      %dma_start3A_30 = tpu.memref_squeeze %dma_start3A_29 : memref<1x1x1000xf32, #tpu.memory_space<hbm>> -> memref<1000xf32, #tpu.memory_space<hbm>>
      %dma_start3A_31 = arith.constant 0 : i32
      %dma_start3A_32 = tpu.memref_slice %arg3[%run_scoped3A_25, %add3A, %dma_start3A_31] : memref<10x32x1000xf32, #tpu.memory_space<hbm>> -> memref<1x1x1000xf32, #tpu.memory_space<hbm>>
      %dma_start3A_33 = tpu.memref_squeeze %dma_start3A_32 : memref<1x1x1000xf32, #tpu.memory_space<hbm>> -> memref<1000xf32, #tpu.memory_space<hbm>>
      %dma_start3A_34 = arith.constant 9000 : i32
      %dma_start3A_35 = tpu.memref_slice %arg5[%dma_start3A_34] : memref<10000xf32, #tpu.memory_space<vmem>> -> memref<1000xf32, #tpu.memory_space<vmem>>
      tpu.enqueue_dma source(%dma_start3A_35 : memref<1000xf32, #tpu.memory_space<vmem>>) target(%dma_start3A_33 : memref<1000xf32, #tpu.memory_space<hbm>>) target_semaphore(%run_scoped3A_26 : memref<!tpu.dma_semaphore, #tpu.memory_space<semaphore_mem>>)
      %dma_wait3A = arith.constant 9000 : i32
      %dma_wait3A_36 = tpu.memref_slice %arg5[%dma_wait3A] : memref<10000xf32, #tpu.memory_space<vmem>> -> memref<1000xf32, #tpu.memory_space<vmem>>
      %dma_wait3A_37 = arith.constant 0 : i32
      %dma_wait3A_38 = tpu.memref_slice %arg3[%run_scoped3A_25, %add3A, %dma_wait3A_37] : memref<10x32x1000xf32, #tpu.memory_space<hbm>> -> memref<1x1x1000xf32, #tpu.memory_space<hbm>>
      %dma_wait3A_39 = tpu.memref_squeeze %dma_wait3A_38 : memref<1x1x1000xf32, #tpu.memory_space<hbm>> -> memref<1000xf32, #tpu.memory_space<hbm>>
      %dma_wait3A_40 = arith.constant 0 : i32
      %dma_wait3A_41 = tpu.memref_slice %arg3[%run_scoped3A_25, %add3A, %dma_wait3A_40] : memref<10x32x1000xf32, #tpu.memory_space<hbm>> -> memref<1x1x1000xf32, #tpu.memory_space<hbm>>
      %dma_wait3A_42 = tpu.memref_squeeze %dma_wait3A_41 : memref<1x1x1000xf32, #tpu.memory_space<hbm>> -> memref<1000xf32, #tpu.memory_space<hbm>>
      %dma_wait3A_43 = arith.constant 9000 : i32
      %dma_wait3A_44 = tpu.memref_slice %arg5[%dma_wait3A_43] : memref<10000xf32, #tpu.memory_space<vmem>> -> memref<1000xf32, #tpu.memory_space<vmem>>
      tpu.wait_dma2 semaphore(%run_scoped3A_26 : memref<!tpu.dma_semaphore, #tpu.memory_space<semaphore_mem>>) src(%dma_wait3A_44 : memref<1000xf32, #tpu.memory_space<vmem>>) dst(%dma_wait3A_42 : memref<1000xf32, #tpu.memory_space<hbm>>)
      tpu.yield
    }) : () -> ()
    return
  }
}

module attributes {stable_mosaic.version = 14 : i64} {
  func.func @_tc_y1_body(%arg0: i32, %arg1: memref<1x32x1000xf32, #tpu.memory_space<vmem>>, %arg2: memref<1000x128xf32, #tpu.memory_space<vmem>>, %arg3: memref<128x128xf32, #tpu.memory_space<vmem>>, %arg4: memref<2x1000x64xf32, #tpu.memory_space<vmem>>, %arg5: memref<1x1x1000xf32, #tpu.memory_space<vmem>>) attributes {dimension_semantics = [#tpu.dimension_semantics<arbitrary>], iteration_bounds = array<i64: 10>, scalar_prefetch = 0 : i64, scratch_operands = 0 : i64, tpu.core_type = #tpu.core_type<tc>, window_params = [{transform_indices = @transform_0, window_bounds = array<i64: 1, 32, 1000>}, {transform_indices = @transform_1, window_bounds = array<i64: 1000, 128>}, {pipeline_mode = #tpu.pipeline_mode<synchronous>, transform_indices = @transform_2, window_bounds = array<i64: 128, 128>}, {transform_indices = @transform_3, window_bounds = array<i64: 2, 1000, 64>}, {transform_indices = @transform_4, window_bounds = array<i64: 1, 1, 1000>}]} {
    %get3A = arith.constant 0 : index
    %get3A_0 = arith.constant 0 : index
    %get3A_1 = arith.constant 0 : index
    %get3A_2 = vector.load %arg1[%get3A, %get3A_0, %get3A_1] : memref<1x32x1000xf32, #tpu.memory_space<vmem>>, vector<1x32x1000xf32>
    %get3A_3 = vector.shape_cast %get3A_2 : vector<1x32x1000xf32> to vector<32x1000xf32>
    %reduce_sum3A = arith.constant dense<0.000000e+00> : vector<1000xf32>
    %reduce_sum3A_4 = vector.multi_reduction <add>, %get3A_3, %reduce_sum3A [0] : vector<32x1000xf32> to vector<1000xf32>
    %add3A = arith.constant 1.000000e+00 : f32
    %add3A_5 = vector.broadcast %add3A : f32 to vector<1000xf32>
    %add3A_6 = arith.addf %reduce_sum3A_4, %add3A_5 : vector<1000xf32>
    %rsqrt3A = math.rsqrt %add3A_6 : vector<1000xf32>
    %get3A_7 = arith.constant 0 : index
    %get3A_8 = arith.constant 0 : index
    %get3A_9 = vector.load %arg2[%get3A_7, %get3A_8] : memref<1000x128xf32, #tpu.memory_space<vmem>>, vector<1000x128xf32>
    %get3A_10 = arith.constant 0 : index
    %get3A_11 = arith.constant 0 : index
    %get3A_12 = vector.load %arg3[%get3A_10, %get3A_11] : memref<128x128xf32, #tpu.memory_space<vmem>>, vector<128x128xf32>
    %dot_general3A = arith.constant dense<0.000000e+00> : vector<1000x128xf32>
    %dot_general3A_13 = tpu.matmul %get3A_9, %get3A_12, %dot_general3A {dimension_numbers = #tpu.dot_dimension_numbers<[1], [0], [0], [1], [0, 0, 1, 1], [], []>, transpose_lhs_hint = false} : vector<1000x128xf32>, vector<128x128xf32>, vector<1000x128xf32> -> vector<1000x128xf32>
    %broadcast_in_dim3A = vector.shape_cast %rsqrt3A : vector<1000xf32> to vector<1000x1xf32>
    %mul3A = vector.broadcast %broadcast_in_dim3A : vector<1000x1xf32> to vector<1000x128xf32>
    %mul3A_14 = arith.mulf %dot_general3A_13, %mul3A : vector<1000x128xf32>
    %slice3A = vector.extract_strided_slice %mul3A_14 {offsets = [0, 0], sizes = [1000, 64], strides = [1, 1]} : vector<1000x128xf32> to vector<1000x64xf32>
    %swap3A = arith.constant 0 : index
    %swap3A_15 = arith.constant 0 : index
    %swap3A_16 = arith.constant 0 : index
    %swap3A_17 = vector.load %arg4[%swap3A, %swap3A_15, %swap3A_16] : memref<2x1000x64xf32, #tpu.memory_space<vmem>>, vector<1x1000x64xf32>
    %swap3A_18 = vector.shape_cast %swap3A_17 : vector<1x1000x64xf32> to vector<1000x64xf32>
    %swap3A_19 = vector.shape_cast %slice3A : vector<1000x64xf32> to vector<1x1000x64xf32>
    tpu.vector_store %arg4[%swap3A, %swap3A_15, %swap3A_16], %swap3A_19 {strides = array<i32>} : memref<2x1000x64xf32, #tpu.memory_space<vmem>>, vector<1x1000x64xf32>,
    %slice3A_20 = vector.extract_strided_slice %mul3A_14 {offsets = [0, 64], sizes = [1000, 64], strides = [1, 1]} : vector<1000x128xf32> to vector<1000x64xf32>
    %swap3A_21 = arith.constant 1 : index
    %swap3A_22 = arith.constant 0 : index
    %swap3A_23 = arith.constant 0 : index
    %swap3A_24 = vector.load %arg4[%swap3A_21, %swap3A_22, %swap3A_23] : memref<2x1000x64xf32, #tpu.memory_space<vmem>>, vector<1x1000x64xf32>
    %swap3A_25 = vector.shape_cast %swap3A_24 : vector<1x1000x64xf32> to vector<1000x64xf32>
    %swap3A_26 = vector.shape_cast %slice3A_20 : vector<1000x64xf32> to vector<1x1000x64xf32>
    tpu.vector_store %arg4[%swap3A_21, %swap3A_22, %swap3A_23], %swap3A_26 {strides = array<i32>} : memref<2x1000x64xf32, #tpu.memory_space<vmem>>, vector<1x1000x64xf32>,
    %broadcast_in_dim3A_27 = vector.shape_cast %rsqrt3A : vector<1000xf32> to vector<1x1x1000xf32>
    %swap3A_28 = arith.constant 0 : index
    %swap3A_29 = arith.constant 0 : index
    %swap3A_30 = arith.constant 0 : index
    %swap3A_31 = vector.load %arg5[%swap3A_28, %swap3A_29, %swap3A_30] : memref<1x1x1000xf32, #tpu.memory_space<vmem>>, vector<1x1x1000xf32>
    tpu.vector_store %arg5[%swap3A_28, %swap3A_29, %swap3A_30], %broadcast_in_dim3A_27 {strides = array<i32>} : memref<1x1x1000xf32, #tpu.memory_space<vmem>>, vector<1x1x1000xf32>,
    return
  }
  func.func @transform_0(%arg0: i32) -> (i32, i32, i32) {
    %c0_i32 = arith.constant 0 : i32
    %c0_i32_0 = arith.constant 0 : i32
    %c0_i32_1 = arith.constant 0 : i32
    return %arg0, %c0_i32, %c0_i32_0 : i32, i32, i32
  }
  func.func @transform_1(%arg0: i32) -> (i32, i32) {
    %c0_i32 = arith.constant 0 : i32
    %c0_i32_0 = arith.constant 0 : i32
    return %arg0, %c0_i32 : i32, i32
  }
  func.func @transform_2(%arg0: i32) -> (i32, i32) {
    %c0_i32 = arith.constant 0 : i32
    %c0_i32_0 = arith.constant 0 : i32
    %c0_i32_1 = arith.constant 0 : i32
    return %c0_i32, %c0_i32_0 : i32, i32
  }
  func.func @transform_3(%arg0: i32) -> (i32, i32, i32) {
    %c0_i32 = arith.constant 0 : i32
    %c0_i32_0 = arith.constant 0 : i32
    %c0_i32_1 = arith.constant 0 : i32
    return %c0_i32, %arg0, %c0_i32_0 : i32, i32, i32
  }
  func.func @transform_4(%arg0: i32) -> (i32, i32, i32) {
    %c0_i32 = arith.constant 0 : i32
    %c0_i32_0 = arith.constant 0 : i32
    %c0_i32_1 = arith.constant 0 : i32
    return %arg0, %c0_i32, %c0_i32_0 : i32, i32, i32
  }
}

module attributes {stable_mosaic.version = 14 : i64} {
  func.func @_tc_mid_body(%arg0: i32, %arg1: memref<2x1000x64xf32, #tpu.memory_space<vmem>>, %arg2: memref<1x1x1000xf32, #tpu.memory_space<vmem>>, %arg3: memref<128x128xf32, #tpu.memory_space<vmem>>, %arg4: memref<128x16xf32, #tpu.memory_space<vmem>>, %arg5: memref<1x1000x16xf32, #tpu.memory_space<vmem>>) attributes {dimension_semantics = [#tpu.dimension_semantics<arbitrary>], iteration_bounds = array<i64: 10>, scalar_prefetch = 0 : i64, scratch_operands = 0 : i64, tpu.core_type = #tpu.core_type<tc>, window_params = [{transform_indices = @transform_0, window_bounds = array<i64: 2, 1000, 64>}, {transform_indices = @transform_1, window_bounds = array<i64: 1, 1, 1000>}, {pipeline_mode = #tpu.pipeline_mode<synchronous>, transform_indices = @transform_2, window_bounds = array<i64: 128, 128>}, {pipeline_mode = #tpu.pipeline_mode<synchronous>, transform_indices = @transform_3, window_bounds = array<i64: 128, 16>}, {transform_indices = @transform_4, window_bounds = array<i64: 1, 1000, 16>}]} {
    %get3A = arith.constant 0 : index
    %get3A_0 = arith.constant 0 : index
    %get3A_1 = arith.constant 0 : index
    %get3A_2 = vector.load %arg2[%get3A, %get3A_0, %get3A_1] : memref<1x1x1000xf32, #tpu.memory_space<vmem>>, vector<1x1x1000xf32>
    %reshape3A = vector.shape_cast %get3A_2 : vector<1x1x1000xf32> to vector<1000xf32>
    %get3A_3 = arith.constant 0 : index
    %get3A_4 = arith.constant 0 : index
    %get3A_5 = arith.constant 0 : index
    %get3A_6 = vector.load %arg1[%get3A_3, %get3A_4, %get3A_5] : memref<2x1000x64xf32, #tpu.memory_space<vmem>>, vector<1x1000x64xf32>
    %get3A_7 = vector.shape_cast %get3A_6 : vector<1x1000x64xf32> to vector<1000x64xf32>
    %get3A_8 = arith.constant 1 : index
    %get3A_9 = arith.constant 0 : index
    %get3A_10 = arith.constant 0 : index
    %get3A_11 = vector.load %arg1[%get3A_8, %get3A_9, %get3A_10] : memref<2x1000x64xf32, #tpu.memory_space<vmem>>, vector<1x1000x64xf32>
    %get3A_12 = vector.shape_cast %get3A_11 : vector<1x1000x64xf32> to vector<1000x64xf32>
    %concatenate3A = tpu.concatenate %get3A_7, %get3A_12 in 1 : vector<1000x64xf32>, vector<1000x64xf32> -> vector<1000x128xf32>
    %broadcast_in_dim3A = vector.shape_cast %reshape3A : vector<1000xf32> to vector<1000x1xf32>
    %mul3A = vector.broadcast %broadcast_in_dim3A : vector<1000x1xf32> to vector<1000x128xf32>
    %mul3A_13 = arith.mulf %concatenate3A, %mul3A : vector<1000x128xf32>
    %max3A = arith.constant 0.000000e+00 : f32
    %max3A_14 = vector.broadcast %max3A : f32 to vector<1000x128xf32>
    %max3A_15 = arith.maximumf %mul3A_13, %max3A_14 : vector<1000x128xf32>
    %get3A_16 = arith.constant 0 : index
    %get3A_17 = arith.constant 0 : index
    %get3A_18 = vector.load %arg3[%get3A_16, %get3A_17] : memref<128x128xf32, #tpu.memory_space<vmem>>, vector<128x128xf32>
    %get3A_19 = arith.constant 0 : index
    %get3A_20 = arith.constant 0 : index
    %get3A_21 = vector.load %arg4[%get3A_19, %get3A_20] : memref<128x16xf32, #tpu.memory_space<vmem>>, vector<128x16xf32>
    %dot_general3A = arith.constant dense<0.000000e+00> : vector<128x16xf32>
    %dot_general3A_22 = tpu.matmul %get3A_18, %get3A_21, %dot_general3A {dimension_numbers = #tpu.dot_dimension_numbers<[1], [0], [0], [1], [0, 0, 1, 1], [], []>, transpose_lhs_hint = false} : vector<128x128xf32>, vector<128x16xf32>, vector<128x16xf32> -> vector<128x16xf32>
    %dot_general3A_23 = arith.constant dense<0.000000e+00> : vector<1000x16xf32>
    %dot_general3A_24 = tpu.matmul %max3A_15, %dot_general3A_22, %dot_general3A_23 {dimension_numbers = #tpu.dot_dimension_numbers<[1], [0], [0], [1], [0, 0, 1, 1], [], []>, transpose_lhs_hint = false} : vector<1000x128xf32>, vector<128x16xf32>, vector<1000x16xf32> -> vector<1000x16xf32>
    %broadcast_in_dim3A_25 = vector.shape_cast %reshape3A : vector<1000xf32> to vector<1000x1xf32>
    %mul3A_26 = vector.broadcast %broadcast_in_dim3A_25 : vector<1000x1xf32> to vector<1000x16xf32>
    %mul3A_27 = arith.mulf %dot_general3A_24, %mul3A_26 : vector<1000x16xf32>
    %swap3A = arith.constant 0 : index
    %swap3A_28 = arith.constant 0 : index
    %swap3A_29 = arith.constant 0 : index
    %swap3A_30 = vector.load %arg5[%swap3A, %swap3A_28, %swap3A_29] : memref<1x1000x16xf32, #tpu.memory_space<vmem>>, vector<1x1000x16xf32>
    %swap3A_31 = vector.shape_cast %swap3A_30 : vector<1x1000x16xf32> to vector<1000x16xf32>
    %swap3A_32 = vector.shape_cast %mul3A_27 : vector<1000x16xf32> to vector<1x1000x16xf32>
    tpu.vector_store %arg5[%swap3A, %swap3A_28, %swap3A_29], %swap3A_32 {strides = array<i32>} : memref<1x1000x16xf32, #tpu.memory_space<vmem>>, vector<1x1000x16xf32>,
    return
  }
  func.func @transform_0(%arg0: i32) -> (i32, i32, i32) {
    %c0_i32 = arith.constant 0 : i32
    %c0_i32_0 = arith.constant 0 : i32
    %c0_i32_1 = arith.constant 0 : i32
    return %c0_i32, %arg0, %c0_i32_0 : i32, i32, i32
  }
  func.func @transform_1(%arg0: i32) -> (i32, i32, i32) {
    %c0_i32 = arith.constant 0 : i32
    %c0_i32_0 = arith.constant 0 : i32
    %c0_i32_1 = arith.constant 0 : i32
    return %arg0, %c0_i32, %c0_i32_0 : i32, i32, i32
  }
  func.func @transform_2(%arg0: i32) -> (i32, i32) {
    %c0_i32 = arith.constant 0 : i32
    %c0_i32_0 = arith.constant 0 : i32
    %c0_i32_1 = arith.constant 0 : i32
    return %c0_i32, %c0_i32_0 : i32, i32
  }
  func.func @transform_3(%arg0: i32) -> (i32, i32) {
    %c0_i32 = arith.constant 0 : i32
    %c0_i32_0 = arith.constant 0 : i32
    %c0_i32_1 = arith.constant 0 : i32
    return %c0_i32, %c0_i32_0 : i32, i32
  }
  func.func @transform_4(%arg0: i32) -> (i32, i32, i32) {
    %c0_i32 = arith.constant 0 : i32
    %c0_i32_0 = arith.constant 0 : i32
    %c0_i32_1 = arith.constant 0 : i32
    return %c0_i32, %arg0, %c0_i32_0 : i32, i32, i32
  }
}

module attributes {stable_mosaic.version = 14 : i64} {
  func.func @_tc_out_body(%arg0: i32, %arg1: memref<1x2x1000x16xf32, #tpu.memory_space<vmem>>, %arg2: memref<1x1x1000xf32, #tpu.memory_space<vmem>>, %arg3: memref<1000x16xf32, #tpu.memory_space<vmem>>) attributes {dimension_semantics = [#tpu.dimension_semantics<arbitrary>], iteration_bounds = array<i64: 10>, scalar_prefetch = 0 : i64, scratch_operands = 0 : i64, tpu.core_type = #tpu.core_type<tc>, window_params = [{transform_indices = @transform_0, window_bounds = array<i64: 1, 2, 1000, 16>}, {transform_indices = @transform_1, window_bounds = array<i64: 1, 1, 1000>}, {transform_indices = @transform_2, window_bounds = array<i64: 1000, 16>}]} {
    %get3A = arith.constant 0 : index
    %get3A_0 = arith.constant 0 : index
    %get3A_1 = arith.constant 0 : index
    %get3A_2 = vector.load %arg2[%get3A, %get3A_0, %get3A_1] : memref<1x1x1000xf32, #tpu.memory_space<vmem>>, vector<1x1x1000xf32>
    %reshape3A = vector.shape_cast %get3A_2 : vector<1x1x1000xf32> to vector<1000xf32>
    %get3A_3 = arith.constant 0 : index
    %get3A_4 = arith.constant 0 : index
    %get3A_5 = arith.constant 0 : index
    %get3A_6 = arith.constant 0 : index
    %get3A_7 = vector.load %arg1[%get3A_3, %get3A_4, %get3A_5, %get3A_6] : memref<1x2x1000x16xf32, #tpu.memory_space<vmem>>, vector<1x1x1000x16xf32>
    %get3A_8 = vector.shape_cast %get3A_7 : vector<1x1x1000x16xf32> to vector<1000x16xf32>
    %get3A_9 = arith.constant 0 : index
    %get3A_10 = arith.constant 1 : index
    %get3A_11 = arith.constant 0 : index
    %get3A_12 = arith.constant 0 : index
    %get3A_13 = vector.load %arg1[%get3A_9, %get3A_10, %get3A_11, %get3A_12] : memref<1x2x1000x16xf32, #tpu.memory_space<vmem>>, vector<1x1x1000x16xf32>
    %get3A_14 = vector.shape_cast %get3A_13 : vector<1x1x1000x16xf32> to vector<1000x16xf32>
    %add3A = arith.addf %get3A_8, %get3A_14 : vector<1000x16xf32>
    %broadcast_in_dim3A = vector.shape_cast %reshape3A : vector<1000xf32> to vector<1000x1xf32>
    %mul3A = vector.broadcast %broadcast_in_dim3A : vector<1000x1xf32> to vector<1000x16xf32>
    %mul3A_15 = arith.mulf %add3A, %mul3A : vector<1000x16xf32>
    %swap3A = arith.constant 0 : index
    %swap3A_16 = arith.constant 0 : index
    %swap3A_17 = vector.load %arg3[%swap3A, %swap3A_16] : memref<1000x16xf32, #tpu.memory_space<vmem>>, vector<1000x16xf32>
    tpu.vector_store %arg3[%swap3A, %swap3A_16], %mul3A_15 {strides = array<i32>} : memref<1000x16xf32, #tpu.memory_space<vmem>>, vector<1000x16xf32>,
    return
  }
  func.func @transform_0(%arg0: i32) -> (i32, i32, i32, i32) {
    %c0_i32 = arith.constant 0 : i32
    %c0_i32_0 = arith.constant 0 : i32
    %c0_i32_1 = arith.constant 0 : i32
    %c0_i32_2 = arith.constant 0 : i32
    return %c0_i32, %c0_i32_0, %arg0, %c0_i32_1 : i32, i32, i32, i32
  }
  func.func @transform_1(%arg0: i32) -> (i32, i32, i32) {
    %c0_i32 = arith.constant 0 : i32
    %c0_i32_0 = arith.constant 0 : i32
    %c0_i32_1 = arith.constant 0 : i32
    return %arg0, %c0_i32, %c0_i32_0 : i32, i32, i32
  }
  func.func @transform_2(%arg0: i32) -> (i32, i32) {
    %c0_i32 = arith.constant 0 : i32
    %c0_i32_0 = arith.constant 0 : i32
    return %arg0, %c0_i32 : i32, i32
  }
}

</mosaic_0001>

<sc_bundles>
// kernel: kernel.11.cloned.1.call-start
scs
__scs_entry_jumppad:
0x0: {  	(pc) =	sbr.rel $0x88, $3  }
0x1: {  	(tag) =	ssettag $0x0;
	lr =	simm.s32 $0x1  }
0x2: {  	[smem:$0x3F9C] =	sst lr;
	_ =	strace $0xD0000000  }
0x3: {  	_ = 	snop  }
0x4: {  	_ = 	snop  }
0x5: {  	_ = 	snop  }
0x6: {  	_ = 	snop  }
0x7: {  	_ = 	snop  }
__scs_overlays_trampoline_lowered:
0x8: {  	[smem:$0x3FAB] =	sst s0  }
0x9: {  	[smem:$0x3FAC] =	sst s1  }
0xa: {  	[smem:$0x3FAD] =	sst s2  }
0xb: {  	[smem:$0x3FAE] =	sst s3  }
0xc: {  	[smem:$0x3FAF] =	sst s4  }
0xd: {  	[smem:$0x3FB0] =	sst s5  }
0xe: {  	[smem:$0x3FB1] =	sst s6  }
0xf: {  	[smem:$0x3FB2] =	sst s7  }
0x10: {  	[smem:$0x3FB3] =	sst s8  }
0x11: {  	[smem:$0x3FB4] =	sst s9;
	s0 =	simm.s32 @!p0 $0x0  }
0x12: {  	s1 =	sld [smem:$0x3F9A];
	s0 =	simm.s32 @p0 $0x1  }
0x13: {  	[smem:$0x3FB5] =	sst s0;
	s0 =	simm.s32 @!p1 $0x0  }
0x14: {  	s2 =	sld [smem:$0x3F99];
	s0 =	simm.s32 @p1 $0x1  }
0x15: {  	[smem:$0x3FB6] =	sst s0;
	s0 =	simm.s32 @!p2 $0x0  }
0x16: {  	s3 =	sld [smem:$0x3FDB];
	s0 =	simm.s32 @p2 $0x1  }
0x17: {  	s4 =	simm.s32 $0x1BF5;
	[smem:$0x3FB8] =	sst s0  }
0x18: {  	s0 =	sld [smem:$0x3F9B];
	_ =	swait.ge [sflag:s4], $0x0  }
0x19: {  	s7 =	sld [smem:$0x3F9C]  }
0x1a: {  	s8 =	sadd.s32 $0xFFFFE003, lr  }
0x1b: {  	s9 =	sadd.s32 $0xFFFFFEF7, lr;
	s5 =	simm.s32 $0xFFFFFFFF;
	p2 =	slt.u32 s8, $0xFFFFF086  }
0x1c: {  	p1 =	slt.u32 s9, $0xF7A;
	s5 =	simm.s32 @!p2 $0x0  }
0x1d: {  	s5 =	simm.s32 @p1 $0x1;
	p0 =	seq.s32 s7, s2  }
0x1e: {  	s7 =	smul.u32 @!p0 $0xF7A, s2;
	p2 =	seq.s32 @!p0 s5, $0x0  }
0x1f: {  	s9 =	smul.u32 $0xF7A, s1;
	s8 =	simm.s32 @!p0 $0x1BF5;
	p2 =	por !p2, p0  }
0x20: {  	[sflag:s8] =	ssyncset.s32 @!p0 $0xFFFFF086;
	s6 =	sadd.s32 @!p0 s3, s7;
	s7 =	simm.s32 @!p0 $0x108  }
0x21: {  	s3 =	sadd.s32 s3, s9;
	s6 =	sadd.s32 @!p0 $0x88, s6;
	s7 =	simm.s32 @p2 $0x1082  }
0x22: {  	[simem:s7], [sflag:s8] =	dma.local @!p0 [hbm:s6], $0xF7A  }
0x23: {  	s9 =	sor.u32 $0xD0000000, s2;
	s6 =	simm.s32 $0x108;
	_ =	swait.ge @!p0 [sflag:s8], $0x0  }
0x24: {  	s3 =	sadd.s32 $0x88, s3;
	s6 =	simm.s32 @!p1 $0x1082;
	[sflag:s4] =	ssyncset.s32 $0xFFFFF086  }
0x25: {  	[simem:s6], [sflag:s4] =	dma.local [hbm:s3], $0xF7A  }
0x26: {  	[smem:$0x3F9C] =	sst s1;
	(tag) =	ssettag s2;
	_ =	strace s9  }
0x27: {  	s1 =	sld [smem:$0x3FAC]  }
0x28: {  	s2 =	sld [smem:$0x3FAD]  }
0x29: {  	s4 =	sld [smem:$0x3FAF]  }
0x2a: {  	p0 =	seq.s32 s5, $0x0;
	s5 =	sld [smem:$0x3FB0]  }
0x2b: {  	s6 =	sld [smem:$0x3FB1]  }
0x2c: {  	s7 =	sld [smem:$0x3FB2]  }
0x2d: {  	s3 =	simm.s32 $0x108;
	s8 =	sld [smem:$0x3FB3]  }
0x2e: {  	s3 =	simm.s32 @!p0 $0x1082;
	s9 =	sld [smem:$0x3FB4]  }
0x2f: {  	lr =	sadd.s32 s0, s3;
	s0 =	sld [smem:$0x3FAB]  }
0x30: {  	s3 =	sld [smem:$0x3FAE]  }
0x31: {  	[smem:$0x3FB7] =	sst s10  }
0x32: {  	s10 =	sld [smem:$0x3FB5];
	_ =	sdelay $0x3  }
0x33: {  	p0 =	seq.s32 s10, $0x1;
	s10 =	sld [smem:$0x3FB7];
	_ =	sdelay $0x3  }
0x34: {  	[smem:$0x3FB7] =	sst s10  }
0x35: {  	s10 =	sld [smem:$0x3FB6];
	_ =	sdelay $0x3  }
0x36: {  	p1 =	seq.s32 s10, $0x1;
	s10 =	sld [smem:$0x3FB7];
	_ =	sdelay $0x3  }
0x37: {  	[smem:$0x3FB7] =	sst s10  }
0x38: {  	s10 =	sld [smem:$0x3FB8]  }
0x39: {  	_ = 	snop;
	(pc) =	sbr.ind lr, $3  }
0x3a: {  	_ = 	snop  }
0x3b: {  	_ = 	snop  }
0x3c: {  	p2 =	seq.s32 s10, $0x1;
	s10 =	sld [smem:$0x3FB7]  }
0x3d: {  	_ =	shalt  }
0x3e: {  	_ =	shalt  }
0x3f: {  	_ =	shalt  }
0x40: {  	_ =	shalt  }
0x41: {  	_ =	shalt  }
0x42: {  	_ =	shalt  }
0x43: {  	_ =	shalt  }
0x44: {  	_ =	shalt  }
0x45: {  	_ =	shalt  }
0x46: {  	_ =	shalt  }
0x47: {  	_ =	shalt  }
0x48: {  	_ =	shalt  }
0x49: {  	_ =	shalt  }
0x4a: {  	_ =	shalt  }
0x4b: {  	_ =	shalt  }
0x4c: {  	_ =	shalt  }
0x4d: {  	_ =	shalt  }
0x4e: {  	_ =	shalt  }
0x4f: {  	_ =	shalt  }
0x50: {  	_ =	shalt  }
0x51: {  	_ =	shalt  }
0x52: {  	_ =	shalt  }
0x53: {  	_ =	shalt  }
0x54: {  	_ =	shalt  }
0x55: {  	_ =	shalt  }
0x56: {  	_ =	shalt  }
0x57: {  	_ =	shalt  }
0x58: {  	_ =	shalt  }
0x59: {  	_ =	shalt  }
0x5a: {  	_ =	shalt  }
0x5b: {  	_ =	shalt  }
0x5c: {  	_ =	shalt  }
0x5d: {  	_ =	shalt  }
0x5e: {  	_ =	shalt  }
0x5f: {  	_ =	shalt  }
0x60: {  	_ =	shalt  }
0x61: {  	_ =	shalt  }
0x62: {  	_ =	shalt  }
0x63: {  	_ =	shalt  }
0x64: {  	_ =	shalt  }
0x65: {  	_ =	shalt  }
0x66: {  	_ =	shalt  }
0x67: {  	_ =	shalt  }
0x68: {  	_ =	shalt  }
0x69: {  	_ =	shalt  }
0x6a: {  	_ =	shalt  }
0x6b: {  	_ =	shalt  }
0x6c: {  	_ =	shalt  }
0x6d: {  	_ =	shalt  }
0x6e: {  	_ =	shalt  }
0x6f: {  	_ =	shalt  }
0x70: {  	_ =	shalt  }
0x71: {  	_ =	shalt  }
0x72: {  	_ =	shalt  }
0x73: {  	_ =	shalt  }
0x74: {  	_ =	shalt  }
0x75: {  	_ =	shalt  }
0x76: {  	_ =	shalt  }
0x77: {  	_ =	shalt  }
0x78: {  	_ =	shalt  }
0x79: {  	_ =	shalt  }
0x7a: {  	_ =	shalt  }
0x7b: {  	_ =	shalt  }
0x7c: {  	_ =	shalt  }
0x7d: {  	_ =	shalt  }
0x7e: {  	_ =	shalt  }
0x7f: {  	_ =	shalt  }
0x80: {  	_ =	shalt  }
0x81: {  	_ =	shalt  }
0x82: {  	_ =	shalt  }
0x83: {  	_ =	shalt  }
0x84: {  	_ =	shalt  }
0x85: {  	_ =	shalt  }
0x86: {  	_ =	shalt  }
0x87: {  	_ =	shalt  }
.Lfunc_end0:
.L_simem_size_0:
called_computation.1_lowered:
.L_overlay_start_0:
0x88: {  	s2 =	sld [smem:$0x3FD9]  }
0x89: {  	s3 =	sld [smem:$0x3FFE];
	_ =	sdelay $0x1  }
0x8a: {  	s1 =	srdreg.scid  }
0x8b: {  	s0 =	sand.u32 $0x1, s1  }
0x8c: {  	s16 =	sshll.u32 s0, $0xA;
	s2 =	sadd.s32 s3, s2  }
0x8d: {  	s2 =	sadd.s32 s2, s16  }
0x8e: {  	[smem:$0x3FC3] =	sst s2  }
0x8f: {  	_ = 	snop  }
0x90: {  	(tm) =	ssettm $0x1  }
0x91: {  	s17 =	sld [smem:$0x3FFB];
	_ =	sdelay $0x3  }
0x92: {  	_ =	strace s17  }
0x93: {  	s2 =	sld [smem:$0x3FFC];
	_ =	sdelay $0x3  }
0x94: {  	_ =	strace s2  }
0x95: {  	s2 =	sld [smem:$0x3FFD];
	_ =	sdelay $0x3  }
0x96: {  	_ =	strace s2  }
0x97: {  	_ =	strace $0x8FFFFFFF  }
0x98: {  	s18 =	sld [smem:$0x3FDB];
	_ =	sdelay $0x1  }
0x99: {  	s19 =	simm.s32 $_scs_section_size  }
0x9a: {  	s4 =	simm.s32 $_size__tile_overlayer_lowered;
	s5 =	simm.s32 $_tile_overlayer_lowered  }
0x9b: {  	s22 =	simm.s32 $0x1BFF;
	s21 =	sshll.u32 s5, $0x1;
	s2 =	sadd.s32 s19, s18  }
0x9c: {  	s6 =	simm.s32 $0x0;
	s20 =	sshll.u32 s4, $0x1;
	s4 =	sadd.s32 s21, s2  }
0x9d: {  	[timem:s6], [sflag:s22] =	dma.local [hbm:s4], s20  }
0x9e: {  	_ =	swait.ge [sflag:s22], s20  }
0x9f: {  	s3 =	ssub.s32 $0x0, s20;
	[sflag:s22] =	ssyncset.done $0x0  }
0xa0: {  	[sflag:s22] =	ssyncadd.s32 s3;
	_ =	sdelay $0x1  }
0xa1: {  	s23 =	simm.s32 $0x1B8B  }
0xa2: {  	_ =	swait.ge [sflag:s23], $0x1  }
0xa3: {  	[sflag:s23] =	ssyncset.done $0x0  }
0xa4: {  	s25 =	simm.s32 $0x1B8E;
	s24 =	sld [smem:$0x3FFE];
	[sflag:s23] =	ssyncadd.s32 $0xFFFFFFFF  }
0xa5: {  	s26 =	simm.s32 $execute0_lowered;
	[smem:$0x3FD2] =	sst s25  }
0xa6: {  	s4 =	sshll.u32 s26, $0x1;
	_ =	strace $0x80000049;
	[dreg:$0x1] =	wrdreg $0xFFFFFFFF  }
0xa7: {  	s28 =	simm.s32 $_size_execute0_lowered;
	s2 =	sadd.s32 s2, s4;
	[dreg:$0x0] =	wrdreg $0x0  }
0xa8: {  	s4 =	sshll.u32 s28, $0x1;
	[dreg:$0x2] =	wrdreg s2  }
0xa9: {  	[dreg:$0x3] =	wrdreg s4  }
0xaa: {  	[dreg:$0x4] =	wrdreg $0xC0  }
0xab: {  	_ =	task [dreg:s6], $0x5FFFF  }
0xac: {  	[dreg:$0x1] =	wrdreg $0xFFFFFFFF  }
0xad: {  	[dreg:$0x0] =	wrdreg $0x60  }
0xae: {  	[dreg:$0x2] =	wrdreg s24  }
0xaf: {  	[dreg:$0x3] =	wrdreg $0x90000  }
0xb0: {  	[dreg:$0x4] =	wrdreg $0x12C400  }
0xb1: {  	[dreg:$0x5] =	wrdreg $0x9  }
0xb2: {  	_ =	task.clear_ibuf [dreg:s6], $0x6FFFF;
	_ =	strace $0x90000049  }
0xb3: {  	s29 =	simm.s32 $0x9;
	_ =	strace $0x8000004B  }
0xb4: {  	_ =	swait.ge [sflag:s29], $0x1  }
0xb5: {  	[sflag:s29] =	ssyncadd.s32 $0xFFFFFFFF  }
0xb6: {  	_ =	strace $0x9000004B  }
0xb7: {  	_ =	sfence  }
0xb8: {  	s30 =	sld [smem:$0x0];
	_ =	sdelay $0x2  }
0xb9: {  	s31 =	sshll.u32 s1, $0xD;
	s1 =	sshrl.u32 s1, $0x2  }
0xba: {  	s3 =	sand.u32 $0x4000, s31;
	s1 =	sadd.s32 s1, s30  }
0xbb: {  	s0 =	sor.u32 s3, s0;
	s1 =	sshll.u32 s1, $0x11  }
0xbc: {  	s0 =	sor.u32 s1, s0  }
0xbd: {  	s0 =	sadd.s32 $0x8F2B, s0  }
0xbe: {  	[sflag:s0] =	ssyncadd.remote.s32 $0x1  }
0xbf: {  	_ =	sfence.sel $0xFFFF  }
0xc0: {  	[dreg:$0x0] =	wrdreg $0xFFFFFFFF;
	(pc) =	sbr.abs _section_cstart, $3  }
0xc1: {  	[dreg:$0x1] =	wrdreg $0xFFFFFFFF  }
0xc2: {  	_ =	task.clear_ibuf [dreg:s6], $0x2FFFF;
	_ =	strace $0x9FFFFFFF  }
0xc3: {  	(tm) =	ssettm $0x7FFFFFFF  }
tec
execute0_lowered:
.L_overlay_start_1:
0x0: {  	(tag) =	ssettag $0x1  }
0x1: {  	s0 =	rddreg [dreg:$0x0]  }
0x2: {  	s1 =	rddreg [dreg:$0x1]  }
0x3: {  	s2 =	rddreg [dreg:$0x2];
	s4 =	simm.s32 $0x0  }
0x4: {  	s3 =	srdreg.scid;
	s18 =	stileid.u32;
	s20 =	simm.s32 $0x2800  }
0x5: {  	s21 =	simm.s32 $0x80;
	s22 =	simm.s32 $0x5000;
	s23 =	simm.s32 $0x7000  }
0x6: {  	s28 =	simm.s32 $0x4F00;
	s29 =	simm.s32 $0x4F80;
	s30 =	simm.s32 $0x0  }
0x7: {  	[smem:$0x7FF] =	sst s4;
	s3 =	sand.u32 $0x1, s3;
	s8 =	sadd.s32 $0x29200, s0  }
0x8: {  	s9 =	smul.u32 $0x9C00, s18;
	s12 =	sadd.s32 $0x1F200, s0;
	s13 =	sadd.s32 $0x15200, s0  }
0x9: {  	s0 =	sadd.s32 $0x50400, s0;
	s24 =	sshll.u32 s18, $0x6;
	s10 =	smul.u32 $0x5000, s18  }
0xa: {  	s19 =	sadd.s32 $0x9C000, s1;
	s25 =	sadd.s32 $0x9C000, s2;
	p0 =	sne.s32 s18, $0xF  }
0xb: {  	s18 =	simm.s32 $0x3;
	s7 =	smul.u32 $0x9C400, s3;
	_ =	strace $0x8000004A  }
0xc: {  	s3 =	ssub.s32 $0x2, s3;
	[dreg:$0x5] =	wrdreg s25;
	s19 =	sshrl.u32 @!p0 s19, $0x3  }
0xd: {  	s25 =	simm.s32 $0x2;
	s5 =	sshrl.u32 s3, $0x1;
	s17 =	sadd.s32 s9, s1  }
0xe: {  	s11 =	sshrl.u32 s10, $0x3;
	s6 =	sadd.s32 s9, s7;
	s3 =	ssub.s32 s3, s5  }
0xf: {  	s9 =	sadd.s32 s9, s2;
	s7 =	sshrl.u32 s7, $0x3;
	s15 =	sadd.s32 $0x500, s11  }
0x10: {  	s26 =	sadd.s32 s12, s11;
	s31 =	sadd.s32 s13, s11;
	[dreg:$0x4] =	wrdreg s9  }
0x11: {  	s17 =	sshrl.u32 s17, $0x3;
	s14 =	sshrl.u32 s6, $0x3;
	[dreg:$0x6] =	wrdreg s26  }
0x12: {  	s6 =	sor.u32 $0x1C03, s24;
	s7 =	sadd.s32 $0x13800, s7;
	[dreg:$0x7] =	wrdreg s31  }
0x13: {  	s12 =	sadd.s32 s12, s15;
	s13 =	sadd.s32 s13, s15;
	s16 =	smax.u32 s3, $0x1  }
0x14: {  	s24 =	simm.s32 $0x1;
	s26 =	simm.s32 $0x2780;
	s5 =	sadd.s32 s8, s14  }
0x15: {  	s8 =	sadd.s32 s8, s7;
	s14 =	sadd.s32 s0, s14;
	s15 =	sadd.s32 s0, s7  }
.LBB2_1:
0x16: {  	[spmem:s17], [sflag:s6] =	dma.local [hbm:s5], $0x1380  }
0x17: {  	_ =	swait.ge [sflag:s18], $0x1380  }
0x18: {  	[sflag:s18] =	ssyncset.done $0x0;
	s0 =	rddreg [dreg:$0x4]  }
0x19: {  	[sflag:s18] =	ssyncadd.s32 $0xFFFFEC80;
	s31 =	sshrl.u32 s0, $0x3  }
0x1a: {  	[spmem:s31], [sflag:s6] =	dma.local [hbm:s5], $0x1380  }
0x1b: {  	_ =	swait.ge [sflag:s18], $0x1380  }
0x1c: {  	[sflag:s18] =	ssyncset.done $0x0  }
0x1d: {  	s3 =	simm.s32 @!p0 $0x3;
	[sflag:s18] =	ssyncadd.s32 $0xFFFFEC80  }
0x1e: {  	[spmem:s19], [sflag:s6] =	dma.local @!p0 [hbm:s8], $0x80  }
0x1f: {  	_ =	swait.ge @!p0 [sflag:s3], $0x80  }
0x20: {  	[sflag:s3] =	ssyncset.done @!p0 $0x0;
	s0 =	rddreg [dreg:$0x5]  }
0x21: {  	[sflag:s3] =	ssyncadd.s32 @!p0 $0xFFFFFF80;
	s0 =	sshrl.u32 @!p0 s0, $0x3  }
0x22: {  	[spmem:s0], [sflag:s6] =	dma.local @!p0 [hbm:s8], $0x80  }
0x23: {  	_ =	swait.ge @!p0 [sflag:s3], $0x80  }
0x24: {  	[sflag:s3] =	ssyncset.done @!p0 $0x0  }
0x25: {  	[sflag:s3] =	ssyncadd.s32 @!p0 $0xFFFFFF80  }
0x26: {  	[bflag:$0x0] =	sbarrier.arrive $0xFFFF  }
0x27: {  	s10 =	rddreg [dreg:$0x6]  }
0x28: {  	[tilespmem:s4], [sflag:$0x3] =	stream.linear.gather [hbm4b:s10+s4], $0x2800, $0x38;
	[tilespmem:$0x1C8C0] =	vst v63  }
0x29: {  	_ =	swait.ge [sflag:s18], $0x2800  }
0x2a: {  	[sflag:s18] =	ssyncset.done $0x0  }
0x2b: {  	s11 =	rddreg [dreg:$0x7];
	[sflag:s18] =	ssyncadd.s32 $0xFFFFD800  }
0x2c: {  	[tilespmem:s20], [sflag:$0x3] =	stream.linear.gather [hbm4b:s11+s4], $0x2800, $0x38;
	[tilespmem:$0x1C8C0] =	vst v63  }
0x2d: {  	_ =	swait.ge [sflag:s18], $0x2800  }
0x2e: {  	[sflag:s18] =	ssyncset.done $0x0  }
0x2f: {  	[sflag:s18] =	ssyncadd.s32 $0xFFFFD800  }
0x30: {  	[tilespmem:s22], [sflag:$0x1] =	stream.indirect.gather [spmem:s1], $0x40, s4, s21, $0xb8;
	[tilespmem:$0x1C8C0] =	vst v63  }
0x31: {  	s7 =	simm.s32 $0x80  }
0x32: {  	[tilespmem:s23], [sflag:$0x2] =	stream.indirect.gather [spmem:s1], $0x40, s7, s21, $0xb8;
	[tilespmem:$0x1C8C0] =	vst v63  }
0x33: {  	_ =	swait.ge [sflag:s24], $0x2000  }
0x34: {  	[sflag:s24] =	ssyncset.done $0x0  }
0x35: {  	s9 =	simm.s32 $0x2800;
	[sflag:s24] =	ssyncadd.s32 $0xFFFFE000  }
0x36: {  	[spmem:s2] =	stream.indirect.scatter.add.f32 [tilespmem:s22], [sflag:$0x3], $0x40, s9, s21, $0xb8;
	[tilespmem:$0x1C8C0] =	vst v63  }
0x37: {  	_ =	swait.ge [sflag:s18], $0x2000  }
0x38: {  	[sflag:s18] =	ssyncset.done $0x0  }
0x39: {  	s10 =	simm.s32 $0x100;
	[sflag:s18] =	ssyncadd.s32 $0xFFFFE000  }
0x3a: {  	[tilespmem:s22], [sflag:$0x1] =	stream.indirect.gather [spmem:s1], $0x40, s10, s21, $0xb8;
	[tilespmem:$0x1C8C0] =	vst v63  }
0x3b: {  	_ =	swait.ge [sflag:s25], $0x2000  }
0x3c: {  	[sflag:s25] =	ssyncset.done $0x0  }
0x3d: {  	s11 =	simm.s32 $0x2880;
	[sflag:s25] =	ssyncadd.s32 $0xFFFFE000  }
0x3e: {  	[spmem:s2] =	stream.indirect.scatter.add.f32 [tilespmem:s23], [sflag:$0x3], $0x40, s11, s21, $0xb8;
	[tilespmem:$0x1C8C0] =	vst v63  }
0x3f: {  	_ =	swait.ge [sflag:s18], $0x2000  }
0x40: {  	s3 =	simm.s32 $0x100;
	s7 =	simm.s32 $0x800;
	[sflag:s18] =	ssyncset.done $0x0  }
.LBB2_2:
0x41: {  	s9 =	sadd.s32 $0x80, s3  }
0x42: {  	[sflag:s18] =	ssyncadd.s32 $0xFFFFE000;
	s10 =	smov.u32 s7;
	s11 =	sadd.s32 $0x400, s7  }
0x43: {  	[tilespmem:s23], [sflag:$0x2] =	stream.indirect.gather [spmem:s1], $0x40, s9, s21, $0xb8;
	[tilespmem:$0x1C8C0] =	vst v63  }
0x44: {  	p1 =	sne.s32 s7, $0x9800;
	_ =	swait.ge [sflag:s24], $0x2000  }
0x45: {  	[sflag:s24] =	ssyncset.done $0x0  }
0x46: {  	s7 =	sadd.s32 $0x2800, s3;
	[sflag:s24] =	ssyncadd.s32 $0xFFFFE000  }
0x47: {  	[spmem:s2] =	stream.indirect.scatter.add.f32 [tilespmem:s22], [sflag:$0x3], $0x40, s7, s21, $0xb8;
	[tilespmem:$0x1C8C0] =	vst v63  }
0x48: {  	_ =	swait.ge [sflag:s18], $0x2000  }
0x49: {  	[sflag:s18] =	ssyncset.done $0x0  }
0x4a: {  	s7 =	sadd.s32 $0x100, s3;
	[sflag:s18] =	ssyncadd.s32 $0xFFFFE000  }
0x4b: {  	[tilespmem:s22], [sflag:$0x1] =	stream.indirect.gather [spmem:s1], $0x40, s7, s21, $0xb8;
	[tilespmem:$0x1C8C0] =	vst v63  }
0x4c: {  	_ =	swait.ge [sflag:s25], $0x2000  }
.Ltmp0:
0x4d: {  	[sflag:s25] =	ssyncset.done $0x0;
	(pc) =	sbr.rel @p1 .LBB2_2-.Ltmp0, $4  }
0x4e: {  	s3 =	sadd.s32 $0x2880, s3;
	[sflag:s25] =	ssyncadd.s32 $0xFFFFE000  }
0x4f: {  	[spmem:s2] =	stream.indirect.scatter.add.f32 [tilespmem:s23], [sflag:$0x3], $0x40, s3, s21, $0xb8;
	[tilespmem:$0x1C8C0] =	vst v63  }
0x50: {  	_ =	swait.ge [sflag:s18], $0x2000  }
0x51: {  	s7 =	smov.u32 s11;
	s3 =	sshra.s32 s10, $0x2;
	[sflag:s18] =	ssyncset.done $0x0  }
0x52: {  	s7 =	sadd.s32 $0x80, s3;
	[sflag:s18] =	ssyncadd.s32 $0xFFFFE000  }
0x53: {  	[tilespmem:s23], [sflag:$0x2] =	stream.indirect.gather [spmem:s1], $0x40, s7, s21, $0xb8;
	[tilespmem:$0x1C8C0] =	vst v63  }
0x54: {  	_ =	swait.ge [sflag:s24], $0x2000  }
0x55: {  	[sflag:s24] =	ssyncset.done $0x0  }
0x56: {  	s11 =	sadd.s32 $0x2800, s3;
	[sflag:s24] =	ssyncadd.s32 $0xFFFFE000  }
0x57: {  	[spmem:s2] =	stream.indirect.scatter.add.f32 [tilespmem:s22], [sflag:$0x3], $0x40, s11, s21, $0xb8;
	[tilespmem:$0x1C8C0] =	vst v63  }
0x58: {  	_ =	swait.ge [sflag:s18], $0x2000  }
0x59: {  	[sflag:s18] =	ssyncset.done $0x0  }
0x5a: {  	s9 =	sadd.s32 $0x100, s3;
	[sflag:s18] =	ssyncadd.s32 $0xFFFFE000  }
0x5b: {  	[tilespmem:s22], [sflag:$0x1] =	stream.indirect.gather [spmem:s1], $0x40, s9, s21, $0xb8;
	[tilespmem:$0x1C8C0] =	vst v63  }
0x5c: {  	_ =	swait.ge [sflag:s25], $0x2000  }
0x5d: {  	[sflag:s25] =	ssyncset.done $0x0  }
0x5e: {  	s10 =	sadd.s32 $0x2880, s3;
	[sflag:s25] =	ssyncadd.s32 $0xFFFFE000  }
0x5f: {  	[spmem:s2] =	stream.indirect.scatter.add.f32 [tilespmem:s23], [sflag:$0x3], $0x40, s10, s21, $0xb8;
	[tilespmem:$0x1C8C0] =	vst v63  }
0x60: {  	_ =	swait.ge [sflag:s18], $0x2000  }
0x61: {  	[sflag:s18] =	ssyncset.done $0x0  }
0x62: {  	[sflag:s18] =	ssyncadd.s32 $0xFFFFE000  }
0x63: {  	[tilespmem:s23], [sflag:$0x2] =	stream.indirect.gather [spmem:s1], $0x40, s26, s21, $0xb8;
	[tilespmem:$0x1C8C0] =	vst v63  }
0x64: {  	_ =	swait.ge [sflag:s24], $0x2000  }
0x65: {  	[sflag:s24] =	ssyncset.done $0x0  }
0x66: {  	[sflag:s24] =	ssyncadd.s32 $0xFFFFE000  }
0x67: {  	[spmem:s2] =	stream.indirect.scatter.add.f32 [tilespmem:s22], [sflag:$0x3], $0x40, s28, s21, $0xb8;
	[tilespmem:$0x1C8C0] =	vst v63  }
0x68: {  	_ =	swait.ge [sflag:s18], $0x2000  }
0x69: {  	[sflag:s18] =	ssyncset.done $0x0  }
0x6a: {  	[sflag:s18] =	ssyncadd.s32 $0xFFFFE000  }
0x6b: {  	_ =	swait.ge [sflag:s25], $0x2000  }
0x6c: {  	[sflag:s25] =	ssyncset.done $0x0  }
0x6d: {  	[sflag:s25] =	ssyncadd.s32 $0xFFFFE000  }
0x6e: {  	[spmem:s2] =	stream.indirect.scatter.add.f32 [tilespmem:s23], [sflag:$0x3], $0x40, s29, s21, $0xb8;
	[tilespmem:$0x1C8C0] =	vst v63  }
0x6f: {  	_ =	swait.ge [sflag:s18], $0x2000  }
0x70: {  	[sflag:s18] =	ssyncset.done $0x0  }
0x71: {  	s11 =	simm.s32 $0x0;
	[sflag:s18] =	ssyncadd.s32 $0xFFFFE000  }
0x72: {  	[tilespmem:s11], [sflag:$0x3] =	stream.linear.gather [hbm4b:s12+s11], $0x2800, $0x38;
	[tilespmem:$0x1C8C0] =	vst v63  }
0x73: {  	_ =	swait.ge [sflag:s18], $0x2800  }
0x74: {  	[sflag:s18] =	ssyncset.done $0x0  }
0x75: {  	[sflag:s18] =	ssyncadd.s32 $0xFFFFD800  }
0x76: {  	[tilespmem:s20], [sflag:$0x3] =	stream.linear.gather [hbm4b:s13+s11], $0x2800, $0x38;
	[tilespmem:$0x1C8C0] =	vst v63  }
0x77: {  	_ =	swait.ge [sflag:s18], $0x2800  }
0x78: {  	[sflag:s18] =	ssyncset.done $0x0  }
0x79: {  	[sflag:s18] =	ssyncadd.s32 $0xFFFFD800  }
0x7a: {  	[tilespmem:s22], [sflag:$0x1] =	stream.indirect.gather [spmem:s1], $0x40, s11, s21, $0xb8;
	[tilespmem:$0x1C8C0] =	vst v63  }
0x7b: {  	s7 =	simm.s32 $0x80  }
0x7c: {  	[tilespmem:s23], [sflag:$0x2] =	stream.indirect.gather [spmem:s1], $0x40, s7, s21, $0xb8;
	[tilespmem:$0x1C8C0] =	vst v63  }
0x7d: {  	_ =	swait.ge [sflag:s24], $0x2000  }
0x7e: {  	[sflag:s24] =	ssyncset.done $0x0  }
0x7f: {  	s9 =	simm.s32 $0x2800;
	[sflag:s24] =	ssyncadd.s32 $0xFFFFE000  }
0x80: {  	[spmem:s2] =	stream.indirect.scatter.add.f32 [tilespmem:s22], [sflag:$0x3], $0x40, s9, s21, $0xb8;
	[tilespmem:$0x1C8C0] =	vst v63  }
0x81: {  	_ =	swait.ge [sflag:s18], $0x2000  }
0x82: {  	[sflag:s18] =	ssyncset.done $0x0  }
0x83: {  	s10 =	simm.s32 $0x100;
	[sflag:s18] =	ssyncadd.s32 $0xFFFFE000  }
0x84: {  	[tilespmem:s22], [sflag:$0x1] =	stream.indirect.gather [spmem:s1], $0x40, s10, s21, $0xb8;
	[tilespmem:$0x1C8C0] =	vst v63  }
0x85: {  	_ =	swait.ge [sflag:s25], $0x2000  }
0x86: {  	[sflag:s25] =	ssyncset.done $0x0  }
0x87: {  	s11 =	simm.s32 $0x2880;
	[sflag:s25] =	ssyncadd.s32 $0xFFFFE000  }
0x88: {  	[spmem:s2] =	stream.indirect.scatter.add.f32 [tilespmem:s23], [sflag:$0x3], $0x40, s11, s21, $0xb8;
	[tilespmem:$0x1C8C0] =	vst v63  }
0x89: {  	_ =	swait.ge [sflag:s18], $0x2000  }
0x8a: {  	s3 =	simm.s32 $0x100;
	s7 =	simm.s32 $0x800;
	[sflag:s18] =	ssyncset.done $0x0  }
.LBB2_4:
0x8b: {  	s9 =	sadd.s32 $0x80, s3  }
0x8c: {  	[sflag:s18] =	ssyncadd.s32 $0xFFFFE000;
	s10 =	smov.u32 s7;
	s11 =	sadd.s32 $0x400, s7  }
0x8d: {  	[tilespmem:s23], [sflag:$0x2] =	stream.indirect.gather [spmem:s1], $0x40, s9, s21, $0xb8;
	[tilespmem:$0x1C8C0] =	vst v63  }
0x8e: {  	p1 =	sne.s32 s7, $0x9800;
	_ =	swait.ge [sflag:s24], $0x2000  }
0x8f: {  	[sflag:s24] =	ssyncset.done $0x0  }
0x90: {  	s7 =	sadd.s32 $0x2800, s3;
	[sflag:s24] =	ssyncadd.s32 $0xFFFFE000  }
0x91: {  	[spmem:s2] =	stream.indirect.scatter.add.f32 [tilespmem:s22], [sflag:$0x3], $0x40, s7, s21, $0xb8;
	[tilespmem:$0x1C8C0] =	vst v63  }
0x92: {  	_ =	swait.ge [sflag:s18], $0x2000  }
0x93: {  	[sflag:s18] =	ssyncset.done $0x0  }
0x94: {  	s7 =	sadd.s32 $0x100, s3;
	[sflag:s18] =	ssyncadd.s32 $0xFFFFE000  }
0x95: {  	[tilespmem:s22], [sflag:$0x1] =	stream.indirect.gather [spmem:s1], $0x40, s7, s21, $0xb8;
	[tilespmem:$0x1C8C0] =	vst v63  }
0x96: {  	_ =	swait.ge [sflag:s25], $0x2000  }
.Ltmp1:
0x97: {  	[sflag:s25] =	ssyncset.done $0x0;
	(pc) =	sbr.rel @p1 .LBB2_4-.Ltmp1, $4  }
0x98: {  	s3 =	sadd.s32 $0x2880, s3;
	[sflag:s25] =	ssyncadd.s32 $0xFFFFE000  }
0x99: {  	[spmem:s2] =	stream.indirect.scatter.add.f32 [tilespmem:s23], [sflag:$0x3], $0x40, s3, s21, $0xb8;
	[tilespmem:$0x1C8C0] =	vst v63  }
0x9a: {  	_ =	swait.ge [sflag:s18], $0x2000  }
0x9b: {  	s7 =	smov.u32 s11;
	s3 =	sshra.s32 s10, $0x2;
	[sflag:s18] =	ssyncset.done $0x0  }
0x9c: {  	s7 =	sadd.s32 $0x80, s3;
	[sflag:s18] =	ssyncadd.s32 $0xFFFFE000  }
0x9d: {  	[tilespmem:s23], [sflag:$0x2] =	stream.indirect.gather [spmem:s1], $0x40, s7, s21, $0xb8;
	[tilespmem:$0x1C8C0] =	vst v63  }
0x9e: {  	_ =	swait.ge [sflag:s24], $0x2000  }
0x9f: {  	[sflag:s24] =	ssyncset.done $0x0  }
0xa0: {  	s9 =	sadd.s32 $0x2800, s3;
	[sflag:s24] =	ssyncadd.s32 $0xFFFFE000  }
0xa1: {  	[spmem:s2] =	stream.indirect.scatter.add.f32 [tilespmem:s22], [sflag:$0x3], $0x40, s9, s21, $0xb8;
	[tilespmem:$0x1C8C0] =	vst v63  }
0xa2: {  	_ =	swait.ge [sflag:s18], $0x2000  }
0xa3: {  	[sflag:s18] =	ssyncset.done $0x0  }
0xa4: {  	s10 =	sadd.s32 $0x100, s3;
	[sflag:s18] =	ssyncadd.s32 $0xFFFFE000  }
0xa5: {  	[tilespmem:s22], [sflag:$0x1] =	stream.indirect.gather [spmem:s1], $0x40, s10, s21, $0xb8;
	[tilespmem:$0x1C8C0] =	vst v63  }
0xa6: {  	_ =	swait.ge [sflag:s25], $0x2000  }
0xa7: {  	[sflag:s25] =	ssyncset.done $0x0  }
0xa8: {  	s11 =	sadd.s32 $0x2880, s3;
	[sflag:s25] =	ssyncadd.s32 $0xFFFFE000  }
0xa9: {  	[spmem:s2] =	stream.indirect.scatter.add.f32 [tilespmem:s23], [sflag:$0x3], $0x40, s11, s21, $0xb8;
	[tilespmem:$0x1C8C0] =	vst v63  }
0xaa: {  	_ =	swait.ge [sflag:s18], $0x2000  }
0xab: {  	[sflag:s18] =	ssyncset.done $0x0  }
0xac: {  	[sflag:s18] =	ssyncadd.s32 $0xFFFFE000  }
0xad: {  	[tilespmem:s23], [sflag:$0x2] =	stream.indirect.gather [spmem:s1], $0x40, s26, s21, $0xb8;
	[tilespmem:$0x1C8C0] =	vst v63  }
0xae: {  	_ =	swait.ge [sflag:s24], $0x2000  }
0xaf: {  	[sflag:s24] =	ssyncset.done $0x0  }
0xb0: {  	[sflag:s24] =	ssyncadd.s32 $0xFFFFE000  }
0xb1: {  	[spmem:s2] =	stream.indirect.scatter.add.f32 [tilespmem:s22], [sflag:$0x3], $0x40, s28, s21, $0xb8;
	[tilespmem:$0x1C8C0] =	vst v63  }
0xb2: {  	_ =	swait.ge [sflag:s18], $0x2000  }
0xb3: {  	[sflag:s18] =	ssyncset.done $0x0  }
0xb4: {  	[sflag:s18] =	ssyncadd.s32 $0xFFFFE000  }
0xb5: {  	_ =	swait.ge [sflag:s25], $0x2000  }
0xb6: {  	[sflag:s25] =	ssyncset.done $0x0  }
0xb7: {  	[sflag:s25] =	ssyncadd.s32 $0xFFFFE000  }
0xb8: {  	[spmem:s2] =	stream.indirect.scatter.add.f32 [tilespmem:s23], [sflag:$0x3], $0x40, s29, s21, $0xb8;
	[tilespmem:$0x1C8C0] =	vst v63  }
0xb9: {  	_ =	swait.ge [sflag:s18], $0x2000  }
0xba: {  	[sflag:s18] =	ssyncset.done $0x0  }
0xbb: {  	[sflag:s18] =	ssyncadd.s32 $0xFFFFE000  }
0xbc: {  	[bflag:$0x0] =	sbarrier.arrive $0xFFFF  }
0xbd: {  	[hbm:s14], [sflag:s6] =	dma.local [spmem:s31], $0x1380  }
0xbe: {  	_ =	swait.ge [sflag:s18], $0x1380  }
0xbf: {  	s30 =	sadd.s32 $0x1, s30;
	[sflag:s18] =	ssyncset.done $0x0  }
0xc0: {  	p1 =	sne.s32 s30, s16;
	[sflag:s18] =	ssyncadd.s32 $0xFFFFEC80  }
0xc1: {  	[hbm:s15], [sflag:s6] =	dma.local @!p0 [spmem:s0], $0x80  }
.Ltmp2:
0xc2: {  	_ = 	snop;
	(pc) =	sbr.rel @p1 .LBB2_1-.Ltmp2, $4  }
0xc3: {  	s0 =	simm.s32 @!p0 $0x3  }
0xc4: {  	_ =	swait.ge @!p0 [sflag:s0], $0x80  }
0xc5: {  	[sflag:s0] =	ssyncset.done @!p0 $0x0  }
0xc6: {  	[sflag:s0] =	ssyncadd.s32 @!p0 $0xFFFFFF80  }
0xc7: {  	_ =	sfence.sel $0x180000  }
0xc8: {  	[bflag:$0x0] =	sbarrier.arrive $0xFFFF  }
0xc9: {  	_ =	strace $0x9000004A  }
0xca: {  	s0 =	stileid.u32;
	[bflag:$0x2] =	sbarrier.arrive $0xFFFF  }
0xcb: {  	p0 =	sne.s32 s0, $0x0;
	s0 =	rddreg [dreg:$0x3]  }
0xcc: {  	s0 =	sadd.s32 @!p0 $0x100000, s0  }
0xcd: {  	[sflag:s0] =	ssyncadd.tile.s32 @!p0 $0x1;
	_ =	shalt  }
.Lfunc_end2:
_tile_overlayer_lowered:
.L_overlay_start_2:
0xce: {  	(tag) =	ssettag $0x2  }
0xcf: {  	s0 =	rddreg [dreg:$0x0];
	s2 =	stileid.u32  }
0xd0: {  	s1 =	rddreg [dreg:$0x1];
	p0 =	sne.s32 s2, $0x0  }
0xd1: {  	s3 =	rddreg [dreg:$0x2];
	[bflag:$0x3] =	sbarrier.arrive $0xFFFF;
	s2 =	simm.s32 @!p0 $0x1C03  }
0xd2: {  	[timem:s3], [sflag:s2] =	dma.local @!p0 [hbm:s0], s1  }
0xd3: {  	s0 =	simm.s32 @!p0 $0x3  }
0xd4: {  	_ =	swait.ge @!p0 [sflag:s0], s1  }
0xd5: {  	s1 =	ssub.s32 @!p0 $0x0, s1;
	[sflag:s0] =	ssyncset.done @!p0 $0x0  }
0xd6: {  	[sflag:s0] =	ssyncadd.s32 @!p0 s1  }
0xd7: {  	[bflag:$0x3] =	sbarrier.arrive $0xFFFF  }
0xd8: {  	_ =	shalt  }

// kernel: kernel.14.cloned.1.call-start
scs
__scs_entry_jumppad:
0x0: {  	(pc) =	sbr.rel $0x88, $3  }
0x1: {  	(tag) =	ssettag $0x0;
	lr =	simm.s32 $0x1  }
0x2: {  	[smem:$0x3F9C] =	sst lr;
	_ =	strace $0xD0000000  }
0x3: {  	_ = 	snop  }
0x4: {  	_ = 	snop  }
0x5: {  	_ = 	snop  }
0x6: {  	_ = 	snop  }
0x7: {  	_ = 	snop  }
__scs_overlays_trampoline_lowered:
0x8: {  	[smem:$0x3FAB] =	sst s0  }
0x9: {  	[smem:$0x3FAC] =	sst s1  }
0xa: {  	[smem:$0x3FAD] =	sst s2  }
0xb: {  	[smem:$0x3FAE] =	sst s3  }
0xc: {  	[smem:$0x3FAF] =	sst s4  }
0xd: {  	[smem:$0x3FB0] =	sst s5  }
0xe: {  	[smem:$0x3FB1] =	sst s6  }
0xf: {  	[smem:$0x3FB2] =	sst s7  }
0x10: {  	[smem:$0x3FB3] =	sst s8  }
0x11: {  	[smem:$0x3FB4] =	sst s9;
	s0 =	simm.s32 @!p0 $0x0  }
0x12: {  	s1 =	sld [smem:$0x3F9A];
	s0 =	simm.s32 @p0 $0x1  }
0x13: {  	[smem:$0x3FB5] =	sst s0;
	s0 =	simm.s32 @!p1 $0x0  }
0x14: {  	s2 =	sld [smem:$0x3F99];
	s0 =	simm.s32 @p1 $0x1  }
0x15: {  	[smem:$0x3FB6] =	sst s0;
	s0 =	simm.s32 @!p2 $0x0  }
0x16: {  	s3 =	sld [smem:$0x3FDB];
	s0 =	simm.s32 @p2 $0x1  }
0x17: {  	s4 =	simm.s32 $0x1BF5;
	[smem:$0x3FB8] =	sst s0  }
0x18: {  	s0 =	sld [smem:$0x3F9B];
	_ =	swait.ge [sflag:s4], $0x0  }
0x19: {  	s7 =	sld [smem:$0x3F9C]  }
0x1a: {  	s8 =	sadd.s32 $0xFFFFE003, lr  }
0x1b: {  	s9 =	sadd.s32 $0xFFFFFEF7, lr;
	s5 =	simm.s32 $0xFFFFFFFF;
	p2 =	slt.u32 s8, $0xFFFFF086  }
0x1c: {  	p1 =	slt.u32 s9, $0xF7A;
	s5 =	simm.s32 @!p2 $0x0  }
0x1d: {  	s5 =	simm.s32 @p1 $0x1;
	p0 =	seq.s32 s7, s2  }
0x1e: {  	s7 =	smul.u32 @!p0 $0xF7A, s2;
	p2 =	seq.s32 @!p0 s5, $0x0  }
0x1f: {  	s9 =	smul.u32 $0xF7A, s1;
	s8 =	simm.s32 @!p0 $0x1BF5;
	p2 =	por !p2, p0  }
0x20: {  	[sflag:s8] =	ssyncset.s32 @!p0 $0xFFFFF086;
	s6 =	sadd.s32 @!p0 s3, s7;
	s7 =	simm.s32 @!p0 $0x108  }
0x21: {  	s3 =	sadd.s32 s3, s9;
	s6 =	sadd.s32 @!p0 $0x88, s6;
	s7 =	simm.s32 @p2 $0x1082  }
0x22: {  	[simem:s7], [sflag:s8] =	dma.local @!p0 [hbm:s6], $0xF7A  }
0x23: {  	s9 =	sor.u32 $0xD0000000, s2;
	s6 =	simm.s32 $0x108;
	_ =	swait.ge @!p0 [sflag:s8], $0x0  }
0x24: {  	s3 =	sadd.s32 $0x88, s3;
	s6 =	simm.s32 @!p1 $0x1082;
	[sflag:s4] =	ssyncset.s32 $0xFFFFF086  }
0x25: {  	[simem:s6], [sflag:s4] =	dma.local [hbm:s3], $0xF7A  }
0x26: {  	[smem:$0x3F9C] =	sst s1;
	(tag) =	ssettag s2;
	_ =	strace s9  }
0x27: {  	s1 =	sld [smem:$0x3FAC]  }
0x28: {  	s2 =	sld [smem:$0x3FAD]  }
0x29: {  	s4 =	sld [smem:$0x3FAF]  }
0x2a: {  	p0 =	seq.s32 s5, $0x0;
	s5 =	sld [smem:$0x3FB0]  }
0x2b: {  	s6 =	sld [smem:$0x3FB1]  }
0x2c: {  	s7 =	sld [smem:$0x3FB2]  }
0x2d: {  	s3 =	simm.s32 $0x108;
	s8 =	sld [smem:$0x3FB3]  }
0x2e: {  	s3 =	simm.s32 @!p0 $0x1082;
	s9 =	sld [smem:$0x3FB4]  }
0x2f: {  	lr =	sadd.s32 s0, s3;
	s0 =	sld [smem:$0x3FAB]  }
0x30: {  	s3 =	sld [smem:$0x3FAE]  }
0x31: {  	[smem:$0x3FB7] =	sst s10  }
0x32: {  	s10 =	sld [smem:$0x3FB5];
	_ =	sdelay $0x3  }
0x33: {  	p0 =	seq.s32 s10, $0x1;
	s10 =	sld [smem:$0x3FB7];
	_ =	sdelay $0x3  }
0x34: {  	[smem:$0x3FB7] =	sst s10  }
0x35: {  	s10 =	sld [smem:$0x3FB6];
	_ =	sdelay $0x3  }
0x36: {  	p1 =	seq.s32 s10, $0x1;
	s10 =	sld [smem:$0x3FB7];
	_ =	sdelay $0x3  }
0x37: {  	[smem:$0x3FB7] =	sst s10  }
0x38: {  	s10 =	sld [smem:$0x3FB8]  }
0x39: {  	_ = 	snop;
	(pc) =	sbr.ind lr, $3  }
0x3a: {  	_ = 	snop  }
0x3b: {  	_ = 	snop  }
0x3c: {  	p2 =	seq.s32 s10, $0x1;
	s10 =	sld [smem:$0x3FB7]  }
0x3d: {  	_ =	shalt  }
0x3e: {  	_ =	shalt  }
0x3f: {  	_ =	shalt  }
0x40: {  	_ =	shalt  }
0x41: {  	_ =	shalt  }
0x42: {  	_ =	shalt  }
0x43: {  	_ =	shalt  }
0x44: {  	_ =	shalt  }
0x45: {  	_ =	shalt  }
0x46: {  	_ =	shalt  }
0x47: {  	_ =	shalt  }
0x48: {  	_ =	shalt  }
0x49: {  	_ =	shalt  }
0x4a: {  	_ =	shalt  }
0x4b: {  	_ =	shalt  }
0x4c: {  	_ =	shalt  }
0x4d: {  	_ =	shalt  }
0x4e: {  	_ =	shalt  }
0x4f: {  	_ =	shalt  }
0x50: {  	_ =	shalt  }
0x51: {  	_ =	shalt  }
0x52: {  	_ =	shalt  }
0x53: {  	_ =	shalt  }
0x54: {  	_ =	shalt  }
0x55: {  	_ =	shalt  }
0x56: {  	_ =	shalt  }
0x57: {  	_ =	shalt  }
0x58: {  	_ =	shalt  }
0x59: {  	_ =	shalt  }
0x5a: {  	_ =	shalt  }
0x5b: {  	_ =	shalt  }
0x5c: {  	_ =	shalt  }
0x5d: {  	_ =	shalt  }
0x5e: {  	_ =	shalt  }
0x5f: {  	_ =	shalt  }
0x60: {  	_ =	shalt  }
0x61: {  	_ =	shalt  }
0x62: {  	_ =	shalt  }
0x63: {  	_ =	shalt  }
0x64: {  	_ =	shalt  }
0x65: {  	_ =	shalt  }
0x66: {  	_ =	shalt  }
0x67: {  	_ =	shalt  }
0x68: {  	_ =	shalt  }
0x69: {  	_ =	shalt  }
0x6a: {  	_ =	shalt  }
0x6b: {  	_ =	shalt  }
0x6c: {  	_ =	shalt  }
0x6d: {  	_ =	shalt  }
0x6e: {  	_ =	shalt  }
0x6f: {  	_ =	shalt  }
0x70: {  	_ =	shalt  }
0x71: {  	_ =	shalt  }
0x72: {  	_ =	shalt  }
0x73: {  	_ =	shalt  }
0x74: {  	_ =	shalt  }
0x75: {  	_ =	shalt  }
0x76: {  	_ =	shalt  }
0x77: {  	_ =	shalt  }
0x78: {  	_ =	shalt  }
0x79: {  	_ =	shalt  }
0x7a: {  	_ =	shalt  }
0x7b: {  	_ =	shalt  }
0x7c: {  	_ =	shalt  }
0x7d: {  	_ =	shalt  }
0x7e: {  	_ =	shalt  }
0x7f: {  	_ =	shalt  }
0x80: {  	_ =	shalt  }
0x81: {  	_ =	shalt  }
0x82: {  	_ =	shalt  }
0x83: {  	_ =	shalt  }
0x84: {  	_ =	shalt  }
0x85: {  	_ =	shalt  }
0x86: {  	_ =	shalt  }
0x87: {  	_ =	shalt  }
.Lfunc_end0:
.L_simem_size_0:
called_computation.2_lowered:
.L_overlay_start_0:
0x88: {  	s2 =	sld [smem:$0x3FD9]  }
0x89: {  	s3 =	sld [smem:$0x3FFE];
	_ =	sdelay $0x1  }
0x8a: {  	s1 =	srdreg.scid  }
0x8b: {  	s0 =	sand.u32 $0x1, s1  }
0x8c: {  	s17 =	sshll.u32 s0, $0xA;
	s2 =	sadd.s32 s3, s2  }
0x8d: {  	s2 =	sadd.s32 s2, s17  }
0x8e: {  	[smem:$0x3FC3] =	sst s2  }
0x8f: {  	_ = 	snop  }
0x90: {  	s2 =	sld [smem:$0x3FD0];
	(tm) =	ssettm $0x1  }
0x91: {  	s18 =	sld [smem:$0x3FFB];
	_ =	sdelay $0x3  }
0x92: {  	_ =	strace s18  }
0x93: {  	s3 =	sld [smem:$0x3FFC];
	_ =	sdelay $0x3  }
0x94: {  	_ =	strace s3  }
0x95: {  	s3 =	sld [smem:$0x3FFD];
	_ =	sdelay $0x3  }
0x96: {  	_ =	strace s3  }
0x97: {  	_ =	strace $0x8FFFFFFF  }
0x98: {  	s19 =	sld [smem:$0x3FDB];
	_ =	sdelay $0x1  }
0x99: {  	s4 =	simm.s32 $_scs_section_size  }
0x9a: {  	s5 =	simm.s32 $_size__tile_overlayer_lowered;
	s6 =	simm.s32 $_tile_overlayer_lowered  }
0x9b: {  	s22 =	simm.s32 $0x1BFF;
	s21 =	sshll.u32 s6, $0x1;
	s3 =	sadd.s32 s4, s19  }
0x9c: {  	s7 =	simm.s32 $0x0;
	s20 =	sshll.u32 s5, $0x1;
	s5 =	sadd.s32 s21, s3  }
0x9d: {  	[timem:s7], [sflag:s22] =	dma.local [hbm:s5], s20  }
0x9e: {  	_ =	swait.ge [sflag:s22], s20  }
0x9f: {  	s4 =	ssub.s32 $0x0, s20;
	[sflag:s22] =	ssyncset.done $0x0  }
0xa0: {  	[sflag:s22] =	ssyncadd.s32 s4;
	_ =	sdelay $0x1  }
0xa1: {  	s23 =	simm.s32 $0x1B8B  }
0xa2: {  	_ =	swait.ge [sflag:s23], $0x1  }
0xa3: {  	[sflag:s23] =	ssyncset.done $0x0  }
0xa4: {  	s25 =	simm.s32 $0x1B8E;
	s24 =	sld [smem:$0x3FFE];
	[sflag:s23] =	ssyncadd.s32 $0xFFFFFFFF  }
0xa5: {  	s26 =	simm.s32 $execute0_lowered;
	[smem:$0x3FD2] =	sst s25  }
0xa6: {  	s5 =	sshll.u32 s26, $0x1;
	_ =	strace $0x8000004C;
	[dreg:$0x1] =	wrdreg $0xFFFFFFFF  }
0xa7: {  	s28 =	simm.s32 $_size_execute0_lowered;
	s3 =	sadd.s32 s3, s5;
	[dreg:$0x0] =	wrdreg $0x0  }
0xa8: {  	s5 =	sshll.u32 s28, $0x1;
	[dreg:$0x2] =	wrdreg s3  }
0xa9: {  	[dreg:$0x3] =	wrdreg s5  }
0xaa: {  	[dreg:$0x4] =	wrdreg $0xC0  }
0xab: {  	_ =	task [dreg:s7], $0x5FFFF  }
0xac: {  	[dreg:$0x1] =	wrdreg $0xFFFFFFFF  }
0xad: {  	[dreg:$0x0] =	wrdreg $0x60  }
0xae: {  	[dreg:$0x2] =	wrdreg s2  }
0xaf: {  	[dreg:$0x3] =	wrdreg s24  }
0xb0: {  	[dreg:$0x4] =	wrdreg $0x60000  }
0xb1: {  	[dreg:$0x5] =	wrdreg $0x87100  }
0xb2: {  	[dreg:$0x6] =	wrdreg $0x9  }
0xb3: {  	_ =	task.clear_ibuf [dreg:s7], $0x7FFFF;
	_ =	strace $0x9000004C  }
0xb4: {  	s29 =	simm.s32 $0x9;
	_ =	strace $0x8000004E  }
0xb5: {  	_ =	swait.ge [sflag:s29], $0x1  }
0xb6: {  	[sflag:s29] =	ssyncadd.s32 $0xFFFFFFFF  }
0xb7: {  	_ =	strace $0x9000004E  }
0xb8: {  	_ =	sfence  }
0xb9: {  	s30 =	sld [smem:$0x0];
	_ =	sdelay $0x2  }
0xba: {  	s31 =	sshll.u32 s1, $0xD;
	s1 =	sshrl.u32 s1, $0x2  }
0xbb: {  	s3 =	sand.u32 $0x4000, s31;
	s1 =	sadd.s32 s1, s30  }
0xbc: {  	s0 =	sor.u32 s3, s0;
	s1 =	sshll.u32 s1, $0x11  }
0xbd: {  	s0 =	sor.u32 s1, s0  }
0xbe: {  	s0 =	sadd.s32 $0x8F2B, s0  }
0xbf: {  	[sflag:s0] =	ssyncadd.remote.s32 $0x1  }
0xc0: {  	_ =	sfence.sel $0xFFFF  }
0xc1: {  	[dreg:$0x0] =	wrdreg $0xFFFFFFFF;
	(pc) =	sbr.abs _section_cstart, $3  }
0xc2: {  	[dreg:$0x1] =	wrdreg $0xFFFFFFFF  }
0xc3: {  	_ =	task.clear_ibuf [dreg:s7], $0x2FFFF;
	_ =	strace $0x9FFFFFFF  }
0xc4: {  	(tm) =	ssettm $0x7FFFFFFF  }
0xc5: {  	_ =	shalt  }
tec
execute0_lowered:
.L_overlay_start_1:
0x0: {  	(tag) =	ssettag $0x1  }
0x1: {  	s0 =	rddreg [dreg:$0x0]  }
0x2: {  	s1 =	rddreg [dreg:$0x1];
	s3 =	srdreg.scid  }
0x3: {  	s2 =	rddreg [dreg:$0x2];
	s16 =	stileid.u32;
	s4 =	simm.s32 $0x0  }
0x4: {  	s14 =	simm.s32 $0x3;
	s21 =	simm.s32 $0x80;
	s22 =	simm.s32 $0x5000  }
0x5: {  	s23 =	simm.s32 $0x5800;
	s24 =	simm.s32 $0x1;
	s29 =	simm.s32 $0x4F80  }
0x6: {  	s30 =	simm.s32 $0x0;
	s15 =	sand.u32 $0x1, s3;
	s3 =	rddreg [dreg:$0x3]  }
0x7: {  	[smem:$0x7FF] =	sst s4;
	s9 =	smul.u32 $0x2700, s16;
	s20 =	sadd.s32 $0x27000, s2  }
0x8: {  	p0 =	sne.s32 s16, $0xF;
	s31 =	sshll.u32 s16, $0x6;
	s5 =	sshll.u32 s15, $0x4  }
0x9: {  	_ =	strace $0x8000004D;
	s6 =	ssub.s32 $0x2, s15;
	s10 =	smul.u32 $0x27100, s15  }
0xa: {  	p1 =	seq.s32 s15, $0x0;
	p2 =	seq.s32 @!p0 s15, $0x0;
	s17 =	sor.u32 $0x1C03, s31  }
0xb: {  	s20 =	sshrl.u32 @!p0 s20, $0x3;
	s5 =	sor.u32 s16, s5;
	s8 =	sshrl.u32 s6, $0x1  }
0xc: {  	s25 =	sshrl.u32 s9, $0x3;
	s18 =	sadd.s32 s9, s2;
	s19 =	sadd.s32 s9, s3  }
0xd: {  	p2 =	por !p2, p0;
	s5 =	smul.u32 $0x500, s5;
	s13 =	ssub.s32 s6, s8  }
0xe: {  	s8 =	sadd.s32 s0, s25;
	s11 =	sadd.s32 s9, s10;
	s9 =	sadd.s32 $0x4E00, s0  }
0xf: {  	s12 =	sshrl.u32 s10, $0x3;
	s10 =	sadd.s32 $0x27000, s3;
	s18 =	sshrl.u32 s18, $0x3  }
0x10: {  	s19 =	sshrl.u32 s19, $0x3;
	s25 =	simm.s32 $0x2;
	s26 =	sshrl.u32 s11, $0x3  }
0x11: {  	s13 =	smax.u32 s13, $0x1;
	s16 =	smov.u32 s9;
	s7 =	sadd.s32 s5, s1  }
0x12: {  	s5 =	sadd.s32 $0x1600, s1;
	s1 =	sadd.s32 $0x1C00, s1;
	s6 =	sadd.s32 $0x1F200, s7  }
0x13: {  	s7 =	sadd.s32 $0x15200, s7;
	s11 =	sadd.s32 s1, s26;
	s28 =	sadd.s32 s1, s12  }
0x14: {  	s16 =	smov.u32 @p2 s5;
	s5 =	smov.u32 @p1 s8;
	s12 =	sadd.s32 $0x4E00, s28  }
.LBB2_1:
0x15: {  	[tilespmem:s4], [sflag:$0x3] =	stream.linear.gather [hbm4b:s6+s4], $0x2800, $0x38;
	[tilespmem:$0xAE30] =	vst v63  }
0x16: {  	_ =	swait.ge [sflag:s14], $0x2800  }
0x17: {  	[sflag:s14] =	ssyncset.done $0x0  }
0x18: {  	s0 =	simm.s32 $0x2800;
	[sflag:s14] =	ssyncadd.s32 $0xFFFFD800  }
0x19: {  	[tilespmem:s0], [sflag:$0x3] =	stream.linear.gather [hbm4b:s7+s4], $0x2800, $0x38;
	[tilespmem:$0xAE30] =	vst v63  }
0x1a: {  	_ =	swait.ge [sflag:s14], $0x2800  }
0x1b: {  	[sflag:s14] =	ssyncset.done $0x0  }
0x1c: {  	[sflag:s14] =	ssyncadd.s32 $0xFFFFD800  }
0x1d: {  	[spmem:s18], [sflag:s17] =	dma.local [hbm:s8], $0x4E0  }
0x1e: {  	_ =	swait.ge [sflag:s14], $0x4E0  }
0x1f: {  	[sflag:s14] =	ssyncset.done $0x0  }
0x20: {  	[sflag:s14] =	ssyncadd.s32 $0xFFFFFB20  }
0x21: {  	[spmem:s19], [sflag:s17] =	dma.local [hbm:s5], $0x4E0  }
0x22: {  	_ =	swait.ge [sflag:s14], $0x4E0  }
0x23: {  	[sflag:s14] =	ssyncset.done $0x0  }
0x24: {  	s0 =	simm.s32 @!p0 $0x3;
	[sflag:s14] =	ssyncadd.s32 $0xFFFFFB20  }
0x25: {  	[spmem:s20], [sflag:s17] =	dma.local @!p0 [hbm:s9], $0x20  }
0x26: {  	_ =	swait.ge @!p0 [sflag:s0], $0x20  }
0x27: {  	[sflag:s0] =	ssyncset.done @!p0 $0x0  }
0x28: {  	s31 =	sshrl.u32 @!p0 s10, $0x3;
	[sflag:s0] =	ssyncadd.s32 @!p0 $0xFFFFFFE0  }
0x29: {  	[spmem:s31], [sflag:s17] =	dma.local @!p0 [hbm:s16], $0x20  }
0x2a: {  	_ =	swait.ge @!p0 [sflag:s0], $0x20  }
0x2b: {  	[sflag:s0] =	ssyncset.done @!p0 $0x0  }
0x2c: {  	[sflag:s0] =	ssyncadd.s32 @!p0 $0xFFFFFFE0  }
0x2d: {  	[bflag:$0x0] =	sbarrier.arrive $0xFFFF  }
0x2e: {  	[tilespmem:s22], [sflag:$0x1] =	stream.indirect.gather [spmem:s2], $0x10, s4, s21, $0xb8;
	[tilespmem:$0xAE30] =	vst v63  }
0x2f: {  	s1 =	simm.s32 $0x80  }
0x30: {  	[tilespmem:s23], [sflag:$0x2] =	stream.indirect.gather [spmem:s2], $0x10, s1, s21, $0xb8;
	[tilespmem:$0xAE30] =	vst v63  }
0x31: {  	_ =	swait.ge [sflag:s24], $0x800  }
0x32: {  	[sflag:s24] =	ssyncset.done $0x0  }
0x33: {  	s15 =	simm.s32 $0x2800;
	[sflag:s24] =	ssyncadd.s32 $0xFFFFF800  }
0x34: {  	[spmem:s3] =	stream.indirect.scatter.add.f32 [tilespmem:s22], [sflag:$0x3], $0x10, s15, s21, $0xb8;
	[tilespmem:$0xAE30] =	vst v63  }
0x35: {  	_ =	swait.ge [sflag:s14], $0x800  }
0x36: {  	[sflag:s14] =	ssyncset.done $0x0  }
0x37: {  	s26 =	simm.s32 $0x100;
	[sflag:s14] =	ssyncadd.s32 $0xFFFFF800  }
0x38: {  	[tilespmem:s22], [sflag:$0x1] =	stream.indirect.gather [spmem:s2], $0x10, s26, s21, $0xb8;
	[tilespmem:$0xAE30] =	vst v63  }
0x39: {  	_ =	swait.ge [sflag:s25], $0x800  }
0x3a: {  	[sflag:s25] =	ssyncset.done $0x0  }
0x3b: {  	s28 =	simm.s32 $0x2880;
	[sflag:s25] =	ssyncadd.s32 $0xFFFFF800  }
0x3c: {  	[spmem:s3] =	stream.indirect.scatter.add.f32 [tilespmem:s23], [sflag:$0x3], $0x10, s28, s21, $0xb8;
	[tilespmem:$0xAE30] =	vst v63  }
0x3d: {  	_ =	swait.ge [sflag:s14], $0x800  }
0x3e: {  	s0 =	simm.s32 $0x100;
	s1 =	simm.s32 $0x800;
	[sflag:s14] =	ssyncset.done $0x0  }
.LBB2_2:
0x3f: {  	s15 =	sadd.s32 $0x80, s0  }
0x40: {  	[sflag:s14] =	ssyncadd.s32 $0xFFFFF800;
	s26 =	smov.u32 s1;
	s28 =	sadd.s32 $0x400, s1  }
0x41: {  	[tilespmem:s23], [sflag:$0x2] =	stream.indirect.gather [spmem:s2], $0x10, s15, s21, $0xb8;
	[tilespmem:$0xAE30] =	vst v63  }
0x42: {  	p1 =	sne.s32 s1, $0x9800;
	_ =	swait.ge [sflag:s24], $0x800  }
0x43: {  	[sflag:s24] =	ssyncset.done $0x0  }
0x44: {  	s1 =	sadd.s32 $0x2800, s0;
	[sflag:s24] =	ssyncadd.s32 $0xFFFFF800  }
0x45: {  	[spmem:s3] =	stream.indirect.scatter.add.f32 [tilespmem:s22], [sflag:$0x3], $0x10, s1, s21, $0xb8;
	[tilespmem:$0xAE30] =	vst v63  }
0x46: {  	_ =	swait.ge [sflag:s14], $0x800  }
0x47: {  	[sflag:s14] =	ssyncset.done $0x0  }
0x48: {  	s1 =	sadd.s32 $0x100, s0;
	[sflag:s14] =	ssyncadd.s32 $0xFFFFF800  }
0x49: {  	[tilespmem:s22], [sflag:$0x1] =	stream.indirect.gather [spmem:s2], $0x10, s1, s21, $0xb8;
	[tilespmem:$0xAE30] =	vst v63  }
0x4a: {  	_ =	swait.ge [sflag:s25], $0x800  }
.Ltmp0:
0x4b: {  	[sflag:s25] =	ssyncset.done $0x0;
	(pc) =	sbr.rel @p1 .LBB2_2-.Ltmp0, $4  }
0x4c: {  	s0 =	sadd.s32 $0x2880, s0;
	[sflag:s25] =	ssyncadd.s32 $0xFFFFF800  }
0x4d: {  	[spmem:s3] =	stream.indirect.scatter.add.f32 [tilespmem:s23], [sflag:$0x3], $0x10, s0, s21, $0xb8;
	[tilespmem:$0xAE30] =	vst v63  }
0x4e: {  	_ =	swait.ge [sflag:s14], $0x800  }
0x4f: {  	s1 =	smov.u32 s28;
	s0 =	sshra.s32 s26, $0x2;
	[sflag:s14] =	ssyncset.done $0x0  }
0x50: {  	s1 =	sadd.s32 $0x80, s0;
	[sflag:s14] =	ssyncadd.s32 $0xFFFFF800  }
0x51: {  	[tilespmem:s23], [sflag:$0x2] =	stream.indirect.gather [spmem:s2], $0x10, s1, s21, $0xb8;
	[tilespmem:$0xAE30] =	vst v63  }
0x52: {  	_ =	swait.ge [sflag:s24], $0x800  }
0x53: {  	[sflag:s24] =	ssyncset.done $0x0  }
0x54: {  	s26 =	sadd.s32 $0x2800, s0;
	[sflag:s24] =	ssyncadd.s32 $0xFFFFF800  }
0x55: {  	[spmem:s3] =	stream.indirect.scatter.add.f32 [tilespmem:s22], [sflag:$0x3], $0x10, s26, s21, $0xb8;
	[tilespmem:$0xAE30] =	vst v63  }
0x56: {  	_ =	swait.ge [sflag:s14], $0x800  }
0x57: {  	[sflag:s14] =	ssyncset.done $0x0  }
0x58: {  	s28 =	sadd.s32 $0x100, s0;
	[sflag:s14] =	ssyncadd.s32 $0xFFFFF800  }
0x59: {  	[tilespmem:s22], [sflag:$0x1] =	stream.indirect.gather [spmem:s2], $0x10, s28, s21, $0xb8;
	[tilespmem:$0xAE30] =	vst v63  }
0x5a: {  	_ =	swait.ge [sflag:s25], $0x800  }
0x5b: {  	[sflag:s25] =	ssyncset.done $0x0  }
0x5c: {  	s15 =	sadd.s32 $0x2880, s0;
	[sflag:s25] =	ssyncadd.s32 $0xFFFFF800  }
0x5d: {  	[spmem:s3] =	stream.indirect.scatter.add.f32 [tilespmem:s23], [sflag:$0x3], $0x10, s15, s21, $0xb8;
	[tilespmem:$0xAE30] =	vst v63  }
0x5e: {  	_ =	swait.ge [sflag:s14], $0x800  }
0x5f: {  	[sflag:s14] =	ssyncset.done $0x0  }
0x60: {  	s26 =	simm.s32 $0x2780;
	[sflag:s14] =	ssyncadd.s32 $0xFFFFF800  }
0x61: {  	[tilespmem:s23], [sflag:$0x2] =	stream.indirect.gather [spmem:s2], $0x10, s26, s21, $0xb8;
	[tilespmem:$0xAE30] =	vst v63  }
0x62: {  	_ =	swait.ge [sflag:s24], $0x800  }
0x63: {  	[sflag:s24] =	ssyncset.done $0x0  }
0x64: {  	s28 =	simm.s32 $0x4F00;
	[sflag:s24] =	ssyncadd.s32 $0xFFFFF800  }
0x65: {  	[spmem:s3] =	stream.indirect.scatter.add.f32 [tilespmem:s22], [sflag:$0x3], $0x10, s28, s21, $0xb8;
	[tilespmem:$0xAE30] =	vst v63  }
0x66: {  	_ =	swait.ge [sflag:s14], $0x800  }
0x67: {  	[sflag:s14] =	ssyncset.done $0x0  }
0x68: {  	[sflag:s14] =	ssyncadd.s32 $0xFFFFF800  }
0x69: {  	_ =	swait.ge [sflag:s25], $0x800  }
0x6a: {  	[sflag:s25] =	ssyncset.done $0x0  }
0x6b: {  	[sflag:s25] =	ssyncadd.s32 $0xFFFFF800  }
0x6c: {  	[spmem:s3] =	stream.indirect.scatter.add.f32 [tilespmem:s23], [sflag:$0x3], $0x10, s29, s21, $0xb8;
	[tilespmem:$0xAE30] =	vst v63  }
0x6d: {  	_ =	swait.ge [sflag:s14], $0x800  }
0x6e: {  	[sflag:s14] =	ssyncset.done $0x0  }
0x6f: {  	[sflag:s14] =	ssyncadd.s32 $0xFFFFF800  }
0x70: {  	[bflag:$0x0] =	sbarrier.arrive $0xFFFF  }
0x71: {  	[hbm:s11], [sflag:s17] =	dma.local [spmem:s19], $0x4E0  }
0x72: {  	s30 =	sadd.s32 $0x1, s30;
	_ =	swait.ge [sflag:s14], $0x4E0  }
0x73: {  	p1 =	sne.s32 s30, s13;
	[sflag:s14] =	ssyncset.done $0x0  }
.Ltmp1:
0x74: {  	s0 =	simm.s32 @!p0 $0x3;
	[sflag:s14] =	ssyncadd.s32 $0xFFFFFB20;
	(pc) =	sbr.rel @p1 .LBB2_1-.Ltmp1, $4  }
0x75: {  	[hbm:s12], [sflag:s17] =	dma.local @!p0 [spmem:s31], $0x20  }
0x76: {  	_ =	swait.ge @!p0 [sflag:s0], $0x20  }
0x77: {  	[sflag:s0] =	ssyncset.done @!p0 $0x0  }
0x78: {  	[sflag:s0] =	ssyncadd.s32 @!p0 $0xFFFFFFE0  }
0x79: {  	_ =	sfence.sel $0x180000  }
0x7a: {  	[bflag:$0x0] =	sbarrier.arrive $0xFFFF  }
0x7b: {  	_ =	strace $0x9000004D  }
0x7c: {  	s0 =	stileid.u32;
	[bflag:$0x2] =	sbarrier.arrive $0xFFFF  }
0x7d: {  	p0 =	sne.s32 s0, $0x0;
	s0 =	rddreg [dreg:$0x4]  }
0x7e: {  	s0 =	sadd.s32 @!p0 $0x100000, s0  }
0x7f: {  	[sflag:s0] =	ssyncadd.tile.s32 @!p0 $0x1;
	_ =	shalt  }
.Lfunc_end2:
_tile_overlayer_lowered:
.L_overlay_start_2:
0x80: {  	(tag) =	ssettag $0x2  }
0x81: {  	s0 =	rddreg [dreg:$0x0];
	s2 =	stileid.u32  }
0x82: {  	s1 =	rddreg [dreg:$0x1];
	p0 =	sne.s32 s2, $0x0  }
0x83: {  	s3 =	rddreg [dreg:$0x2];
	[bflag:$0x3] =	sbarrier.arrive $0xFFFF;
	s2 =	simm.s32 @!p0 $0x1C03  }
0x84: {  	[timem:s3], [sflag:s2] =	dma.local @!p0 [hbm:s0], s1  }
0x85: {  	s0 =	simm.s32 @!p0 $0x3  }
0x86: {  	_ =	swait.ge @!p0 [sflag:s0], s1  }
0x87: {  	s1 =	ssub.s32 @!p0 $0x0, s1;
	[sflag:s0] =	ssyncset.done @!p0 $0x0  }
0x88: {  	[sflag:s0] =	ssyncadd.s32 @!p0 s1  }
0x89: {  	[bflag:$0x3] =	sbarrier.arrive $0xFFFF  }
0x8a: {  	_ =	shalt  }

// kernel: kernel.8.cloned.1.call-start
scs
__scs_entry_jumppad:
0x0: {  	(pc) =	sbr.rel $0x88, $3  }
0x1: {  	(tag) =	ssettag $0x0;
	lr =	simm.s32 $0x1  }
0x2: {  	[smem:$0x3F9C] =	sst lr;
	_ =	strace $0xD0000000  }
0x3: {  	_ = 	snop  }
0x4: {  	_ = 	snop  }
0x5: {  	_ = 	snop  }
0x6: {  	_ = 	snop  }
0x7: {  	_ = 	snop  }
__scs_overlays_trampoline_lowered:
0x8: {  	[smem:$0x3FAB] =	sst s0  }
0x9: {  	[smem:$0x3FAC] =	sst s1  }
0xa: {  	[smem:$0x3FAD] =	sst s2  }
0xb: {  	[smem:$0x3FAE] =	sst s3  }
0xc: {  	[smem:$0x3FAF] =	sst s4  }
0xd: {  	[smem:$0x3FB0] =	sst s5  }
0xe: {  	[smem:$0x3FB1] =	sst s6  }
0xf: {  	[smem:$0x3FB2] =	sst s7  }
0x10: {  	[smem:$0x3FB3] =	sst s8  }
0x11: {  	[smem:$0x3FB4] =	sst s9;
	s0 =	simm.s32 @!p0 $0x0  }
0x12: {  	s1 =	sld [smem:$0x3F9A];
	s0 =	simm.s32 @p0 $0x1  }
0x13: {  	[smem:$0x3FB5] =	sst s0;
	s0 =	simm.s32 @!p1 $0x0  }
0x14: {  	s2 =	sld [smem:$0x3F99];
	s0 =	simm.s32 @p1 $0x1  }
0x15: {  	[smem:$0x3FB6] =	sst s0;
	s0 =	simm.s32 @!p2 $0x0  }
0x16: {  	s3 =	sld [smem:$0x3FDB];
	s0 =	simm.s32 @p2 $0x1  }
0x17: {  	s4 =	simm.s32 $0x1BF5;
	[smem:$0x3FB8] =	sst s0  }
0x18: {  	s0 =	sld [smem:$0x3F9B];
	_ =	swait.ge [sflag:s4], $0x0  }
0x19: {  	s7 =	sld [smem:$0x3F9C]  }
0x1a: {  	s8 =	sadd.s32 $0xFFFFE003, lr  }
0x1b: {  	s9 =	sadd.s32 $0xFFFFFEF7, lr;
	s5 =	simm.s32 $0xFFFFFFFF;
	p2 =	slt.u32 s8, $0xFFFFF086  }
0x1c: {  	p1 =	slt.u32 s9, $0xF7A;
	s5 =	simm.s32 @!p2 $0x0  }
0x1d: {  	s5 =	simm.s32 @p1 $0x1;
	p0 =	seq.s32 s7, s2  }
0x1e: {  	s7 =	smul.u32 @!p0 $0xF7A, s2;
	p2 =	seq.s32 @!p0 s5, $0x0  }
0x1f: {  	s9 =	smul.u32 $0xF7A, s1;
	s8 =	simm.s32 @!p0 $0x1BF5;
	p2 =	por !p2, p0  }
0x20: {  	[sflag:s8] =	ssyncset.s32 @!p0 $0xFFFFF086;
	s6 =	sadd.s32 @!p0 s3, s7;
	s7 =	simm.s32 @!p0 $0x108  }
0x21: {  	s3 =	sadd.s32 s3, s9;
	s6 =	sadd.s32 @!p0 $0x88, s6;
	s7 =	simm.s32 @p2 $0x1082  }
0x22: {  	[simem:s7], [sflag:s8] =	dma.local @!p0 [hbm:s6], $0xF7A  }
0x23: {  	s9 =	sor.u32 $0xD0000000, s2;
	s6 =	simm.s32 $0x108;
	_ =	swait.ge @!p0 [sflag:s8], $0x0  }
0x24: {  	s3 =	sadd.s32 $0x88, s3;
	s6 =	simm.s32 @!p1 $0x1082;
	[sflag:s4] =	ssyncset.s32 $0xFFFFF086  }
0x25: {  	[simem:s6], [sflag:s4] =	dma.local [hbm:s3], $0xF7A  }
0x26: {  	[smem:$0x3F9C] =	sst s1;
	(tag) =	ssettag s2;
	_ =	strace s9  }
0x27: {  	s1 =	sld [smem:$0x3FAC]  }
0x28: {  	s2 =	sld [smem:$0x3FAD]  }
0x29: {  	s4 =	sld [smem:$0x3FAF]  }
0x2a: {  	p0 =	seq.s32 s5, $0x0;
	s5 =	sld [smem:$0x3FB0]  }
0x2b: {  	s6 =	sld [smem:$0x3FB1]  }
0x2c: {  	s7 =	sld [smem:$0x3FB2]  }
0x2d: {  	s3 =	simm.s32 $0x108;
	s8 =	sld [smem:$0x3FB3]  }
0x2e: {  	s3 =	simm.s32 @!p0 $0x1082;
	s9 =	sld [smem:$0x3FB4]  }
0x2f: {  	lr =	sadd.s32 s0, s3;
	s0 =	sld [smem:$0x3FAB]  }
0x30: {  	s3 =	sld [smem:$0x3FAE]  }
0x31: {  	[smem:$0x3FB7] =	sst s10  }
0x32: {  	s10 =	sld [smem:$0x3FB5];
	_ =	sdelay $0x3  }
0x33: {  	p0 =	seq.s32 s10, $0x1;
	s10 =	sld [smem:$0x3FB7];
	_ =	sdelay $0x3  }
0x34: {  	[smem:$0x3FB7] =	sst s10  }
0x35: {  	s10 =	sld [smem:$0x3FB6];
	_ =	sdelay $0x3  }
0x36: {  	p1 =	seq.s32 s10, $0x1;
	s10 =	sld [smem:$0x3FB7];
	_ =	sdelay $0x3  }
0x37: {  	[smem:$0x3FB7] =	sst s10  }
0x38: {  	s10 =	sld [smem:$0x3FB8]  }
0x39: {  	_ = 	snop;
	(pc) =	sbr.ind lr, $3  }
0x3a: {  	_ = 	snop  }
0x3b: {  	_ = 	snop  }
0x3c: {  	p2 =	seq.s32 s10, $0x1;
	s10 =	sld [smem:$0x3FB7]  }
0x3d: {  	_ =	shalt  }
0x3e: {  	_ =	shalt  }
0x3f: {  	_ =	shalt  }
0x40: {  	_ =	shalt  }
0x41: {  	_ =	shalt  }
0x42: {  	_ =	shalt  }
0x43: {  	_ =	shalt  }
0x44: {  	_ =	shalt  }
0x45: {  	_ =	shalt  }
0x46: {  	_ =	shalt  }
0x47: {  	_ =	shalt  }
0x48: {  	_ =	shalt  }
0x49: {  	_ =	shalt  }
0x4a: {  	_ =	shalt  }
0x4b: {  	_ =	shalt  }
0x4c: {  	_ =	shalt  }
0x4d: {  	_ =	shalt  }
0x4e: {  	_ =	shalt  }
0x4f: {  	_ =	shalt  }
0x50: {  	_ =	shalt  }
0x51: {  	_ =	shalt  }
0x52: {  	_ =	shalt  }
0x53: {  	_ =	shalt  }
0x54: {  	_ =	shalt  }
0x55: {  	_ =	shalt  }
0x56: {  	_ =	shalt  }
0x57: {  	_ =	shalt  }
0x58: {  	_ =	shalt  }
0x59: {  	_ =	shalt  }
0x5a: {  	_ =	shalt  }
0x5b: {  	_ =	shalt  }
0x5c: {  	_ =	shalt  }
0x5d: {  	_ =	shalt  }
0x5e: {  	_ =	shalt  }
0x5f: {  	_ =	shalt  }
0x60: {  	_ =	shalt  }
0x61: {  	_ =	shalt  }
0x62: {  	_ =	shalt  }
0x63: {  	_ =	shalt  }
0x64: {  	_ =	shalt  }
0x65: {  	_ =	shalt  }
0x66: {  	_ =	shalt  }
0x67: {  	_ =	shalt  }
0x68: {  	_ =	shalt  }
0x69: {  	_ =	shalt  }
0x6a: {  	_ =	shalt  }
0x6b: {  	_ =	shalt  }
0x6c: {  	_ =	shalt  }
0x6d: {  	_ =	shalt  }
0x6e: {  	_ =	shalt  }
0x6f: {  	_ =	shalt  }
0x70: {  	_ =	shalt  }
0x71: {  	_ =	shalt  }
0x72: {  	_ =	shalt  }
0x73: {  	_ =	shalt  }
0x74: {  	_ =	shalt  }
0x75: {  	_ =	shalt  }
0x76: {  	_ =	shalt  }
0x77: {  	_ =	shalt  }
0x78: {  	_ =	shalt  }
0x79: {  	_ =	shalt  }
0x7a: {  	_ =	shalt  }
0x7b: {  	_ =	shalt  }
0x7c: {  	_ =	shalt  }
0x7d: {  	_ =	shalt  }
0x7e: {  	_ =	shalt  }
0x7f: {  	_ =	shalt  }
0x80: {  	_ =	shalt  }
0x81: {  	_ =	shalt  }
0x82: {  	_ =	shalt  }
0x83: {  	_ =	shalt  }
0x84: {  	_ =	shalt  }
0x85: {  	_ =	shalt  }
0x86: {  	_ =	shalt  }
0x87: {  	_ =	shalt  }
.Lfunc_end0:
.L_simem_size_0:
called_computation_lowered:
.L_overlay_start_0:
0x88: {  	s2 =	sld [smem:$0x3FD9]  }
0x89: {  	s3 =	sld [smem:$0x3FFE];
	_ =	sdelay $0x1  }
0x8a: {  	s1 =	srdreg.scid  }
0x8b: {  	s0 =	sand.u32 $0x1, s1  }
0x8c: {  	s16 =	sshll.u32 s0, $0xA;
	s2 =	sadd.s32 s3, s2  }
0x8d: {  	s2 =	sadd.s32 s2, s16  }
0x8e: {  	[smem:$0x3FC3] =	sst s2  }
0x8f: {  	_ = 	snop  }
0x90: {  	(tm) =	ssettm $0x1  }
0x91: {  	s17 =	sld [smem:$0x3FFB];
	_ =	sdelay $0x3  }
0x92: {  	_ =	strace s17  }
0x93: {  	s2 =	sld [smem:$0x3FFC];
	_ =	sdelay $0x3  }
0x94: {  	_ =	strace s2  }
0x95: {  	s2 =	sld [smem:$0x3FFD];
	_ =	sdelay $0x3  }
0x96: {  	_ =	strace s2  }
0x97: {  	_ =	strace $0x8FFFFFFF  }
0x98: {  	s18 =	sld [smem:$0x3FDB];
	_ =	sdelay $0x1  }
0x99: {  	s19 =	simm.s32 $_scs_section_size  }
0x9a: {  	s4 =	simm.s32 $_size__tile_overlayer_lowered;
	s5 =	simm.s32 $_tile_overlayer_lowered  }
0x9b: {  	s22 =	simm.s32 $0x1BFF;
	s21 =	sshll.u32 s5, $0x1;
	s2 =	sadd.s32 s19, s18  }
0x9c: {  	s6 =	simm.s32 $0x0;
	s20 =	sshll.u32 s4, $0x1;
	s4 =	sadd.s32 s21, s2  }
0x9d: {  	[timem:s6], [sflag:s22] =	dma.local [hbm:s4], s20  }
0x9e: {  	_ =	swait.ge [sflag:s22], s20  }
0x9f: {  	s3 =	ssub.s32 $0x0, s20;
	[sflag:s22] =	ssyncset.done $0x0  }
0xa0: {  	[sflag:s22] =	ssyncadd.s32 s3;
	_ =	sdelay $0x1  }
0xa1: {  	s23 =	simm.s32 $0x1B8B  }
0xa2: {  	_ =	swait.ge [sflag:s23], $0x1  }
0xa3: {  	[sflag:s23] =	ssyncset.done $0x0  }
0xa4: {  	s25 =	simm.s32 $0x1B8E;
	s24 =	sld [smem:$0x3FFE];
	[sflag:s23] =	ssyncadd.s32 $0xFFFFFFFF  }
0xa5: {  	s26 =	simm.s32 $execute0_lowered;
	[smem:$0x3FD2] =	sst s25  }
0xa6: {  	s4 =	sshll.u32 s26, $0x1;
	_ =	strace $0x80000046;
	[dreg:$0x1] =	wrdreg $0xFFFFFFFF  }
0xa7: {  	s28 =	simm.s32 $_size_execute0_lowered;
	s2 =	sadd.s32 s2, s4;
	[dreg:$0x0] =	wrdreg $0x0  }
0xa8: {  	s4 =	sshll.u32 s28, $0x1;
	[dreg:$0x2] =	wrdreg s2  }
0xa9: {  	[dreg:$0x3] =	wrdreg s4  }
0xaa: {  	[dreg:$0x4] =	wrdreg $0xC0  }
0xab: {  	_ =	task [dreg:s6], $0x5FFFF  }
0xac: {  	[dreg:$0x1] =	wrdreg $0xFFFFFFFF  }
0xad: {  	[dreg:$0x0] =	wrdreg $0x60  }
0xae: {  	[dreg:$0x2] =	wrdreg s24  }
0xaf: {  	[dreg:$0x3] =	wrdreg $0x9  }
0xb0: {  	_ =	task.clear_ibuf [dreg:s6], $0x4FFFF;
	_ =	strace $0x90000046  }
0xb1: {  	s29 =	simm.s32 $0x9;
	_ =	strace $0x80000048  }
0xb2: {  	_ =	swait.ge [sflag:s29], $0x1  }
0xb3: {  	[sflag:s29] =	ssyncadd.s32 $0xFFFFFFFF  }
0xb4: {  	_ =	strace $0x90000048  }
0xb5: {  	_ =	sfence  }
0xb6: {  	s30 =	sld [smem:$0x0];
	_ =	sdelay $0x2  }
0xb7: {  	s31 =	sshll.u32 s1, $0xD;
	s1 =	sshrl.u32 s1, $0x2  }
0xb8: {  	s3 =	sand.u32 $0x4000, s31;
	s1 =	sadd.s32 s1, s30  }
0xb9: {  	s0 =	sor.u32 s3, s0;
	s1 =	sshll.u32 s1, $0x11  }
0xba: {  	s0 =	sor.u32 s1, s0  }
0xbb: {  	s0 =	sadd.s32 $0x8F2B, s0  }
0xbc: {  	[sflag:s0] =	ssyncadd.remote.s32 $0x1  }
0xbd: {  	_ =	sfence.sel $0xFFFF  }
0xbe: {  	[dreg:$0x0] =	wrdreg $0xFFFFFFFF;
	(pc) =	sbr.abs _section_cstart, $3  }
0xbf: {  	[dreg:$0x1] =	wrdreg $0xFFFFFFFF  }
0xc0: {  	_ =	task.clear_ibuf [dreg:s6], $0x2FFFF;
	_ =	strace $0x9FFFFFFF  }
0xc1: {  	(tm) =	ssettm $0x7FFFFFFF  }
tec
execute0_lowered:
.L_overlay_start_1:
0x0: {  	(tag) =	ssettag $0x1  }
0x1: {  	s0 =	srdreg.scid;
	s4 =	rddreg [dreg:$0x0];
	s2 =	simm.s32 $0x0  }
0x2: {  	s15 =	simm.s32 $0x1;
	s16 =	simm.s32 $0x2710;
	s17 =	simm.s32 $0x2AF8  }
0x3: {  	s18 =	simm.s32 $0x2EE0;
	s19 =	simm.s32 $0x32C8;
	s20 =	simm.s32 $0x36B0  }
0x4: {  	s21 =	simm.s32 $0x3A98;
	s22 =	simm.s32 $0x3E80;
	s3 =	sand.u32 $0x1, s0  }
0x5: {  	s23 =	simm.s32 $0x4268;
	s0 =	stileid.u32;
	s1 =	sshll.u32 s3, $0x4  }
0x6: {  	s24 =	simm.s32 $0x4650;
	s25 =	simm.s32 $0x4A38;
	s5 =	sor.u32 s0, s1  }
0x7: {  	s26 =	simm.s32 $0x0;
	[smem:$0x7FF] =	sst s2;
	s6 =	smul.u32 $0x3E8, s5  }
0x8: {  	s3 =	ssub.s32 $0x2, s3;
	s1 =	rddreg [dreg:$0x1];
	s5 =	smul.u32 $0x4E2, s5  }
0x9: {  	_ =	strace $0x80000047;
	s7 =	sshrl.u32 s3, $0x1;
	s6 =	sshrl.u32 s6, $0x3  }
0xa: {  	s14 =	ssub.s32 s3, s7;
	s5 =	sadd.s32 s5, s4;
	s13 =	sadd.s32 s6, s4  }
0xb: {  	s14 =	smax.u32 s14, $0x1;
	s3 =	sadd.s32 $0x1600, s5;
	s4 =	sadd.s32 $0xB400, s13  }
0xc: {  	s5 =	sadd.s32 $0xC3A0, s13;
	s6 =	sadd.s32 $0xD340, s13;
	s7 =	sadd.s32 $0xE2E0, s13  }
0xd: {  	s8 =	sadd.s32 $0xF280, s13;
	s9 =	sadd.s32 $0x10220, s13;
	s10 =	sadd.s32 $0x111C0, s13  }
0xe: {  	v0 =	vimm.f32 $0.0e+00;
	v1 =	vimm.f32 $1.000000000e+00;
	s11 =	sadd.s32 $0x12160, s13;
	s12 =	sadd.s32 $0x13100, s13;
	s13 =	sadd.s32 $0x140A0, s13  }
.LBB2_1:
0xf: {  	[tilespmem:s2], [sflag:$0x1] =	stream.linear.gather [hbm4b:s3+s2], $0x2710, $0x38;
	[tilespmem:$0x4E20] =	vst v63  }
0x10: {  	_ =	swait.ge [sflag:s15], $0x2710  }
0x11: {  	[sflag:s15] =	ssyncset.done $0x0  }
0x12: {  	s28 =	simm.s32 $0x0;
	[sflag:s15] =	ssyncadd.s32 $0xFFFFD8F0  }
.LBB2_2:
0x13: {  	p0 =	sne.s32 s28, $0x9C00  }
.Ltmp0:
0x14: {  	_ = 	snop;
	(pc) =	sbr.rel @p0 .LBB2_2-.Ltmp0, $3  }
0x15: {  	_ =	sdelay $0x1  }
0x16: {  	s29 =	sshra.s32 s28, $0x2  }
0x17: {  	s28 =	sadd.s32 $0x40, s28;
	[tilespmem:s29+$0x2710] =	vst v0  }
0x18: {  	s29 =	simm.s32 $0x0;
	s28 =	simm.s32 $0x40  }
.LBB2_4:
0x19: {  	p0 =	sne.s32 s28, $0x9C00;
	v2 =	vld [tilespmem:s29+$0x0];
	_ =	sdelay $0x3  }
.Ltmp1:
0x1a: {  	(pc) =	sbr.rel @p0 .LBB2_4-.Ltmp1, $2  }
0x1b: {  	_ =	sdelay $0x2  }
0x1c: {  	s29 =	sshra.s32 s28, $0x2;
	s28 =	sadd.s32 $0x40, s28;
	[tilespmem:v2+s16+$0x0] =	vst.idx.add.f32.msk $0xffff, v1  }
0x1d: {  	v2 =	vld [tilespmem:s29+$0x0];
	_ =	sdelay $0x7  }
0x1e: {  	[tilespmem:v2+s16+$0x0] =	vst.idx.add.f32.msk $0xffff, v1  }
0x1f: {  	[hbm4b:s4+s2] =	stream.linear.scatter [tilespmem:s16], [sflag:$0x1], $0x3E8, $0x38;
	[tilespmem:$0x4E20] =	vst v63  }
0x20: {  	_ =	swait.ge [sflag:s15], $0x3E8  }
0x21: {  	[sflag:s15] =	ssyncset.done $0x0  }
0x22: {  	[sflag:s15] =	ssyncadd.s32 $0xFFFFFC18  }
0x23: {  	[hbm4b:s5+s2] =	stream.linear.scatter [tilespmem:s17], [sflag:$0x1], $0x3E8, $0x38;
	[tilespmem:$0x4E20] =	vst v63  }
0x24: {  	_ =	swait.ge [sflag:s15], $0x3E8  }
0x25: {  	[sflag:s15] =	ssyncset.done $0x0  }
0x26: {  	[sflag:s15] =	ssyncadd.s32 $0xFFFFFC18  }
0x27: {  	[hbm4b:s6+s2] =	stream.linear.scatter [tilespmem:s18], [sflag:$0x1], $0x3E8, $0x38;
	[tilespmem:$0x4E20] =	vst v63  }
0x28: {  	_ =	swait.ge [sflag:s15], $0x3E8  }
0x29: {  	[sflag:s15] =	ssyncset.done $0x0  }
0x2a: {  	[sflag:s15] =	ssyncadd.s32 $0xFFFFFC18  }
0x2b: {  	[hbm4b:s7+s2] =	stream.linear.scatter [tilespmem:s19], [sflag:$0x1], $0x3E8, $0x38;
	[tilespmem:$0x4E20] =	vst v63  }
0x2c: {  	_ =	swait.ge [sflag:s15], $0x3E8  }
0x2d: {  	[sflag:s15] =	ssyncset.done $0x0  }
0x2e: {  	[sflag:s15] =	ssyncadd.s32 $0xFFFFFC18  }
0x2f: {  	[hbm4b:s8+s2] =	stream.linear.scatter [tilespmem:s20], [sflag:$0x1], $0x3E8, $0x38;
	[tilespmem:$0x4E20] =	vst v63  }
0x30: {  	_ =	swait.ge [sflag:s15], $0x3E8  }
0x31: {  	[sflag:s15] =	ssyncset.done $0x0  }
0x32: {  	[sflag:s15] =	ssyncadd.s32 $0xFFFFFC18  }
0x33: {  	[hbm4b:s9+s2] =	stream.linear.scatter [tilespmem:s21], [sflag:$0x1], $0x3E8, $0x38;
	[tilespmem:$0x4E20] =	vst v63  }
0x34: {  	_ =	swait.ge [sflag:s15], $0x3E8  }
0x35: {  	[sflag:s15] =	ssyncset.done $0x0  }
0x36: {  	[sflag:s15] =	ssyncadd.s32 $0xFFFFFC18  }
0x37: {  	[hbm4b:s10+s2] =	stream.linear.scatter [tilespmem:s22], [sflag:$0x1], $0x3E8, $0x38;
	[tilespmem:$0x4E20] =	vst v63  }
0x38: {  	_ =	swait.ge [sflag:s15], $0x3E8  }
0x39: {  	[sflag:s15] =	ssyncset.done $0x0  }
0x3a: {  	[sflag:s15] =	ssyncadd.s32 $0xFFFFFC18  }
0x3b: {  	[hbm4b:s11+s2] =	stream.linear.scatter [tilespmem:s23], [sflag:$0x1], $0x3E8, $0x38;
	[tilespmem:$0x4E20] =	vst v63  }
0x3c: {  	_ =	swait.ge [sflag:s15], $0x3E8  }
0x3d: {  	[sflag:s15] =	ssyncset.done $0x0  }
0x3e: {  	[sflag:s15] =	ssyncadd.s32 $0xFFFFFC18  }
0x3f: {  	[hbm4b:s12+s2] =	stream.linear.scatter [tilespmem:s24], [sflag:$0x1], $0x3E8, $0x38;
	[tilespmem:$0x4E20] =	vst v63  }
0x40: {  	s26 =	sadd.s32 $0x1, s26;
	_ =	swait.ge [sflag:s15], $0x3E8  }
0x41: {  	p0 =	sne.s32 s26, s14;
	[sflag:s15] =	ssyncset.done $0x0  }
.Ltmp2:
0x42: {  	[sflag:s15] =	ssyncadd.s32 $0xFFFFFC18;
	(pc) =	sbr.rel @p0 .LBB2_1-.Ltmp2, $4  }
0x43: {  	[hbm4b:s13+s2] =	stream.linear.scatter [tilespmem:s25], [sflag:$0x1], $0x3E8, $0x38;
	[tilespmem:$0x4E20] =	vst v63  }
0x44: {  	_ =	swait.ge [sflag:s15], $0x3E8  }
0x45: {  	[sflag:s15] =	ssyncset.done $0x0  }
0x46: {  	[sflag:s15] =	ssyncadd.s32 $0xFFFFFC18  }
0x47: {  	_ =	sfence.sel $0x180000  }
0x48: {  	[bflag:$0x0] =	sbarrier.arrive $0xFFFF  }
0x49: {  	p0 =	sne.s32 s0, $0x0;
	_ =	strace $0x90000047  }
0x4a: {  	s0 =	sadd.s32 @!p0 $0x100000, s1;
	[bflag:$0x2] =	sbarrier.arrive $0xFFFF  }
0x4b: {  	[sflag:s0] =	ssyncadd.tile.s32 @!p0 $0x1;
	_ =	shalt  }
.Lfunc_end2:
_tile_overlayer_lowered:
.L_overlay_start_2:
0x4c: {  	(tag) =	ssettag $0x2  }
0x4d: {  	s0 =	rddreg [dreg:$0x0];
	s2 =	stileid.u32  }
0x4e: {  	s1 =	rddreg [dreg:$0x1];
	p0 =	sne.s32 s2, $0x0  }
0x4f: {  	s3 =	rddreg [dreg:$0x2];
	[bflag:$0x3] =	sbarrier.arrive $0xFFFF;
	s2 =	simm.s32 @!p0 $0x1C01  }
0x50: {  	[timem:s3], [sflag:s2] =	dma.local @!p0 [hbm:s0], s1  }
0x51: {  	s0 =	simm.s32 @!p0 $0x1  }
0x52: {  	_ =	swait.ge @!p0 [sflag:s0], s1  }
0x53: {  	s1 =	ssub.s32 @!p0 $0x0, s1;
	[sflag:s0] =	ssyncset.done @!p0 $0x0  }
0x54: {  	[sflag:s0] =	ssyncadd.s32 @!p0 s1  }
0x55: {  	[bflag:$0x3] =	sbarrier.arrive $0xFFFF  }
0x56: {  	_ =	shalt  }

</sc_bundles>
